<compile_context>
chip_gen: v7x
topology: tpu7x:2x2x1
jax: 0.10.2.dev20260603
libtpu: 0.0.44.dev20260713+nightly
codegen_flags: <defaults>
</compile_context>

<pallas_src>
import functools

import jax
import jax.numpy as jnp
from jax import lax
from jax.experimental import pallas as pl
from jax.experimental.pallas import tpu as pltpu
from jax.experimental.pallas import tpu_sc as plsc

_NUM_CORES = 2
_NUM_SUBCORES = 16
_NUM_WORKERS = _NUM_CORES * _NUM_SUBCORES

_BS_PER_CHUNK = 4
_NBUF = 4


def _gather_kernel(n_chunks, bpc, hist, hist_pad, ids_hbm, table_hbm, out_hbm,
                   idx_v, rows_v, gsems, wsems):
  wid = lax.axis_index("s") * _NUM_CORES + lax.axis_index("c")
  bs_per_worker = n_chunks * bpc
  b_base = wid * bs_per_worker
  dim = table_hbm.shape[-1]

  pltpu.sync_copy(ids_hbm.at[pl.ds(b_base, bs_per_worker)], idx_v)

  def start_gather(j, b):
    for k in range(bpc):
      pltpu.async_copy(table_hbm.at[idx_v.at[j * bpc + k]],
                       rows_v.at[b, k], gsems[b])

  def wait_gather(j, b):
    for k in range(bpc):
      pltpu.make_async_copy(table_hbm.at[idx_v.at[j * bpc + k]],
                            rows_v.at[b, k], gsems[b]).wait()

  def out_slice(j, k):
    row0 = (b_base + j * bpc + k) * hist_pad
    return out_hbm.at[pl.ds(row0, hist), pl.ds(0, dim)]

  def start_write(j, b):
    for k in range(bpc):
      pltpu.async_copy(rows_v.at[b, k], out_slice(j, k), wsems[b])

  def wait_write(j, b):
    for k in range(bpc):
      pltpu.make_async_copy(rows_v.at[b, k], out_slice(j, k), wsems[b]).wait()

  for b in range(_NBUF):
    start_gather(b, b)

  n_groups = n_chunks // _NBUF

  @pl.loop(0, n_groups - 1)
  def _(g):
    first = g * _NBUF
    for b in range(_NBUF):
      wait_gather(first + b, b)
      start_write(first + b, b)
    for b in range(_NBUF):
      wait_write(first + b, b)
      start_gather(first + _NBUF + b, b)

  last = (n_groups - 1) * _NBUF
  for b in range(_NBUF):
    wait_gather(last + b, b)
    start_write(last + b, b)
  for b in range(_NBUF):
    wait_write(last + b, b)


def kernel(relation_ids, table):
  batch, hist = relation_ids.shape
  vocab, dim = table.shape
  hist_pad = (hist + 7) // 8 * 8
  dim_pad = 128
  assert batch % (_NUM_WORKERS * _BS_PER_CHUNK * _NBUF) == 0
  bs_per_worker = batch // _NUM_WORKERS
  n_chunks = bs_per_worker // _BS_PER_CHUNK

  ids = relation_ids.astype(jnp.int32)

  mesh = plsc.VectorSubcoreMesh(core_axis_name="c", subcore_axis_name="s")
  grab = pl.kernel(
      functools.partial(_gather_kernel, n_chunks, _BS_PER_CHUNK, hist,
                        hist_pad),
      out_type=jax.ShapeDtypeStruct((batch * hist_pad, dim_pad), jnp.float32),
      mesh=mesh,
      scratch_types=[
          pltpu.VMEM((bs_per_worker, hist), jnp.int32),
          pltpu.VMEM((_NBUF, _BS_PER_CHUNK, hist, dim), jnp.float32),
          [pltpu.SemaphoreType.DMA] * _NBUF,
          [pltpu.SemaphoreType.DMA] * _NBUF,
      ],
      compiler_params=pltpu.CompilerParams(use_tc_tiling_on_sc=False),
  )
  out = grab(ids, table)
  return out.reshape(batch, hist_pad, dim_pad)[:, :hist, :dim]

# --- scband reference (transcript-rebuilt; emitter-appended) ---
"""Pipeline reference for scband-relation-embedding-64330020160139 (READ-ONLY COPY).

The authoritative reference and input builder live on the scoring server;
editing this copy changes nothing except your own understanding.
"""

import jax, jax.numpy as jnp
import numpy as np

NUM_RELATIONS = 100000
EMBED_DIM = 64
BATCH = 16384
HIST = 50

def setup_inputs(seed: int = 0) -> dict:
    key = jax.random.key(seed)
    k_idx, k_tab = jax.random.split(key)
    relation_ids = jax.random.randint(k_idx, (BATCH, HIST), 0, NUM_RELATIONS, dtype=jnp.int64 if jax.config.jax_enable_x64 else jnp.int32)
    table = jax.random.normal(k_tab, (NUM_RELATIONS, EMBED_DIM), dtype=jnp.float32)
    return {"relation_ids": relation_ids, "table": table}

def reference(relation_ids, table):
    # nn.Embedding forward: gather rows of the table by index
    return jnp.take(table, relation_ids, axis=0)

if __name__ == "__main__":
    import jax
    _d = setup_inputs()
    print(jax.jit(kernel)(*tuple(_d.values())))

</pallas_src>

<mosaic_0001>
#map = affine_map<(d0, d1) -> (0, 0)>
module attributes {stable_mosaic.version = 14 : i64} {
  func.func @_gather_kernel(%arg0: i32, %arg1: i32, %arg2: memref<16384x50xi32, #tpu.memory_space<hbm>>, %arg3: memref<100000x64xf32, #tpu.memory_space<hbm>>, %arg4: memref<917504x128xf32, #tpu.memory_space<hbm>>, %arg5: memref<512x50xi32, #tpu.memory_space<vmem>>, %arg6: memref<4x4x50x64xf32, #tpu.memory_space<vmem>>, %arg7: memref<!tpu.dma_semaphore, #tpu.memory_space<semaphore_mem>>, %arg8: memref<!tpu.dma_semaphore, #tpu.memory_space<semaphore_mem>>, %arg9: memref<!tpu.dma_semaphore, #tpu.memory_space<semaphore_mem>>, %arg10: memref<!tpu.dma_semaphore, #tpu.memory_space<semaphore_mem>>, %arg11: memref<!tpu.dma_semaphore, #tpu.memory_space<semaphore_mem>>, %arg12: memref<!tpu.dma_semaphore, #tpu.memory_space<semaphore_mem>>, %arg13: memref<!tpu.dma_semaphore, #tpu.memory_space<semaphore_mem>>, %arg14: memref<!tpu.dma_semaphore, #tpu.memory_space<semaphore_mem>>) attributes {dimension_semantics = [#tpu.dimension_semantics<core_parallel>, #tpu.dimension_semantics<subcore_parallel>], iteration_bounds = array<i64: 2, 16>, scalar_prefetch = 0 : i64, scratch_operands = 10 : i64, tpu.core_type = #tpu.core_type<sc_vector_subcore>, window_params = [{transform_indices = #map}, {transform_indices = #map}, {transform_indices = #map}]} {
    %mul3A = arith.constant 2 : i32
    %mul3A_0 = arith.muli %arg1, %mul3A : i32
    %add3A = arith.addi %mul3A_0, %arg0 : i32
    %mul3A_1 = arith.constant 512 : i32
    %mul3A_2 = arith.muli %add3A, %mul3A_1 : i32
    "tpu.region"() ({
      %run_scoped3A = tpu.sem_alloc : memref<!tpu.dma_semaphore, #tpu.memory_space<semaphore_mem>>
      %dma_start3A_1061 = arith.constant 0 : i32
      %dma_start3A_1062 = tpu.memref_slice %arg2[%mul3A_2, %dma_start3A_1061] : memref<16384x50xi32, #tpu.memory_space<hbm>> -> memref<512x50xi32, #tpu.memory_space<hbm>>
      %dma_start3A_1063 = arith.constant 0 : i32
      %dma_start3A_1064 = tpu.memref_slice %arg2[%mul3A_2, %dma_start3A_1063] : memref<16384x50xi32, #tpu.memory_space<hbm>> -> memref<512x50xi32, #tpu.memory_space<hbm>>
      tpu.enqueue_dma source(%dma_start3A_1064 : memref<512x50xi32, #tpu.memory_space<hbm>>) target(%arg5 : memref<512x50xi32, #tpu.memory_space<vmem>>) target_semaphore(%run_scoped3A : memref<!tpu.dma_semaphore, #tpu.memory_space<semaphore_mem>>)
      %dma_wait3A_1065 = arith.constant 0 : i32
      %dma_wait3A_1066 = tpu.memref_slice %arg2[%mul3A_2, %dma_wait3A_1065] : memref<16384x50xi32, #tpu.memory_space<hbm>> -> memref<512x50xi32, #tpu.memory_space<hbm>>
      %dma_wait3A_1067 = arith.constant 0 : i32
      %dma_wait3A_1068 = tpu.memref_slice %arg2[%mul3A_2, %dma_wait3A_1067] : memref<16384x50xi32, #tpu.memory_space<hbm>> -> memref<512x50xi32, #tpu.memory_space<hbm>>
      tpu.wait_dma2 semaphore(%run_scoped3A : memref<!tpu.dma_semaphore, #tpu.memory_space<semaphore_mem>>) src(%dma_wait3A_1068 : memref<512x50xi32, #tpu.memory_space<hbm>>) dst(%arg5 : memref<512x50xi32, #tpu.memory_space<vmem>>)
      tpu.yield
    }) : () -> ()
    %dma_start3A = arith.constant 0 : i32
    %dma_start3A_3 = arith.constant 0 : i32
    %dma_start3A_4 = arith.constant 0 : i32
    %dma_start3A_5 = arith.constant 0 : i32
    %dma_start3A_6 = arith.constant 0 : i32
    %dma_start3A_7 = tpu.memref_slice %arg6[%dma_start3A_3, %dma_start3A_4, %dma_start3A_5, %dma_start3A_6] : memref<4x4x50x64xf32, #tpu.memory_space<vmem>> -> memref<1x1x50x64xf32, #tpu.memory_space<vmem>>
    %dma_start3A_8 = tpu.memref_squeeze %dma_start3A_7 : memref<1x1x50x64xf32, #tpu.memory_space<vmem>> -> memref<50x64xf32, #tpu.memory_space<vmem>>
    %dma_start3A_9 = arith.constant 0 : i32
    %dma_start3A_10 = tpu.memref_slice %arg5[%dma_start3A, %dma_start3A_9] : memref<512x50xi32, #tpu.memory_space<vmem>> -> memref<1x50xi32, #tpu.memory_space<vmem>>
    %dma_start3A_11 = tpu.memref_squeeze %dma_start3A_10 : memref<1x50xi32, #tpu.memory_space<vmem>> -> memref<50xi32, #tpu.memory_space<vmem>>
    %dma_start3A_12 = arith.constant 0 : i32
    %dma_start3A_13 = arith.constant 0 : i32
    %dma_start3A_14 = tpu.memref_slice %arg3[%dma_start3A_12, %dma_start3A_13] : memref<100000x64xf32, #tpu.memory_space<hbm>> -> memref<100000x64xf32, #tpu.memory_space<hbm>>
    tpu.enqueue_indirect_dma source(%dma_start3A_14 : memref<100000x64xf32, #tpu.memory_space<hbm>>) target(%dma_start3A_8 : memref<50x64xf32, #tpu.memory_space<vmem>>) offsets(%dma_start3A_11 : memref<50xi32, #tpu.memory_space<vmem>>) semaphore(%arg7 : memref<!tpu.dma_semaphore, #tpu.memory_space<semaphore_mem>>)
    %dma_start3A_15 = arith.constant 1 : i32
    %dma_start3A_16 = arith.constant 0 : i32
    %dma_start3A_17 = arith.constant 1 : i32
    %dma_start3A_18 = arith.constant 0 : i32
    %dma_start3A_19 = arith.constant 0 : i32
    %dma_start3A_20 = tpu.memref_slice %arg6[%dma_start3A_16, %dma_start3A_17, %dma_start3A_18, %dma_start3A_19] : memref<4x4x50x64xf32, #tpu.memory_space<vmem>> -> memref<1x1x50x64xf32, #tpu.memory_space<vmem>>
    %dma_start3A_21 = tpu.memref_squeeze %dma_start3A_20 : memref<1x1x50x64xf32, #tpu.memory_space<vmem>> -> memref<50x64xf32, #tpu.memory_space<vmem>>
    %dma_start3A_22 = arith.constant 0 : i32
    %dma_start3A_23 = tpu.memref_slice %arg5[%dma_start3A_15, %dma_start3A_22] : memref<512x50xi32, #tpu.memory_space<vmem>> -> memref<1x50xi32, #tpu.memory_space<vmem>>
    %dma_start3A_24 = tpu.memref_squeeze %dma_start3A_23 : memref<1x50xi32, #tpu.memory_space<vmem>> -> memref<50xi32, #tpu.memory_space<vmem>>
    %dma_start3A_25 = arith.constant 0 : i32
    %dma_start3A_26 = arith.constant 0 : i32
    %dma_start3A_27 = tpu.memref_slice %arg3[%dma_start3A_25, %dma_start3A_26] : memref<100000x64xf32, #tpu.memory_space<hbm>> -> memref<100000x64xf32, #tpu.memory_space<hbm>>
    tpu.enqueue_indirect_dma source(%dma_start3A_27 : memref<100000x64xf32, #tpu.memory_space<hbm>>) target(%dma_start3A_21 : memref<50x64xf32, #tpu.memory_space<vmem>>) offsets(%dma_start3A_24 : memref<50xi32, #tpu.memory_space<vmem>>) semaphore(%arg7 : memref<!tpu.dma_semaphore, #tpu.memory_space<semaphore_mem>>)
    %dma_start3A_28 = arith.constant 2 : i32
    %dma_start3A_29 = arith.constant 0 : i32
    %dma_start3A_30 = arith.constant 2 : i32
    %dma_start3A_31 = arith.constant 0 : i32
    %dma_start3A_32 = arith.constant 0 : i32
    %dma_start3A_33 = tpu.memref_slice %arg6[%dma_start3A_29, %dma_start3A_30, %dma_start3A_31, %dma_start3A_32] : memref<4x4x50x64xf32, #tpu.memory_space<vmem>> -> memref<1x1x50x64xf32, #tpu.memory_space<vmem>>
    %dma_start3A_34 = tpu.memref_squeeze %dma_start3A_33 : memref<1x1x50x64xf32, #tpu.memory_space<vmem>> -> memref<50x64xf32, #tpu.memory_space<vmem>>
    %dma_start3A_35 = arith.constant 0 : i32
    %dma_start3A_36 = tpu.memref_slice %arg5[%dma_start3A_28, %dma_start3A_35] : memref<512x50xi32, #tpu.memory_space<vmem>> -> memref<1x50xi32, #tpu.memory_space<vmem>>
    %dma_start3A_37 = tpu.memref_squeeze %dma_start3A_36 : memref<1x50xi32, #tpu.memory_space<vmem>> -> memref<50xi32, #tpu.memory_space<vmem>>
    %dma_start3A_38 = arith.constant 0 : i32
    %dma_start3A_39 = arith.constant 0 : i32
    %dma_start3A_40 = tpu.memref_slice %arg3[%dma_start3A_38, %dma_start3A_39] : memref<100000x64xf32, #tpu.memory_space<hbm>> -> memref<100000x64xf32, #tpu.memory_space<hbm>>
    tpu.enqueue_indirect_dma source(%dma_start3A_40 : memref<100000x64xf32, #tpu.memory_space<hbm>>) target(%dma_start3A_34 : memref<50x64xf32, #tpu.memory_space<vmem>>) offsets(%dma_start3A_37 : memref<50xi32, #tpu.memory_space<vmem>>) semaphore(%arg7 : memref<!tpu.dma_semaphore, #tpu.memory_space<semaphore_mem>>)
    %dma_start3A_41 = arith.constant 3 : i32
    %dma_start3A_42 = arith.constant 0 : i32
    %dma_start3A_43 = arith.constant 3 : i32
    %dma_start3A_44 = arith.constant 0 : i32
    %dma_start3A_45 = arith.constant 0 : i32
    %dma_start3A_46 = tpu.memref_slice %arg6[%dma_start3A_42, %dma_start3A_43, %dma_start3A_44, %dma_start3A_45] : memref<4x4x50x64xf32, #tpu.memory_space<vmem>> -> memref<1x1x50x64xf32, #tpu.memory_space<vmem>>
    %dma_start3A_47 = tpu.memref_squeeze %dma_start3A_46 : memref<1x1x50x64xf32, #tpu.memory_space<vmem>> -> memref<50x64xf32, #tpu.memory_space<vmem>>
    %dma_start3A_48 = arith.constant 0 : i32
    %dma_start3A_49 = tpu.memref_slice %arg5[%dma_start3A_41, %dma_start3A_48] : memref<512x50xi32, #tpu.memory_space<vmem>> -> memref<1x50xi32, #tpu.memory_space<vmem>>
    %dma_start3A_50 = tpu.memref_squeeze %dma_start3A_49 : memref<1x50xi32, #tpu.memory_space<vmem>> -> memref<50xi32, #tpu.memory_space<vmem>>
    %dma_start3A_51 = arith.constant 0 : i32
    %dma_start3A_52 = arith.constant 0 : i32
    %dma_start3A_53 = tpu.memref_slice %arg3[%dma_start3A_51, %dma_start3A_52] : memref<100000x64xf32, #tpu.memory_space<hbm>> -> memref<100000x64xf32, #tpu.memory_space<hbm>>
    tpu.enqueue_indirect_dma source(%dma_start3A_53 : memref<100000x64xf32, #tpu.memory_space<hbm>>) target(%dma_start3A_47 : memref<50x64xf32, #tpu.memory_space<vmem>>) offsets(%dma_start3A_50 : memref<50xi32, #tpu.memory_space<vmem>>) semaphore(%arg7 : memref<!tpu.dma_semaphore, #tpu.memory_space<semaphore_mem>>)
    %dma_start3A_54 = arith.constant 4 : i32
    %dma_start3A_55 = arith.constant 1 : i32
    %dma_start3A_56 = arith.constant 0 : i32
    %dma_start3A_57 = arith.constant 0 : i32
    %dma_start3A_58 = arith.constant 0 : i32
    %dma_start3A_59 = tpu.memref_slice %arg6[%dma_start3A_55, %dma_start3A_56, %dma_start3A_57, %dma_start3A_58] : memref<4x4x50x64xf32, #tpu.memory_space<vmem>> -> memref<1x1x50x64xf32, #tpu.memory_space<vmem>>
    %dma_start3A_60 = tpu.memref_squeeze %dma_start3A_59 : memref<1x1x50x64xf32, #tpu.memory_space<vmem>> -> memref<50x64xf32, #tpu.memory_space<vmem>>
    %dma_start3A_61 = arith.constant 0 : i32
    %dma_start3A_62 = tpu.memref_slice %arg5[%dma_start3A_54, %dma_start3A_61] : memref<512x50xi32, #tpu.memory_space<vmem>> -> memref<1x50xi32, #tpu.memory_space<vmem>>
    %dma_start3A_63 = tpu.memref_squeeze %dma_start3A_62 : memref<1x50xi32, #tpu.memory_space<vmem>> -> memref<50xi32, #tpu.memory_space<vmem>>
    %dma_start3A_64 = arith.constant 0 : i32
    %dma_start3A_65 = arith.constant 0 : i32
    %dma_start3A_66 = tpu.memref_slice %arg3[%dma_start3A_64, %dma_start3A_65] : memref<100000x64xf32, #tpu.memory_space<hbm>> -> memref<100000x64xf32, #tpu.memory_space<hbm>>
    tpu.enqueue_indirect_dma source(%dma_start3A_66 : memref<100000x64xf32, #tpu.memory_space<hbm>>) target(%dma_start3A_60 : memref<50x64xf32, #tpu.memory_space<vmem>>) offsets(%dma_start3A_63 : memref<50xi32, #tpu.memory_space<vmem>>) semaphore(%arg8 : memref<!tpu.dma_semaphore, #tpu.memory_space<semaphore_mem>>)
    %dma_start3A_67 = arith.constant 5 : i32
    %dma_start3A_68 = arith.constant 1 : i32
    %dma_start3A_69 = arith.constant 1 : i32
    %dma_start3A_70 = arith.constant 0 : i32
    %dma_start3A_71 = arith.constant 0 : i32
    %dma_start3A_72 = tpu.memref_slice %arg6[%dma_start3A_68, %dma_start3A_69, %dma_start3A_70, %dma_start3A_71] : memref<4x4x50x64xf32, #tpu.memory_space<vmem>> -> memref<1x1x50x64xf32, #tpu.memory_space<vmem>>
    %dma_start3A_73 = tpu.memref_squeeze %dma_start3A_72 : memref<1x1x50x64xf32, #tpu.memory_space<vmem>> -> memref<50x64xf32, #tpu.memory_space<vmem>>
    %dma_start3A_74 = arith.constant 0 : i32
    %dma_start3A_75 = tpu.memref_slice %arg5[%dma_start3A_67, %dma_start3A_74] : memref<512x50xi32, #tpu.memory_space<vmem>> -> memref<1x50xi32, #tpu.memory_space<vmem>>
    %dma_start3A_76 = tpu.memref_squeeze %dma_start3A_75 : memref<1x50xi32, #tpu.memory_space<vmem>> -> memref<50xi32, #tpu.memory_space<vmem>>
    %dma_start3A_77 = arith.constant 0 : i32
    %dma_start3A_78 = arith.constant 0 : i32
    %dma_start3A_79 = tpu.memref_slice %arg3[%dma_start3A_77, %dma_start3A_78] : memref<100000x64xf32, #tpu.memory_space<hbm>> -> memref<100000x64xf32, #tpu.memory_space<hbm>>
    tpu.enqueue_indirect_dma source(%dma_start3A_79 : memref<100000x64xf32, #tpu.memory_space<hbm>>) target(%dma_start3A_73 : memref<50x64xf32, #tpu.memory_space<vmem>>) offsets(%dma_start3A_76 : memref<50xi32, #tpu.memory_space<vmem>>) semaphore(%arg8 : memref<!tpu.dma_semaphore, #tpu.memory_space<semaphore_mem>>)
    %dma_start3A_80 = arith.constant 6 : i32
    %dma_start3A_81 = arith.constant 1 : i32
    %dma_start3A_82 = arith.constant 2 : i32
    %dma_start3A_83 = arith.constant 0 : i32
    %dma_start3A_84 = arith.constant 0 : i32
    %dma_start3A_85 = tpu.memref_slice %arg6[%dma_start3A_81, %dma_start3A_82, %dma_start3A_83, %dma_start3A_84] : memref<4x4x50x64xf32, #tpu.memory_space<vmem>> -> memref<1x1x50x64xf32, #tpu.memory_space<vmem>>
    %dma_start3A_86 = tpu.memref_squeeze %dma_start3A_85 : memref<1x1x50x64xf32, #tpu.memory_space<vmem>> -> memref<50x64xf32, #tpu.memory_space<vmem>>
    %dma_start3A_87 = arith.constant 0 : i32
    %dma_start3A_88 = tpu.memref_slice %arg5[%dma_start3A_80, %dma_start3A_87] : memref<512x50xi32, #tpu.memory_space<vmem>> -> memref<1x50xi32, #tpu.memory_space<vmem>>
    %dma_start3A_89 = tpu.memref_squeeze %dma_start3A_88 : memref<1x50xi32, #tpu.memory_space<vmem>> -> memref<50xi32, #tpu.memory_space<vmem>>
    %dma_start3A_90 = arith.constant 0 : i32
    %dma_start3A_91 = arith.constant 0 : i32
    %dma_start3A_92 = tpu.memref_slice %arg3[%dma_start3A_90, %dma_start3A_91] : memref<100000x64xf32, #tpu.memory_space<hbm>> -> memref<100000x64xf32, #tpu.memory_space<hbm>>
    tpu.enqueue_indirect_dma source(%dma_start3A_92 : memref<100000x64xf32, #tpu.memory_space<hbm>>) target(%dma_start3A_86 : memref<50x64xf32, #tpu.memory_space<vmem>>) offsets(%dma_start3A_89 : memref<50xi32, #tpu.memory_space<vmem>>) semaphore(%arg8 : memref<!tpu.dma_semaphore, #tpu.memory_space<semaphore_mem>>)
    %dma_start3A_93 = arith.constant 7 : i32
    %dma_start3A_94 = arith.constant 1 : i32
    %dma_start3A_95 = arith.constant 3 : i32
    %dma_start3A_96 = arith.constant 0 : i32
    %dma_start3A_97 = arith.constant 0 : i32
    %dma_start3A_98 = tpu.memref_slice %arg6[%dma_start3A_94, %dma_start3A_95, %dma_start3A_96, %dma_start3A_97] : memref<4x4x50x64xf32, #tpu.memory_space<vmem>> -> memref<1x1x50x64xf32, #tpu.memory_space<vmem>>
    %dma_start3A_99 = tpu.memref_squeeze %dma_start3A_98 : memref<1x1x50x64xf32, #tpu.memory_space<vmem>> -> memref<50x64xf32, #tpu.memory_space<vmem>>
    %dma_start3A_100 = arith.constant 0 : i32
    %dma_start3A_101 = tpu.memref_slice %arg5[%dma_start3A_93, %dma_start3A_100] : memref<512x50xi32, #tpu.memory_space<vmem>> -> memref<1x50xi32, #tpu.memory_space<vmem>>
    %dma_start3A_102 = tpu.memref_squeeze %dma_start3A_101 : memref<1x50xi32, #tpu.memory_space<vmem>> -> memref<50xi32, #tpu.memory_space<vmem>>
    %dma_start3A_103 = arith.constant 0 : i32
    %dma_start3A_104 = arith.constant 0 : i32
    %dma_start3A_105 = tpu.memref_slice %arg3[%dma_start3A_103, %dma_start3A_104] : memref<100000x64xf32, #tpu.memory_space<hbm>> -> memref<100000x64xf32, #tpu.memory_space<hbm>>
    tpu.enqueue_indirect_dma source(%dma_start3A_105 : memref<100000x64xf32, #tpu.memory_space<hbm>>) target(%dma_start3A_99 : memref<50x64xf32, #tpu.memory_space<vmem>>) offsets(%dma_start3A_102 : memref<50xi32, #tpu.memory_space<vmem>>) semaphore(%arg8 : memref<!tpu.dma_semaphore, #tpu.memory_space<semaphore_mem>>)
    %dma_start3A_106 = arith.constant 8 : i32
    %dma_start3A_107 = arith.constant 2 : i32
    %dma_start3A_108 = arith.constant 0 : i32
    %dma_start3A_109 = arith.constant 0 : i32
    %dma_start3A_110 = arith.constant 0 : i32
    %dma_start3A_111 = tpu.memref_slice %arg6[%dma_start3A_107, %dma_start3A_108, %dma_start3A_109, %dma_start3A_110] : memref<4x4x50x64xf32, #tpu.memory_space<vmem>> -> memref<1x1x50x64xf32, #tpu.memory_space<vmem>>
    %dma_start3A_112 = tpu.memref_squeeze %dma_start3A_111 : memref<1x1x50x64xf32, #tpu.memory_space<vmem>> -> memref<50x64xf32, #tpu.memory_space<vmem>>
    %dma_start3A_113 = arith.constant 0 : i32
    %dma_start3A_114 = tpu.memref_slice %arg5[%dma_start3A_106, %dma_start3A_113] : memref<512x50xi32, #tpu.memory_space<vmem>> -> memref<1x50xi32, #tpu.memory_space<vmem>>
    %dma_start3A_115 = tpu.memref_squeeze %dma_start3A_114 : memref<1x50xi32, #tpu.memory_space<vmem>> -> memref<50xi32, #tpu.memory_space<vmem>>
    %dma_start3A_116 = arith.constant 0 : i32
    %dma_start3A_117 = arith.constant 0 : i32
    %dma_start3A_118 = tpu.memref_slice %arg3[%dma_start3A_116, %dma_start3A_117] : memref<100000x64xf32, #tpu.memory_space<hbm>> -> memref<100000x64xf32, #tpu.memory_space<hbm>>
    tpu.enqueue_indirect_dma source(%dma_start3A_118 : memref<100000x64xf32, #tpu.memory_space<hbm>>) target(%dma_start3A_112 : memref<50x64xf32, #tpu.memory_space<vmem>>) offsets(%dma_start3A_115 : memref<50xi32, #tpu.memory_space<vmem>>) semaphore(%arg9 : memref<!tpu.dma_semaphore, #tpu.memory_space<semaphore_mem>>)
    %dma_start3A_119 = arith.constant 9 : i32
    %dma_start3A_120 = arith.constant 2 : i32
    %dma_start3A_121 = arith.constant 1 : i32
    %dma_start3A_122 = arith.constant 0 : i32
    %dma_start3A_123 = arith.constant 0 : i32
    %dma_start3A_124 = tpu.memref_slice %arg6[%dma_start3A_120, %dma_start3A_121, %dma_start3A_122, %dma_start3A_123] : memref<4x4x50x64xf32, #tpu.memory_space<vmem>> -> memref<1x1x50x64xf32, #tpu.memory_space<vmem>>
    %dma_start3A_125 = tpu.memref_squeeze %dma_start3A_124 : memref<1x1x50x64xf32, #tpu.memory_space<vmem>> -> memref<50x64xf32, #tpu.memory_space<vmem>>
    %dma_start3A_126 = arith.constant 0 : i32
    %dma_start3A_127 = tpu.memref_slice %arg5[%dma_start3A_119, %dma_start3A_126] : memref<512x50xi32, #tpu.memory_space<vmem>> -> memref<1x50xi32, #tpu.memory_space<vmem>>
    %dma_start3A_128 = tpu.memref_squeeze %dma_start3A_127 : memref<1x50xi32, #tpu.memory_space<vmem>> -> memref<50xi32, #tpu.memory_space<vmem>>
    %dma_start3A_129 = arith.constant 0 : i32
    %dma_start3A_130 = arith.constant 0 : i32
    %dma_start3A_131 = tpu.memref_slice %arg3[%dma_start3A_129, %dma_start3A_130] : memref<100000x64xf32, #tpu.memory_space<hbm>> -> memref<100000x64xf32, #tpu.memory_space<hbm>>
    tpu.enqueue_indirect_dma source(%dma_start3A_131 : memref<100000x64xf32, #tpu.memory_space<hbm>>) target(%dma_start3A_125 : memref<50x64xf32, #tpu.memory_space<vmem>>) offsets(%dma_start3A_128 : memref<50xi32, #tpu.memory_space<vmem>>) semaphore(%arg9 : memref<!tpu.dma_semaphore, #tpu.memory_space<semaphore_mem>>)
    %dma_start3A_132 = arith.constant 10 : i32
    %dma_start3A_133 = arith.constant 2 : i32
    %dma_start3A_134 = arith.constant 2 : i32
    %dma_start3A_135 = arith.constant 0 : i32
    %dma_start3A_136 = arith.constant 0 : i32
    %dma_start3A_137 = tpu.memref_slice %arg6[%dma_start3A_133, %dma_start3A_134, %dma_start3A_135, %dma_start3A_136] : memref<4x4x50x64xf32, #tpu.memory_space<vmem>> -> memref<1x1x50x64xf32, #tpu.memory_space<vmem>>
    %dma_start3A_138 = tpu.memref_squeeze %dma_start3A_137 : memref<1x1x50x64xf32, #tpu.memory_space<vmem>> -> memref<50x64xf32, #tpu.memory_space<vmem>>
    %dma_start3A_139 = arith.constant 0 : i32
    %dma_start3A_140 = tpu.memref_slice %arg5[%dma_start3A_132, %dma_start3A_139] : memref<512x50xi32, #tpu.memory_space<vmem>> -> memref<1x50xi32, #tpu.memory_space<vmem>>
    %dma_start3A_141 = tpu.memref_squeeze %dma_start3A_140 : memref<1x50xi32, #tpu.memory_space<vmem>> -> memref<50xi32, #tpu.memory_space<vmem>>
    %dma_start3A_142 = arith.constant 0 : i32
    %dma_start3A_143 = arith.constant 0 : i32
    %dma_start3A_144 = tpu.memref_slice %arg3[%dma_start3A_142, %dma_start3A_143] : memref<100000x64xf32, #tpu.memory_space<hbm>> -> memref<100000x64xf32, #tpu.memory_space<hbm>>
    tpu.enqueue_indirect_dma source(%dma_start3A_144 : memref<100000x64xf32, #tpu.memory_space<hbm>>) target(%dma_start3A_138 : memref<50x64xf32, #tpu.memory_space<vmem>>) offsets(%dma_start3A_141 : memref<50xi32, #tpu.memory_space<vmem>>) semaphore(%arg9 : memref<!tpu.dma_semaphore, #tpu.memory_space<semaphore_mem>>)
    %dma_start3A_145 = arith.constant 11 : i32
    %dma_start3A_146 = arith.constant 2 : i32
    %dma_start3A_147 = arith.constant 3 : i32
    %dma_start3A_148 = arith.constant 0 : i32
    %dma_start3A_149 = arith.constant 0 : i32
    %dma_start3A_150 = tpu.memref_slice %arg6[%dma_start3A_146, %dma_start3A_147, %dma_start3A_148, %dma_start3A_149] : memref<4x4x50x64xf32, #tpu.memory_space<vmem>> -> memref<1x1x50x64xf32, #tpu.memory_space<vmem>>
    %dma_start3A_151 = tpu.memref_squeeze %dma_start3A_150 : memref<1x1x50x64xf32, #tpu.memory_space<vmem>> -> memref<50x64xf32, #tpu.memory_space<vmem>>
    %dma_start3A_152 = arith.constant 0 : i32
    %dma_start3A_153 = tpu.memref_slice %arg5[%dma_start3A_145, %dma_start3A_152] : memref<512x50xi32, #tpu.memory_space<vmem>> -> memref<1x50xi32, #tpu.memory_space<vmem>>
    %dma_start3A_154 = tpu.memref_squeeze %dma_start3A_153 : memref<1x50xi32, #tpu.memory_space<vmem>> -> memref<50xi32, #tpu.memory_space<vmem>>
    %dma_start3A_155 = arith.constant 0 : i32
    %dma_start3A_156 = arith.constant 0 : i32
    %dma_start3A_157 = tpu.memref_slice %arg3[%dma_start3A_155, %dma_start3A_156] : memref<100000x64xf32, #tpu.memory_space<hbm>> -> memref<100000x64xf32, #tpu.memory_space<hbm>>
    tpu.enqueue_indirect_dma source(%dma_start3A_157 : memref<100000x64xf32, #tpu.memory_space<hbm>>) target(%dma_start3A_151 : memref<50x64xf32, #tpu.memory_space<vmem>>) offsets(%dma_start3A_154 : memref<50xi32, #tpu.memory_space<vmem>>) semaphore(%arg9 : memref<!tpu.dma_semaphore, #tpu.memory_space<semaphore_mem>>)
    %dma_start3A_158 = arith.constant 12 : i32
    %dma_start3A_159 = arith.constant 3 : i32
    %dma_start3A_160 = arith.constant 0 : i32
    %dma_start3A_161 = arith.constant 0 : i32
    %dma_start3A_162 = arith.constant 0 : i32
    %dma_start3A_163 = tpu.memref_slice %arg6[%dma_start3A_159, %dma_start3A_160, %dma_start3A_161, %dma_start3A_162] : memref<4x4x50x64xf32, #tpu.memory_space<vmem>> -> memref<1x1x50x64xf32, #tpu.memory_space<vmem>>
    %dma_start3A_164 = tpu.memref_squeeze %dma_start3A_163 : memref<1x1x50x64xf32, #tpu.memory_space<vmem>> -> memref<50x64xf32, #tpu.memory_space<vmem>>
    %dma_start3A_165 = arith.constant 0 : i32
    %dma_start3A_166 = tpu.memref_slice %arg5[%dma_start3A_158, %dma_start3A_165] : memref<512x50xi32, #tpu.memory_space<vmem>> -> memref<1x50xi32, #tpu.memory_space<vmem>>
    %dma_start3A_167 = tpu.memref_squeeze %dma_start3A_166 : memref<1x50xi32, #tpu.memory_space<vmem>> -> memref<50xi32, #tpu.memory_space<vmem>>
    %dma_start3A_168 = arith.constant 0 : i32
    %dma_start3A_169 = arith.constant 0 : i32
    %dma_start3A_170 = tpu.memref_slice %arg3[%dma_start3A_168, %dma_start3A_169] : memref<100000x64xf32, #tpu.memory_space<hbm>> -> memref<100000x64xf32, #tpu.memory_space<hbm>>
    tpu.enqueue_indirect_dma source(%dma_start3A_170 : memref<100000x64xf32, #tpu.memory_space<hbm>>) target(%dma_start3A_164 : memref<50x64xf32, #tpu.memory_space<vmem>>) offsets(%dma_start3A_167 : memref<50xi32, #tpu.memory_space<vmem>>) semaphore(%arg10 : memref<!tpu.dma_semaphore, #tpu.memory_space<semaphore_mem>>)
    %dma_start3A_171 = arith.constant 13 : i32
    %dma_start3A_172 = arith.constant 3 : i32
    %dma_start3A_173 = arith.constant 1 : i32
    %dma_start3A_174 = arith.constant 0 : i32
    %dma_start3A_175 = arith.constant 0 : i32
    %dma_start3A_176 = tpu.memref_slice %arg6[%dma_start3A_172, %dma_start3A_173, %dma_start3A_174, %dma_start3A_175] : memref<4x4x50x64xf32, #tpu.memory_space<vmem>> -> memref<1x1x50x64xf32, #tpu.memory_space<vmem>>
    %dma_start3A_177 = tpu.memref_squeeze %dma_start3A_176 : memref<1x1x50x64xf32, #tpu.memory_space<vmem>> -> memref<50x64xf32, #tpu.memory_space<vmem>>
    %dma_start3A_178 = arith.constant 0 : i32
    %dma_start3A_179 = tpu.memref_slice %arg5[%dma_start3A_171, %dma_start3A_178] : memref<512x50xi32, #tpu.memory_space<vmem>> -> memref<1x50xi32, #tpu.memory_space<vmem>>
    %dma_start3A_180 = tpu.memref_squeeze %dma_start3A_179 : memref<1x50xi32, #tpu.memory_space<vmem>> -> memref<50xi32, #tpu.memory_space<vmem>>
    %dma_start3A_181 = arith.constant 0 : i32
    %dma_start3A_182 = arith.constant 0 : i32
    %dma_start3A_183 = tpu.memref_slice %arg3[%dma_start3A_181, %dma_start3A_182] : memref<100000x64xf32, #tpu.memory_space<hbm>> -> memref<100000x64xf32, #tpu.memory_space<hbm>>
    tpu.enqueue_indirect_dma source(%dma_start3A_183 : memref<100000x64xf32, #tpu.memory_space<hbm>>) target(%dma_start3A_177 : memref<50x64xf32, #tpu.memory_space<vmem>>) offsets(%dma_start3A_180 : memref<50xi32, #tpu.memory_space<vmem>>) semaphore(%arg10 : memref<!tpu.dma_semaphore, #tpu.memory_space<semaphore_mem>>)
    %dma_start3A_184 = arith.constant 14 : i32
    %dma_start3A_185 = arith.constant 3 : i32
    %dma_start3A_186 = arith.constant 2 : i32
    %dma_start3A_187 = arith.constant 0 : i32
    %dma_start3A_188 = arith.constant 0 : i32
    %dma_start3A_189 = tpu.memref_slice %arg6[%dma_start3A_185, %dma_start3A_186, %dma_start3A_187, %dma_start3A_188] : memref<4x4x50x64xf32, #tpu.memory_space<vmem>> -> memref<1x1x50x64xf32, #tpu.memory_space<vmem>>
    %dma_start3A_190 = tpu.memref_squeeze %dma_start3A_189 : memref<1x1x50x64xf32, #tpu.memory_space<vmem>> -> memref<50x64xf32, #tpu.memory_space<vmem>>
    %dma_start3A_191 = arith.constant 0 : i32
    %dma_start3A_192 = tpu.memref_slice %arg5[%dma_start3A_184, %dma_start3A_191] : memref<512x50xi32, #tpu.memory_space<vmem>> -> memref<1x50xi32, #tpu.memory_space<vmem>>
    %dma_start3A_193 = tpu.memref_squeeze %dma_start3A_192 : memref<1x50xi32, #tpu.memory_space<vmem>> -> memref<50xi32, #tpu.memory_space<vmem>>
    %dma_start3A_194 = arith.constant 0 : i32
    %dma_start3A_195 = arith.constant 0 : i32
    %dma_start3A_196 = tpu.memref_slice %arg3[%dma_start3A_194, %dma_start3A_195] : memref<100000x64xf32, #tpu.memory_space<hbm>> -> memref<100000x64xf32, #tpu.memory_space<hbm>>
    tpu.enqueue_indirect_dma source(%dma_start3A_196 : memref<100000x64xf32, #tpu.memory_space<hbm>>) target(%dma_start3A_190 : memref<50x64xf32, #tpu.memory_space<vmem>>) offsets(%dma_start3A_193 : memref<50xi32, #tpu.memory_space<vmem>>) semaphore(%arg10 : memref<!tpu.dma_semaphore, #tpu.memory_space<semaphore_mem>>)
    %dma_start3A_197 = arith.constant 15 : i32
    %dma_start3A_198 = arith.constant 3 : i32
    %dma_start3A_199 = arith.constant 3 : i32
    %dma_start3A_200 = arith.constant 0 : i32
    %dma_start3A_201 = arith.constant 0 : i32
    %dma_start3A_202 = tpu.memref_slice %arg6[%dma_start3A_198, %dma_start3A_199, %dma_start3A_200, %dma_start3A_201] : memref<4x4x50x64xf32, #tpu.memory_space<vmem>> -> memref<1x1x50x64xf32, #tpu.memory_space<vmem>>
    %dma_start3A_203 = tpu.memref_squeeze %dma_start3A_202 : memref<1x1x50x64xf32, #tpu.memory_space<vmem>> -> memref<50x64xf32, #tpu.memory_space<vmem>>
    %dma_start3A_204 = arith.constant 0 : i32
    %dma_start3A_205 = tpu.memref_slice %arg5[%dma_start3A_197, %dma_start3A_204] : memref<512x50xi32, #tpu.memory_space<vmem>> -> memref<1x50xi32, #tpu.memory_space<vmem>>
    %dma_start3A_206 = tpu.memref_squeeze %dma_start3A_205 : memref<1x50xi32, #tpu.memory_space<vmem>> -> memref<50xi32, #tpu.memory_space<vmem>>
    %dma_start3A_207 = arith.constant 0 : i32
    %dma_start3A_208 = arith.constant 0 : i32
    %dma_start3A_209 = tpu.memref_slice %arg3[%dma_start3A_207, %dma_start3A_208] : memref<100000x64xf32, #tpu.memory_space<hbm>> -> memref<100000x64xf32, #tpu.memory_space<hbm>>
    tpu.enqueue_indirect_dma source(%dma_start3A_209 : memref<100000x64xf32, #tpu.memory_space<hbm>>) target(%dma_start3A_203 : memref<50x64xf32, #tpu.memory_space<vmem>>) offsets(%dma_start3A_206 : memref<50xi32, #tpu.memory_space<vmem>>) semaphore(%arg10 : memref<!tpu.dma_semaphore, #tpu.memory_space<semaphore_mem>>)
    %scan3A = arith.constant 0 : i32
    %scan3A_210 = arith.constant 31 : i32
    %scan3A_211 = arith.addi %scan3A, %scan3A_210 : i32
    %scan3A_212 = arith.constant 1 : i32
    scf.for %scan3A_1061 = %scan3A to %scan3A_211 step %scan3A_212  : i32 {
      %mul3A_1062 = arith.constant 1 : i32
      %mul3A_1063 = arith.muli %scan3A_1061, %mul3A_1062 : i32
      %add3A_1064 = arith.constant 0 : i32
      %add3A_1065 = arith.addi %add3A_1064, %mul3A_1063 : i32
      %mul3A_1066 = arith.constant 4 : i32
      %mul3A_1067 = arith.muli %add3A_1065, %mul3A_1066 : i32
      %add3A_1068 = arith.constant 0 : i32
      %add3A_1069 = arith.addi %mul3A_1067, %add3A_1068 : i32
      %mul3A_1070 = arith.constant 4 : i32
      %mul3A_1071 = arith.muli %add3A_1069, %mul3A_1070 : i32
      %add3A_1072 = arith.constant 0 : i32
      %add3A_1073 = arith.addi %mul3A_1071, %add3A_1072 : i32
      %dma_wait3A_1074 = arith.constant 0 : i32
      %dma_wait3A_1075 = arith.constant 0 : i32
      %dma_wait3A_1076 = arith.constant 0 : i32
      %dma_wait3A_1077 = arith.constant 0 : i32
      %dma_wait3A_1078 = tpu.memref_slice %arg6[%dma_wait3A_1074, %dma_wait3A_1075, %dma_wait3A_1076, %dma_wait3A_1077] : memref<4x4x50x64xf32, #tpu.memory_space<vmem>> -> memref<1x1x50x64xf32, #tpu.memory_space<vmem>>
      %dma_wait3A_1079 = tpu.memref_squeeze %dma_wait3A_1078 : memref<1x1x50x64xf32, #tpu.memory_space<vmem>> -> memref<50x64xf32, #tpu.memory_space<vmem>>
      %dma_wait3A_1080 = arith.constant 0 : i32
      %dma_wait3A_1081 = tpu.memref_slice %arg5[%add3A_1073, %dma_wait3A_1080] : memref<512x50xi32, #tpu.memory_space<vmem>> -> memref<1x50xi32, #tpu.memory_space<vmem>>
      %dma_wait3A_1082 = tpu.memref_squeeze %dma_wait3A_1081 : memref<1x50xi32, #tpu.memory_space<vmem>> -> memref<50xi32, #tpu.memory_space<vmem>>
      %dma_wait3A_1083 = arith.constant 0 : i32
      %dma_wait3A_1084 = arith.constant 0 : i32
      %dma_wait3A_1085 = tpu.memref_slice %arg3[%dma_wait3A_1083, %dma_wait3A_1084] : memref<100000x64xf32, #tpu.memory_space<hbm>> -> memref<100000x64xf32, #tpu.memory_space<hbm>>
      tpu.wait_indirect_dma semaphore(%arg7 : memref<!tpu.dma_semaphore, #tpu.memory_space<semaphore_mem>>) src(%dma_wait3A_1085 : memref<100000x64xf32, #tpu.memory_space<hbm>>) dst(%dma_wait3A_1079 : memref<50x64xf32, #tpu.memory_space<vmem>>)
      %mul3A_1086 = arith.constant 4 : i32
      %mul3A_1087 = arith.muli %add3A_1069, %mul3A_1086 : i32
      %add3A_1088 = arith.constant 1 : i32
      %add3A_1089 = arith.addi %mul3A_1087, %add3A_1088 : i32
      %dma_wait3A_1090 = arith.constant 0 : i32
      %dma_wait3A_1091 = arith.constant 1 : i32
      %dma_wait3A_1092 = arith.constant 0 : i32
      %dma_wait3A_1093 = arith.constant 0 : i32
      %dma_wait3A_1094 = tpu.memref_slice %arg6[%dma_wait3A_1090, %dma_wait3A_1091, %dma_wait3A_1092, %dma_wait3A_1093] : memref<4x4x50x64xf32, #tpu.memory_space<vmem>> -> memref<1x1x50x64xf32, #tpu.memory_space<vmem>>
      %dma_wait3A_1095 = tpu.memref_squeeze %dma_wait3A_1094 : memref<1x1x50x64xf32, #tpu.memory_space<vmem>> -> memref<50x64xf32, #tpu.memory_space<vmem>>
      %dma_wait3A_1096 = arith.constant 0 : i32
      %dma_wait3A_1097 = tpu.memref_slice %arg5[%add3A_1089, %dma_wait3A_1096] : memref<512x50xi32, #tpu.memory_space<vmem>> -> memref<1x50xi32, #tpu.memory_space<vmem>>
      %dma_wait3A_1098 = tpu.memref_squeeze %dma_wait3A_1097 : memref<1x50xi32, #tpu.memory_space<vmem>> -> memref<50xi32, #tpu.memory_space<vmem>>
      %dma_wait3A_1099 = arith.constant 0 : i32
      %dma_wait3A_1100 = arith.constant 0 : i32
      %dma_wait3A_1101 = tpu.memref_slice %arg3[%dma_wait3A_1099, %dma_wait3A_1100] : memref<100000x64xf32, #tpu.memory_space<hbm>> -> memref<100000x64xf32, #tpu.memory_space<hbm>>
      tpu.wait_indirect_dma semaphore(%arg7 : memref<!tpu.dma_semaphore, #tpu.memory_space<semaphore_mem>>) src(%dma_wait3A_1101 : memref<100000x64xf32, #tpu.memory_space<hbm>>) dst(%dma_wait3A_1095 : memref<50x64xf32, #tpu.memory_space<vmem>>)
      %mul3A_1102 = arith.constant 4 : i32
      %mul3A_1103 = arith.muli %add3A_1069, %mul3A_1102 : i32
      %add3A_1104 = arith.constant 2 : i32
      %add3A_1105 = arith.addi %mul3A_1103, %add3A_1104 : i32
      %dma_wait3A_1106 = arith.constant 0 : i32
      %dma_wait3A_1107 = arith.constant 2 : i32
      %dma_wait3A_1108 = arith.constant 0 : i32
      %dma_wait3A_1109 = arith.constant 0 : i32
      %dma_wait3A_1110 = tpu.memref_slice %arg6[%dma_wait3A_1106, %dma_wait3A_1107, %dma_wait3A_1108, %dma_wait3A_1109] : memref<4x4x50x64xf32, #tpu.memory_space<vmem>> -> memref<1x1x50x64xf32, #tpu.memory_space<vmem>>
      %dma_wait3A_1111 = tpu.memref_squeeze %dma_wait3A_1110 : memref<1x1x50x64xf32, #tpu.memory_space<vmem>> -> memref<50x64xf32, #tpu.memory_space<vmem>>
      %dma_wait3A_1112 = arith.constant 0 : i32
      %dma_wait3A_1113 = tpu.memref_slice %arg5[%add3A_1105, %dma_wait3A_1112] : memref<512x50xi32, #tpu.memory_space<vmem>> -> memref<1x50xi32, #tpu.memory_space<vmem>>
      %dma_wait3A_1114 = tpu.memref_squeeze %dma_wait3A_1113 : memref<1x50xi32, #tpu.memory_space<vmem>> -> memref<50xi32, #tpu.memory_space<vmem>>
      %dma_wait3A_1115 = arith.constant 0 : i32
      %dma_wait3A_1116 = arith.constant 0 : i32
      %dma_wait3A_1117 = tpu.memref_slice %arg3[%dma_wait3A_1115, %dma_wait3A_1116] : memref<100000x64xf32, #tpu.memory_space<hbm>> -> memref<100000x64xf32, #tpu.memory_space<hbm>>
      tpu.wait_indirect_dma semaphore(%arg7 : memref<!tpu.dma_semaphore, #tpu.memory_space<semaphore_mem>>) src(%dma_wait3A_1117 : memref<100000x64xf32, #tpu.memory_space<hbm>>) dst(%dma_wait3A_1111 : memref<50x64xf32, #tpu.memory_space<vmem>>)
      %mul3A_1118 = arith.constant 4 : i32
      %mul3A_1119 = arith.muli %add3A_1069, %mul3A_1118 : i32
      %add3A_1120 = arith.constant 3 : i32
      %add3A_1121 = arith.addi %mul3A_1119, %add3A_1120 : i32
      %dma_wait3A_1122 = arith.constant 0 : i32
      %dma_wait3A_1123 = arith.constant 3 : i32
      %dma_wait3A_1124 = arith.constant 0 : i32
      %dma_wait3A_1125 = arith.constant 0 : i32
      %dma_wait3A_1126 = tpu.memref_slice %arg6[%dma_wait3A_1122, %dma_wait3A_1123, %dma_wait3A_1124, %dma_wait3A_1125] : memref<4x4x50x64xf32, #tpu.memory_space<vmem>> -> memref<1x1x50x64xf32, #tpu.memory_space<vmem>>
      %dma_wait3A_1127 = tpu.memref_squeeze %dma_wait3A_1126 : memref<1x1x50x64xf32, #tpu.memory_space<vmem>> -> memref<50x64xf32, #tpu.memory_space<vmem>>
      %dma_wait3A_1128 = arith.constant 0 : i32
      %dma_wait3A_1129 = tpu.memref_slice %arg5[%add3A_1121, %dma_wait3A_1128] : memref<512x50xi32, #tpu.memory_space<vmem>> -> memref<1x50xi32, #tpu.memory_space<vmem>>
      %dma_wait3A_1130 = tpu.memref_squeeze %dma_wait3A_1129 : memref<1x50xi32, #tpu.memory_space<vmem>> -> memref<50xi32, #tpu.memory_space<vmem>>
      %dma_wait3A_1131 = arith.constant 0 : i32
      %dma_wait3A_1132 = arith.constant 0 : i32
      %dma_wait3A_1133 = tpu.memref_slice %arg3[%dma_wait3A_1131, %dma_wait3A_1132] : memref<100000x64xf32, #tpu.memory_space<hbm>> -> memref<100000x64xf32, #tpu.memory_space<hbm>>
      tpu.wait_indirect_dma semaphore(%arg7 : memref<!tpu.dma_semaphore, #tpu.memory_space<semaphore_mem>>) src(%dma_wait3A_1133 : memref<100000x64xf32, #tpu.memory_space<hbm>>) dst(%dma_wait3A_1127 : memref<50x64xf32, #tpu.memory_space<vmem>>)
      %add3A_1134 = arith.constant 0 : i32
      %add3A_1135 = arith.addi %mul3A_1067, %add3A_1134 : i32
      %mul3A_1136 = arith.constant 4 : i32
      %mul3A_1137 = arith.muli %add3A_1135, %mul3A_1136 : i32
      %add3A_1138 = arith.addi %mul3A_2, %mul3A_1137 : i32
      %add3A_1139 = arith.constant 0 : i32
      %add3A_1140 = arith.addi %add3A_1138, %add3A_1139 : i32
      %mul3A_1141 = arith.constant 56 : i32
      %mul3A_1142 = arith.muli %add3A_1140, %mul3A_1141 : i32
      %dma_start3A_1143 = arith.constant 0 : i32
      %dma_start3A_1144 = arith.constant 0 : i32
      %dma_start3A_1145 = arith.constant 0 : i32
      %dma_start3A_1146 = arith.constant 0 : i32
      %dma_start3A_1147 = tpu.memref_slice %arg6[%dma_start3A_1143, %dma_start3A_1144, %dma_start3A_1145, %dma_start3A_1146] : memref<4x4x50x64xf32, #tpu.memory_space<vmem>> -> memref<1x1x50x64xf32, #tpu.memory_space<vmem>>
      %dma_start3A_1148 = tpu.memref_squeeze %dma_start3A_1147 : memref<1x1x50x64xf32, #tpu.memory_space<vmem>> -> memref<50x64xf32, #tpu.memory_space<vmem>>
      %dma_start3A_1149 = arith.constant 0 : i32
      %dma_start3A_1150 = tpu.memref_slice %arg4[%mul3A_1142, %dma_start3A_1149] : memref<917504x128xf32, #tpu.memory_space<hbm>> -> memref<50x64xf32, #tpu.memory_space<hbm>>
      %dma_start3A_1151 = arith.constant 0 : i32
      %dma_start3A_1152 = tpu.memref_slice %arg4[%mul3A_1142, %dma_start3A_1151] : memref<917504x128xf32, #tpu.memory_space<hbm>> -> memref<50x64xf32, #tpu.memory_space<hbm>>
      %dma_start3A_1153 = arith.constant 0 : i32
      %dma_start3A_1154 = arith.constant 0 : i32
      %dma_start3A_1155 = tpu.memref_slice %arg6[%dma_start3A_1143, %dma_start3A_1144, %dma_start3A_1153, %dma_start3A_1154] : memref<4x4x50x64xf32, #tpu.memory_space<vmem>> -> memref<1x1x50x64xf32, #tpu.memory_space<vmem>>
      %dma_start3A_1156 = tpu.memref_squeeze %dma_start3A_1155 : memref<1x1x50x64xf32, #tpu.memory_space<vmem>> -> memref<50x64xf32, #tpu.memory_space<vmem>>
      tpu.enqueue_dma source(%dma_start3A_1156 : memref<50x64xf32, #tpu.memory_space<vmem>>) target(%dma_start3A_1152 : memref<50x64xf32, #tpu.memory_space<hbm>>) target_semaphore(%arg11 : memref<!tpu.dma_semaphore, #tpu.memory_space<semaphore_mem>>)
      %mul3A_1157 = arith.constant 4 : i32
      %mul3A_1158 = arith.muli %add3A_1135, %mul3A_1157 : i32
      %add3A_1159 = arith.addi %mul3A_2, %mul3A_1158 : i32
      %add3A_1160 = arith.constant 1 : i32
      %add3A_1161 = arith.addi %add3A_1159, %add3A_1160 : i32
      %mul3A_1162 = arith.constant 56 : i32
      %mul3A_1163 = arith.muli %add3A_1161, %mul3A_1162 : i32
      %dma_start3A_1164 = arith.constant 0 : i32
      %dma_start3A_1165 = arith.constant 1 : i32
      %dma_start3A_1166 = arith.constant 0 : i32
      %dma_start3A_1167 = arith.constant 0 : i32
      %dma_start3A_1168 = tpu.memref_slice %arg6[%dma_start3A_1164, %dma_start3A_1165, %dma_start3A_1166, %dma_start3A_1167] : memref<4x4x50x64xf32, #tpu.memory_space<vmem>> -> memref<1x1x50x64xf32, #tpu.memory_space<vmem>>
      %dma_start3A_1169 = tpu.memref_squeeze %dma_start3A_1168 : memref<1x1x50x64xf32, #tpu.memory_space<vmem>> -> memref<50x64xf32, #tpu.memory_space<vmem>>
      %dma_start3A_1170 = arith.constant 0 : i32
      %dma_start3A_1171 = tpu.memref_slice %arg4[%mul3A_1163, %dma_start3A_1170] : memref<917504x128xf32, #tpu.memory_space<hbm>> -> memref<50x64xf32, #tpu.memory_space<hbm>>
      %dma_start3A_1172 = arith.constant 0 : i32
      %dma_start3A_1173 = tpu.memref_slice %arg4[%mul3A_1163, %dma_start3A_1172] : memref<917504x128xf32, #tpu.memory_space<hbm>> -> memref<50x64xf32, #tpu.memory_space<hbm>>
      %dma_start3A_1174 = arith.constant 0 : i32
      %dma_start3A_1175 = arith.constant 0 : i32
      %dma_start3A_1176 = tpu.memref_slice %arg6[%dma_start3A_1164, %dma_start3A_1165, %dma_start3A_1174, %dma_start3A_1175] : memref<4x4x50x64xf32, #tpu.memory_space<vmem>> -> memref<1x1x50x64xf32, #tpu.memory_space<vmem>>
      %dma_start3A_1177 = tpu.memref_squeeze %dma_start3A_1176 : memref<1x1x50x64xf32, #tpu.memory_space<vmem>> -> memref<50x64xf32, #tpu.memory_space<vmem>>
      tpu.enqueue_dma source(%dma_start3A_1177 : memref<50x64xf32, #tpu.memory_space<vmem>>) target(%dma_start3A_1173 : memref<50x64xf32, #tpu.memory_space<hbm>>) target_semaphore(%arg11 : memref<!tpu.dma_semaphore, #tpu.memory_space<semaphore_mem>>)
      %mul3A_1178 = arith.constant 4 : i32
      %mul3A_1179 = arith.muli %add3A_1135, %mul3A_1178 : i32
      %add3A_1180 = arith.addi %mul3A_2, %mul3A_1179 : i32
      %add3A_1181 = arith.constant 2 : i32
      %add3A_1182 = arith.addi %add3A_1180, %add3A_1181 : i32
      %mul3A_1183 = arith.constant 56 : i32
      %mul3A_1184 = arith.muli %add3A_1182, %mul3A_1183 : i32
      %dma_start3A_1185 = arith.constant 0 : i32
      %dma_start3A_1186 = arith.constant 2 : i32
      %dma_start3A_1187 = arith.constant 0 : i32
      %dma_start3A_1188 = arith.constant 0 : i32
      %dma_start3A_1189 = tpu.memref_slice %arg6[%dma_start3A_1185, %dma_start3A_1186, %dma_start3A_1187, %dma_start3A_1188] : memref<4x4x50x64xf32, #tpu.memory_space<vmem>> -> memref<1x1x50x64xf32, #tpu.memory_space<vmem>>
      %dma_start3A_1190 = tpu.memref_squeeze %dma_start3A_1189 : memref<1x1x50x64xf32, #tpu.memory_space<vmem>> -> memref<50x64xf32, #tpu.memory_space<vmem>>
      %dma_start3A_1191 = arith.constant 0 : i32
      %dma_start3A_1192 = tpu.memref_slice %arg4[%mul3A_1184, %dma_start3A_1191] : memref<917504x128xf32, #tpu.memory_space<hbm>> -> memref<50x64xf32, #tpu.memory_space<hbm>>
      %dma_start3A_1193 = arith.constant 0 : i32
      %dma_start3A_1194 = tpu.memref_slice %arg4[%mul3A_1184, %dma_start3A_1193] : memref<917504x128xf32, #tpu.memory_space<hbm>> -> memref<50x64xf32, #tpu.memory_space<hbm>>
      %dma_start3A_1195 = arith.constant 0 : i32
      %dma_start3A_1196 = arith.constant 0 : i32
      %dma_start3A_1197 = tpu.memref_slice %arg6[%dma_start3A_1185, %dma_start3A_1186, %dma_start3A_1195, %dma_start3A_1196] : memref<4x4x50x64xf32, #tpu.memory_space<vmem>> -> memref<1x1x50x64xf32, #tpu.memory_space<vmem>>
      %dma_start3A_1198 = tpu.memref_squeeze %dma_start3A_1197 : memref<1x1x50x64xf32, #tpu.memory_space<vmem>> -> memref<50x64xf32, #tpu.memory_space<vmem>>
      tpu.enqueue_dma source(%dma_start3A_1198 : memref<50x64xf32, #tpu.memory_space<vmem>>) target(%dma_start3A_1194 : memref<50x64xf32, #tpu.memory_space<hbm>>) target_semaphore(%arg11 : memref<!tpu.dma_semaphore, #tpu.memory_space<semaphore_mem>>)
      %mul3A_1199 = arith.constant 4 : i32
      %mul3A_1200 = arith.muli %add3A_1135, %mul3A_1199 : i32
      %add3A_1201 = arith.addi %mul3A_2, %mul3A_1200 : i32
      %add3A_1202 = arith.constant 3 : i32
      %add3A_1203 = arith.addi %add3A_1201, %add3A_1202 : i32
      %mul3A_1204 = arith.constant 56 : i32
      %mul3A_1205 = arith.muli %add3A_1203, %mul3A_1204 : i32
      %dma_start3A_1206 = arith.constant 0 : i32
      %dma_start3A_1207 = arith.constant 3 : i32
      %dma_start3A_1208 = arith.constant 0 : i32
      %dma_start3A_1209 = arith.constant 0 : i32
      %dma_start3A_1210 = tpu.memref_slice %arg6[%dma_start3A_1206, %dma_start3A_1207, %dma_start3A_1208, %dma_start3A_1209] : memref<4x4x50x64xf32, #tpu.memory_space<vmem>> -> memref<1x1x50x64xf32, #tpu.memory_space<vmem>>
      %dma_start3A_1211 = tpu.memref_squeeze %dma_start3A_1210 : memref<1x1x50x64xf32, #tpu.memory_space<vmem>> -> memref<50x64xf32, #tpu.memory_space<vmem>>
      %dma_start3A_1212 = arith.constant 0 : i32
      %dma_start3A_1213 = tpu.memref_slice %arg4[%mul3A_1205, %dma_start3A_1212] : memref<917504x128xf32, #tpu.memory_space<hbm>> -> memref<50x64xf32, #tpu.memory_space<hbm>>
      %dma_start3A_1214 = arith.constant 0 : i32
      %dma_start3A_1215 = tpu.memref_slice %arg4[%mul3A_1205, %dma_start3A_1214] : memref<917504x128xf32, #tpu.memory_space<hbm>> -> memref<50x64xf32, #tpu.memory_space<hbm>>
      %dma_start3A_1216 = arith.constant 0 : i32
      %dma_start3A_1217 = arith.constant 0 : i32
      %dma_start3A_1218 = tpu.memref_slice %arg6[%dma_start3A_1206, %dma_start3A_1207, %dma_start3A_1216, %dma_start3A_1217] : memref<4x4x50x64xf32, #tpu.memory_space<vmem>> -> memref<1x1x50x64xf32, #tpu.memory_space<vmem>>
      %dma_start3A_1219 = tpu.memref_squeeze %dma_start3A_1218 : memref<1x1x50x64xf32, #tpu.memory_space<vmem>> -> memref<50x64xf32, #tpu.memory_space<vmem>>
      tpu.enqueue_dma source(%dma_start3A_1219 : memref<50x64xf32, #tpu.memory_space<vmem>>) target(%dma_start3A_1215 : memref<50x64xf32, #tpu.memory_space<hbm>>) target_semaphore(%arg11 : memref<!tpu.dma_semaphore, #tpu.memory_space<semaphore_mem>>)
      %add3A_1220 = arith.constant 1 : i32
      %add3A_1221 = arith.addi %mul3A_1067, %add3A_1220 : i32
      %mul3A_1222 = arith.constant 4 : i32
      %mul3A_1223 = arith.muli %add3A_1221, %mul3A_1222 : i32
      %add3A_1224 = arith.constant 0 : i32
      %add3A_1225 = arith.addi %mul3A_1223, %add3A_1224 : i32
      %dma_wait3A_1226 = arith.constant 1 : i32
      %dma_wait3A_1227 = arith.constant 0 : i32
      %dma_wait3A_1228 = arith.constant 0 : i32
      %dma_wait3A_1229 = arith.constant 0 : i32
      %dma_wait3A_1230 = tpu.memref_slice %arg6[%dma_wait3A_1226, %dma_wait3A_1227, %dma_wait3A_1228, %dma_wait3A_1229] : memref<4x4x50x64xf32, #tpu.memory_space<vmem>> -> memref<1x1x50x64xf32, #tpu.memory_space<vmem>>
      %dma_wait3A_1231 = tpu.memref_squeeze %dma_wait3A_1230 : memref<1x1x50x64xf32, #tpu.memory_space<vmem>> -> memref<50x64xf32, #tpu.memory_space<vmem>>
      %dma_wait3A_1232 = arith.constant 0 : i32
      %dma_wait3A_1233 = tpu.memref_slice %arg5[%add3A_1225, %dma_wait3A_1232] : memref<512x50xi32, #tpu.memory_space<vmem>> -> memref<1x50xi32, #tpu.memory_space<vmem>>
      %dma_wait3A_1234 = tpu.memref_squeeze %dma_wait3A_1233 : memref<1x50xi32, #tpu.memory_space<vmem>> -> memref<50xi32, #tpu.memory_space<vmem>>
      %dma_wait3A_1235 = arith.constant 0 : i32
      %dma_wait3A_1236 = arith.constant 0 : i32
      %dma_wait3A_1237 = tpu.memref_slice %arg3[%dma_wait3A_1235, %dma_wait3A_1236] : memref<100000x64xf32, #tpu.memory_space<hbm>> -> memref<100000x64xf32, #tpu.memory_space<hbm>>
      tpu.wait_indirect_dma semaphore(%arg8 : memref<!tpu.dma_semaphore, #tpu.memory_space<semaphore_mem>>) src(%dma_wait3A_1237 : memref<100000x64xf32, #tpu.memory_space<hbm>>) dst(%dma_wait3A_1231 : memref<50x64xf32, #tpu.memory_space<vmem>>)
      %mul3A_1238 = arith.constant 4 : i32
      %mul3A_1239 = arith.muli %add3A_1221, %mul3A_1238 : i32
      %add3A_1240 = arith.constant 1 : i32
      %add3A_1241 = arith.addi %mul3A_1239, %add3A_1240 : i32
      %dma_wait3A_1242 = arith.constant 1 : i32
      %dma_wait3A_1243 = arith.constant 1 : i32
      %dma_wait3A_1244 = arith.constant 0 : i32
      %dma_wait3A_1245 = arith.constant 0 : i32
      %dma_wait3A_1246 = tpu.memref_slice %arg6[%dma_wait3A_1242, %dma_wait3A_1243, %dma_wait3A_1244, %dma_wait3A_1245] : memref<4x4x50x64xf32, #tpu.memory_space<vmem>> -> memref<1x1x50x64xf32, #tpu.memory_space<vmem>>
      %dma_wait3A_1247 = tpu.memref_squeeze %dma_wait3A_1246 : memref<1x1x50x64xf32, #tpu.memory_space<vmem>> -> memref<50x64xf32, #tpu.memory_space<vmem>>
      %dma_wait3A_1248 = arith.constant 0 : i32
      %dma_wait3A_1249 = tpu.memref_slice %arg5[%add3A_1241, %dma_wait3A_1248] : memref<512x50xi32, #tpu.memory_space<vmem>> -> memref<1x50xi32, #tpu.memory_space<vmem>>
      %dma_wait3A_1250 = tpu.memref_squeeze %dma_wait3A_1249 : memref<1x50xi32, #tpu.memory_space<vmem>> -> memref<50xi32, #tpu.memory_space<vmem>>
      %dma_wait3A_1251 = arith.constant 0 : i32
      %dma_wait3A_1252 = arith.constant 0 : i32
      %dma_wait3A_1253 = tpu.memref_slice %arg3[%dma_wait3A_1251, %dma_wait3A_1252] : memref<100000x64xf32, #tpu.memory_space<hbm>> -> memref<100000x64xf32, #tpu.memory_space<hbm>>
      tpu.wait_indirect_dma semaphore(%arg8 : memref<!tpu.dma_semaphore, #tpu.memory_space<semaphore_mem>>) src(%dma_wait3A_1253 : memref<100000x64xf32, #tpu.memory_space<hbm>>) dst(%dma_wait3A_1247 : memref<50x64xf32, #tpu.memory_space<vmem>>)
      %mul3A_1254 = arith.constant 4 : i32
      %mul3A_1255 = arith.muli %add3A_1221, %mul3A_1254 : i32
      %add3A_1256 = arith.constant 2 : i32
      %add3A_1257 = arith.addi %mul3A_1255, %add3A_1256 : i32
      %dma_wait3A_1258 = arith.constant 1 : i32
      %dma_wait3A_1259 = arith.constant 2 : i32
      %dma_wait3A_1260 = arith.constant 0 : i32
      %dma_wait3A_1261 = arith.constant 0 : i32
      %dma_wait3A_1262 = tpu.memref_slice %arg6[%dma_wait3A_1258, %dma_wait3A_1259, %dma_wait3A_1260, %dma_wait3A_1261] : memref<4x4x50x64xf32, #tpu.memory_space<vmem>> -> memref<1x1x50x64xf32, #tpu.memory_space<vmem>>
      %dma_wait3A_1263 = tpu.memref_squeeze %dma_wait3A_1262 : memref<1x1x50x64xf32, #tpu.memory_space<vmem>> -> memref<50x64xf32, #tpu.memory_space<vmem>>
      %dma_wait3A_1264 = arith.constant 0 : i32
      %dma_wait3A_1265 = tpu.memref_slice %arg5[%add3A_1257, %dma_wait3A_1264] : memref<512x50xi32, #tpu.memory_space<vmem>> -> memref<1x50xi32, #tpu.memory_space<vmem>>
      %dma_wait3A_1266 = tpu.memref_squeeze %dma_wait3A_1265 : memref<1x50xi32, #tpu.memory_space<vmem>> -> memref<50xi32, #tpu.memory_space<vmem>>
      %dma_wait3A_1267 = arith.constant 0 : i32
      %dma_wait3A_1268 = arith.constant 0 : i32
      %dma_wait3A_1269 = tpu.memref_slice %arg3[%dma_wait3A_1267, %dma_wait3A_1268] : memref<100000x64xf32, #tpu.memory_space<hbm>> -> memref<100000x64xf32, #tpu.memory_space<hbm>>
      tpu.wait_indirect_dma semaphore(%arg8 : memref<!tpu.dma_semaphore, #tpu.memory_space<semaphore_mem>>) src(%dma_wait3A_1269 : memref<100000x64xf32, #tpu.memory_space<hbm>>) dst(%dma_wait3A_1263 : memref<50x64xf32, #tpu.memory_space<vmem>>)
      %mul3A_1270 = arith.constant 4 : i32
      %mul3A_1271 = arith.muli %add3A_1221, %mul3A_1270 : i32
      %add3A_1272 = arith.constant 3 : i32
      %add3A_1273 = arith.addi %mul3A_1271, %add3A_1272 : i32
      %dma_wait3A_1274 = arith.constant 1 : i32
      %dma_wait3A_1275 = arith.constant 3 : i32
      %dma_wait3A_1276 = arith.constant 0 : i32
      %dma_wait3A_1277 = arith.constant 0 : i32
      %dma_wait3A_1278 = tpu.memref_slice %arg6[%dma_wait3A_1274, %dma_wait3A_1275, %dma_wait3A_1276, %dma_wait3A_1277] : memref<4x4x50x64xf32, #tpu.memory_space<vmem>> -> memref<1x1x50x64xf32, #tpu.memory_space<vmem>>
      %dma_wait3A_1279 = tpu.memref_squeeze %dma_wait3A_1278 : memref<1x1x50x64xf32, #tpu.memory_space<vmem>> -> memref<50x64xf32, #tpu.memory_space<vmem>>
      %dma_wait3A_1280 = arith.constant 0 : i32
      %dma_wait3A_1281 = tpu.memref_slice %arg5[%add3A_1273, %dma_wait3A_1280] : memref<512x50xi32, #tpu.memory_space<vmem>> -> memref<1x50xi32, #tpu.memory_space<vmem>>
      %dma_wait3A_1282 = tpu.memref_squeeze %dma_wait3A_1281 : memref<1x50xi32, #tpu.memory_space<vmem>> -> memref<50xi32, #tpu.memory_space<vmem>>
      %dma_wait3A_1283 = arith.constant 0 : i32
      %dma_wait3A_1284 = arith.constant 0 : i32
      %dma_wait3A_1285 = tpu.memref_slice %arg3[%dma_wait3A_1283, %dma_wait3A_1284] : memref<100000x64xf32, #tpu.memory_space<hbm>> -> memref<100000x64xf32, #tpu.memory_space<hbm>>
      tpu.wait_indirect_dma semaphore(%arg8 : memref<!tpu.dma_semaphore, #tpu.memory_space<semaphore_mem>>) src(%dma_wait3A_1285 : memref<100000x64xf32, #tpu.memory_space<hbm>>) dst(%dma_wait3A_1279 : memref<50x64xf32, #tpu.memory_space<vmem>>)
      %add3A_1286 = arith.constant 1 : i32
      %add3A_1287 = arith.addi %mul3A_1067, %add3A_1286 : i32
      %mul3A_1288 = arith.constant 4 : i32
      %mul3A_1289 = arith.muli %add3A_1287, %mul3A_1288 : i32
      %add3A_1290 = arith.addi %mul3A_2, %mul3A_1289 : i32
      %add3A_1291 = arith.constant 0 : i32
      %add3A_1292 = arith.addi %add3A_1290, %add3A_1291 : i32
      %mul3A_1293 = arith.constant 56 : i32
      %mul3A_1294 = arith.muli %add3A_1292, %mul3A_1293 : i32
      %dma_start3A_1295 = arith.constant 1 : i32
      %dma_start3A_1296 = arith.constant 0 : i32
      %dma_start3A_1297 = arith.constant 0 : i32
      %dma_start3A_1298 = arith.constant 0 : i32
      %dma_start3A_1299 = tpu.memref_slice %arg6[%dma_start3A_1295, %dma_start3A_1296, %dma_start3A_1297, %dma_start3A_1298] : memref<4x4x50x64xf32, #tpu.memory_space<vmem>> -> memref<1x1x50x64xf32, #tpu.memory_space<vmem>>
      %dma_start3A_1300 = tpu.memref_squeeze %dma_start3A_1299 : memref<1x1x50x64xf32, #tpu.memory_space<vmem>> -> memref<50x64xf32, #tpu.memory_space<vmem>>
      %dma_start3A_1301 = arith.constant 0 : i32
      %dma_start3A_1302 = tpu.memref_slice %arg4[%mul3A_1294, %dma_start3A_1301] : memref<917504x128xf32, #tpu.memory_space<hbm>> -> memref<50x64xf32, #tpu.memory_space<hbm>>
      %dma_start3A_1303 = arith.constant 0 : i32
      %dma_start3A_1304 = tpu.memref_slice %arg4[%mul3A_1294, %dma_start3A_1303] : memref<917504x128xf32, #tpu.memory_space<hbm>> -> memref<50x64xf32, #tpu.memory_space<hbm>>
      %dma_start3A_1305 = arith.constant 0 : i32
      %dma_start3A_1306 = arith.constant 0 : i32
      %dma_start3A_1307 = tpu.memref_slice %arg6[%dma_start3A_1295, %dma_start3A_1296, %dma_start3A_1305, %dma_start3A_1306] : memref<4x4x50x64xf32, #tpu.memory_space<vmem>> -> memref<1x1x50x64xf32, #tpu.memory_space<vmem>>
      %dma_start3A_1308 = tpu.memref_squeeze %dma_start3A_1307 : memref<1x1x50x64xf32, #tpu.memory_space<vmem>> -> memref<50x64xf32, #tpu.memory_space<vmem>>
      tpu.enqueue_dma source(%dma_start3A_1308 : memref<50x64xf32, #tpu.memory_space<vmem>>) target(%dma_start3A_1304 : memref<50x64xf32, #tpu.memory_space<hbm>>) target_semaphore(%arg12 : memref<!tpu.dma_semaphore, #tpu.memory_space<semaphore_mem>>)
      %mul3A_1309 = arith.constant 4 : i32
      %mul3A_1310 = arith.muli %add3A_1287, %mul3A_1309 : i32
      %add3A_1311 = arith.addi %mul3A_2, %mul3A_1310 : i32
      %add3A_1312 = arith.constant 1 : i32
      %add3A_1313 = arith.addi %add3A_1311, %add3A_1312 : i32
      %mul3A_1314 = arith.constant 56 : i32
      %mul3A_1315 = arith.muli %add3A_1313, %mul3A_1314 : i32
      %dma_start3A_1316 = arith.constant 1 : i32
      %dma_start3A_1317 = arith.constant 1 : i32
      %dma_start3A_1318 = arith.constant 0 : i32
      %dma_start3A_1319 = arith.constant 0 : i32
      %dma_start3A_1320 = tpu.memref_slice %arg6[%dma_start3A_1316, %dma_start3A_1317, %dma_start3A_1318, %dma_start3A_1319] : memref<4x4x50x64xf32, #tpu.memory_space<vmem>> -> memref<1x1x50x64xf32, #tpu.memory_space<vmem>>
      %dma_start3A_1321 = tpu.memref_squeeze %dma_start3A_1320 : memref<1x1x50x64xf32, #tpu.memory_space<vmem>> -> memref<50x64xf32, #tpu.memory_space<vmem>>
      %dma_start3A_1322 = arith.constant 0 : i32
      %dma_start3A_1323 = tpu.memref_slice %arg4[%mul3A_1315, %dma_start3A_1322] : memref<917504x128xf32, #tpu.memory_space<hbm>> -> memref<50x64xf32, #tpu.memory_space<hbm>>
      %dma_start3A_1324 = arith.constant 0 : i32
      %dma_start3A_1325 = tpu.memref_slice %arg4[%mul3A_1315, %dma_start3A_1324] : memref<917504x128xf32, #tpu.memory_space<hbm>> -> memref<50x64xf32, #tpu.memory_space<hbm>>
      %dma_start3A_1326 = arith.constant 0 : i32
      %dma_start3A_1327 = arith.constant 0 : i32
      %dma_start3A_1328 = tpu.memref_slice %arg6[%dma_start3A_1316, %dma_start3A_1317, %dma_start3A_1326, %dma_start3A_1327] : memref<4x4x50x64xf32, #tpu.memory_space<vmem>> -> memref<1x1x50x64xf32, #tpu.memory_space<vmem>>
      %dma_start3A_1329 = tpu.memref_squeeze %dma_start3A_1328 : memref<1x1x50x64xf32, #tpu.memory_space<vmem>> -> memref<50x64xf32, #tpu.memory_space<vmem>>
      tpu.enqueue_dma source(%dma_start3A_1329 : memref<50x64xf32, #tpu.memory_space<vmem>>) target(%dma_start3A_1325 : memref<50x64xf32, #tpu.memory_space<hbm>>) target_semaphore(%arg12 : memref<!tpu.dma_semaphore, #tpu.memory_space<semaphore_mem>>)
      %mul3A_1330 = arith.constant 4 : i32
      %mul3A_1331 = arith.muli %add3A_1287, %mul3A_1330 : i32
      %add3A_1332 = arith.addi %mul3A_2, %mul3A_1331 : i32
      %add3A_1333 = arith.constant 2 : i32
      %add3A_1334 = arith.addi %add3A_1332, %add3A_1333 : i32
      %mul3A_1335 = arith.constant 56 : i32
      %mul3A_1336 = arith.muli %add3A_1334, %mul3A_1335 : i32
      %dma_start3A_1337 = arith.constant 1 : i32
      %dma_start3A_1338 = arith.constant 2 : i32
      %dma_start3A_1339 = arith.constant 0 : i32
      %dma_start3A_1340 = arith.constant 0 : i32
      %dma_start3A_1341 = tpu.memref_slice %arg6[%dma_start3A_1337, %dma_start3A_1338, %dma_start3A_1339, %dma_start3A_1340] : memref<4x4x50x64xf32, #tpu.memory_space<vmem>> -> memref<1x1x50x64xf32, #tpu.memory_space<vmem>>
      %dma_start3A_1342 = tpu.memref_squeeze %dma_start3A_1341 : memref<1x1x50x64xf32, #tpu.memory_space<vmem>> -> memref<50x64xf32, #tpu.memory_space<vmem>>
      %dma_start3A_1343 = arith.constant 0 : i32
      %dma_start3A_1344 = tpu.memref_slice %arg4[%mul3A_1336, %dma_start3A_1343] : memref<917504x128xf32, #tpu.memory_space<hbm>> -> memref<50x64xf32, #tpu.memory_space<hbm>>
      %dma_start3A_1345 = arith.constant 0 : i32
      %dma_start3A_1346 = tpu.memref_slice %arg4[%mul3A_1336, %dma_start3A_1345] : memref<917504x128xf32, #tpu.memory_space<hbm>> -> memref<50x64xf32, #tpu.memory_space<hbm>>
      %dma_start3A_1347 = arith.constant 0 : i32
      %dma_start3A_1348 = arith.constant 0 : i32
      %dma_start3A_1349 = tpu.memref_slice %arg6[%dma_start3A_1337, %dma_start3A_1338, %dma_start3A_1347, %dma_start3A_1348] : memref<4x4x50x64xf32, #tpu.memory_space<vmem>> -> memref<1x1x50x64xf32, #tpu.memory_space<vmem>>
      %dma_start3A_1350 = tpu.memref_squeeze %dma_start3A_1349 : memref<1x1x50x64xf32, #tpu.memory_space<vmem>> -> memref<50x64xf32, #tpu.memory_space<vmem>>
      tpu.enqueue_dma source(%dma_start3A_1350 : memref<50x64xf32, #tpu.memory_space<vmem>>) target(%dma_start3A_1346 : memref<50x64xf32, #tpu.memory_space<hbm>>) target_semaphore(%arg12 : memref<!tpu.dma_semaphore, #tpu.memory_space<semaphore_mem>>)
      %mul3A_1351 = arith.constant 4 : i32
      %mul3A_1352 = arith.muli %add3A_1287, %mul3A_1351 : i32
      %add3A_1353 = arith.addi %mul3A_2, %mul3A_1352 : i32
      %add3A_1354 = arith.constant 3 : i32
      %add3A_1355 = arith.addi %add3A_1353, %add3A_1354 : i32
      %mul3A_1356 = arith.constant 56 : i32
      %mul3A_1357 = arith.muli %add3A_1355, %mul3A_1356 : i32
      %dma_start3A_1358 = arith.constant 1 : i32
      %dma_start3A_1359 = arith.constant 3 : i32
      %dma_start3A_1360 = arith.constant 0 : i32
      %dma_start3A_1361 = arith.constant 0 : i32
      %dma_start3A_1362 = tpu.memref_slice %arg6[%dma_start3A_1358, %dma_start3A_1359, %dma_start3A_1360, %dma_start3A_1361] : memref<4x4x50x64xf32, #tpu.memory_space<vmem>> -> memref<1x1x50x64xf32, #tpu.memory_space<vmem>>
      %dma_start3A_1363 = tpu.memref_squeeze %dma_start3A_1362 : memref<1x1x50x64xf32, #tpu.memory_space<vmem>> -> memref<50x64xf32, #tpu.memory_space<vmem>>
      %dma_start3A_1364 = arith.constant 0 : i32
      %dma_start3A_1365 = tpu.memref_slice %arg4[%mul3A_1357, %dma_start3A_1364] : memref<917504x128xf32, #tpu.memory_space<hbm>> -> memref<50x64xf32, #tpu.memory_space<hbm>>
      %dma_start3A_1366 = arith.constant 0 : i32
      %dma_start3A_1367 = tpu.memref_slice %arg4[%mul3A_1357, %dma_start3A_1366] : memref<917504x128xf32, #tpu.memory_space<hbm>> -> memref<50x64xf32, #tpu.memory_space<hbm>>
      %dma_start3A_1368 = arith.constant 0 : i32
      %dma_start3A_1369 = arith.constant 0 : i32
      %dma_start3A_1370 = tpu.memref_slice %arg6[%dma_start3A_1358, %dma_start3A_1359, %dma_start3A_1368, %dma_start3A_1369] : memref<4x4x50x64xf32, #tpu.memory_space<vmem>> -> memref<1x1x50x64xf32, #tpu.memory_space<vmem>>
      %dma_start3A_1371 = tpu.memref_squeeze %dma_start3A_1370 : memref<1x1x50x64xf32, #tpu.memory_space<vmem>> -> memref<50x64xf32, #tpu.memory_space<vmem>>
      tpu.enqueue_dma source(%dma_start3A_1371 : memref<50x64xf32, #tpu.memory_space<vmem>>) target(%dma_start3A_1367 : memref<50x64xf32, #tpu.memory_space<hbm>>) target_semaphore(%arg12 : memref<!tpu.dma_semaphore, #tpu.memory_space<semaphore_mem>>)
      %add3A_1372 = arith.constant 2 : i32
      %add3A_1373 = arith.addi %mul3A_1067, %add3A_1372 : i32
      %mul3A_1374 = arith.constant 4 : i32
      %mul3A_1375 = arith.muli %add3A_1373, %mul3A_1374 : i32
      %add3A_1376 = arith.constant 0 : i32
      %add3A_1377 = arith.addi %mul3A_1375, %add3A_1376 : i32
      %dma_wait3A_1378 = arith.constant 2 : i32
      %dma_wait3A_1379 = arith.constant 0 : i32
      %dma_wait3A_1380 = arith.constant 0 : i32
      %dma_wait3A_1381 = arith.constant 0 : i32
      %dma_wait3A_1382 = tpu.memref_slice %arg6[%dma_wait3A_1378, %dma_wait3A_1379, %dma_wait3A_1380, %dma_wait3A_1381] : memref<4x4x50x64xf32, #tpu.memory_space<vmem>> -> memref<1x1x50x64xf32, #tpu.memory_space<vmem>>
      %dma_wait3A_1383 = tpu.memref_squeeze %dma_wait3A_1382 : memref<1x1x50x64xf32, #tpu.memory_space<vmem>> -> memref<50x64xf32, #tpu.memory_space<vmem>>
      %dma_wait3A_1384 = arith.constant 0 : i32
      %dma_wait3A_1385 = tpu.memref_slice %arg5[%add3A_1377, %dma_wait3A_1384] : memref<512x50xi32, #tpu.memory_space<vmem>> -> memref<1x50xi32, #tpu.memory_space<vmem>>
      %dma_wait3A_1386 = tpu.memref_squeeze %dma_wait3A_1385 : memref<1x50xi32, #tpu.memory_space<vmem>> -> memref<50xi32, #tpu.memory_space<vmem>>
      %dma_wait3A_1387 = arith.constant 0 : i32
      %dma_wait3A_1388 = arith.constant 0 : i32
      %dma_wait3A_1389 = tpu.memref_slice %arg3[%dma_wait3A_1387, %dma_wait3A_1388] : memref<100000x64xf32, #tpu.memory_space<hbm>> -> memref<100000x64xf32, #tpu.memory_space<hbm>>
      tpu.wait_indirect_dma semaphore(%arg9 : memref<!tpu.dma_semaphore, #tpu.memory_space<semaphore_mem>>) src(%dma_wait3A_1389 : memref<100000x64xf32, #tpu.memory_space<hbm>>) dst(%dma_wait3A_1383 : memref<50x64xf32, #tpu.memory_space<vmem>>)
      %mul3A_1390 = arith.constant 4 : i32
      %mul3A_1391 = arith.muli %add3A_1373, %mul3A_1390 : i32
      %add3A_1392 = arith.constant 1 : i32
      %add3A_1393 = arith.addi %mul3A_1391, %add3A_1392 : i32
      %dma_wait3A_1394 = arith.constant 2 : i32
      %dma_wait3A_1395 = arith.constant 1 : i32
      %dma_wait3A_1396 = arith.constant 0 : i32
      %dma_wait3A_1397 = arith.constant 0 : i32
      %dma_wait3A_1398 = tpu.memref_slice %arg6[%dma_wait3A_1394, %dma_wait3A_1395, %dma_wait3A_1396, %dma_wait3A_1397] : memref<4x4x50x64xf32, #tpu.memory_space<vmem>> -> memref<1x1x50x64xf32, #tpu.memory_space<vmem>>
      %dma_wait3A_1399 = tpu.memref_squeeze %dma_wait3A_1398 : memref<1x1x50x64xf32, #tpu.memory_space<vmem>> -> memref<50x64xf32, #tpu.memory_space<vmem>>
      %dma_wait3A_1400 = arith.constant 0 : i32
      %dma_wait3A_1401 = tpu.memref_slice %arg5[%add3A_1393, %dma_wait3A_1400] : memref<512x50xi32, #tpu.memory_space<vmem>> -> memref<1x50xi32, #tpu.memory_space<vmem>>
      %dma_wait3A_1402 = tpu.memref_squeeze %dma_wait3A_1401 : memref<1x50xi32, #tpu.memory_space<vmem>> -> memref<50xi32, #tpu.memory_space<vmem>>
      %dma_wait3A_1403 = arith.constant 0 : i32
      %dma_wait3A_1404 = arith.constant 0 : i32
      %dma_wait3A_1405 = tpu.memref_slice %arg3[%dma_wait3A_1403, %dma_wait3A_1404] : memref<100000x64xf32, #tpu.memory_space<hbm>> -> memref<100000x64xf32, #tpu.memory_space<hbm>>
      tpu.wait_indirect_dma semaphore(%arg9 : memref<!tpu.dma_semaphore, #tpu.memory_space<semaphore_mem>>) src(%dma_wait3A_1405 : memref<100000x64xf32, #tpu.memory_space<hbm>>) dst(%dma_wait3A_1399 : memref<50x64xf32, #tpu.memory_space<vmem>>)
      %mul3A_1406 = arith.constant 4 : i32
      %mul3A_1407 = arith.muli %add3A_1373, %mul3A_1406 : i32
      %add3A_1408 = arith.constant 2 : i32
      %add3A_1409 = arith.addi %mul3A_1407, %add3A_1408 : i32
      %dma_wait3A_1410 = arith.constant 2 : i32
      %dma_wait3A_1411 = arith.constant 2 : i32
      %dma_wait3A_1412 = arith.constant 0 : i32
      %dma_wait3A_1413 = arith.constant 0 : i32
      %dma_wait3A_1414 = tpu.memref_slice %arg6[%dma_wait3A_1410, %dma_wait3A_1411, %dma_wait3A_1412, %dma_wait3A_1413] : memref<4x4x50x64xf32, #tpu.memory_space<vmem>> -> memref<1x1x50x64xf32, #tpu.memory_space<vmem>>
      %dma_wait3A_1415 = tpu.memref_squeeze %dma_wait3A_1414 : memref<1x1x50x64xf32, #tpu.memory_space<vmem>> -> memref<50x64xf32, #tpu.memory_space<vmem>>
      %dma_wait3A_1416 = arith.constant 0 : i32
      %dma_wait3A_1417 = tpu.memref_slice %arg5[%add3A_1409, %dma_wait3A_1416] : memref<512x50xi32, #tpu.memory_space<vmem>> -> memref<1x50xi32, #tpu.memory_space<vmem>>
      %dma_wait3A_1418 = tpu.memref_squeeze %dma_wait3A_1417 : memref<1x50xi32, #tpu.memory_space<vmem>> -> memref<50xi32, #tpu.memory_space<vmem>>
      %dma_wait3A_1419 = arith.constant 0 : i32
      %dma_wait3A_1420 = arith.constant 0 : i32
      %dma_wait3A_1421 = tpu.memref_slice %arg3[%dma_wait3A_1419, %dma_wait3A_1420] : memref<100000x64xf32, #tpu.memory_space<hbm>> -> memref<100000x64xf32, #tpu.memory_space<hbm>>
      tpu.wait_indirect_dma semaphore(%arg9 : memref<!tpu.dma_semaphore, #tpu.memory_space<semaphore_mem>>) src(%dma_wait3A_1421 : memref<100000x64xf32, #tpu.memory_space<hbm>>) dst(%dma_wait3A_1415 : memref<50x64xf32, #tpu.memory_space<vmem>>)
      %mul3A_1422 = arith.constant 4 : i32
      %mul3A_1423 = arith.muli %add3A_1373, %mul3A_1422 : i32
      %add3A_1424 = arith.constant 3 : i32
      %add3A_1425 = arith.addi %mul3A_1423, %add3A_1424 : i32
      %dma_wait3A_1426 = arith.constant 2 : i32
      %dma_wait3A_1427 = arith.constant 3 : i32
      %dma_wait3A_1428 = arith.constant 0 : i32
      %dma_wait3A_1429 = arith.constant 0 : i32
      %dma_wait3A_1430 = tpu.memref_slice %arg6[%dma_wait3A_1426, %dma_wait3A_1427, %dma_wait3A_1428, %dma_wait3A_1429] : memref<4x4x50x64xf32, #tpu.memory_space<vmem>> -> memref<1x1x50x64xf32, #tpu.memory_space<vmem>>
      %dma_wait3A_1431 = tpu.memref_squeeze %dma_wait3A_1430 : memref<1x1x50x64xf32, #tpu.memory_space<vmem>> -> memref<50x64xf32, #tpu.memory_space<vmem>>
      %dma_wait3A_1432 = arith.constant 0 : i32
      %dma_wait3A_1433 = tpu.memref_slice %arg5[%add3A_1425, %dma_wait3A_1432] : memref<512x50xi32, #tpu.memory_space<vmem>> -> memref<1x50xi32, #tpu.memory_space<vmem>>
      %dma_wait3A_1434 = tpu.memref_squeeze %dma_wait3A_1433 : memref<1x50xi32, #tpu.memory_space<vmem>> -> memref<50xi32, #tpu.memory_space<vmem>>
      %dma_wait3A_1435 = arith.constant 0 : i32
      %dma_wait3A_1436 = arith.constant 0 : i32
      %dma_wait3A_1437 = tpu.memref_slice %arg3[%dma_wait3A_1435, %dma_wait3A_1436] : memref<100000x64xf32, #tpu.memory_space<hbm>> -> memref<100000x64xf32, #tpu.memory_space<hbm>>
      tpu.wait_indirect_dma semaphore(%arg9 : memref<!tpu.dma_semaphore, #tpu.memory_space<semaphore_mem>>) src(%dma_wait3A_1437 : memref<100000x64xf32, #tpu.memory_space<hbm>>) dst(%dma_wait3A_1431 : memref<50x64xf32, #tpu.memory_space<vmem>>)
      %add3A_1438 = arith.constant 2 : i32
      %add3A_1439 = arith.addi %mul3A_1067, %add3A_1438 : i32
      %mul3A_1440 = arith.constant 4 : i32
      %mul3A_1441 = arith.muli %add3A_1439, %mul3A_1440 : i32
      %add3A_1442 = arith.addi %mul3A_2, %mul3A_1441 : i32
      %add3A_1443 = arith.constant 0 : i32
      %add3A_1444 = arith.addi %add3A_1442, %add3A_1443 : i32
      %mul3A_1445 = arith.constant 56 : i32
      %mul3A_1446 = arith.muli %add3A_1444, %mul3A_1445 : i32
      %dma_start3A_1447 = arith.constant 2 : i32
      %dma_start3A_1448 = arith.constant 0 : i32
      %dma_start3A_1449 = arith.constant 0 : i32
      %dma_start3A_1450 = arith.constant 0 : i32
      %dma_start3A_1451 = tpu.memref_slice %arg6[%dma_start3A_1447, %dma_start3A_1448, %dma_start3A_1449, %dma_start3A_1450] : memref<4x4x50x64xf32, #tpu.memory_space<vmem>> -> memref<1x1x50x64xf32, #tpu.memory_space<vmem>>
      %dma_start3A_1452 = tpu.memref_squeeze %dma_start3A_1451 : memref<1x1x50x64xf32, #tpu.memory_space<vmem>> -> memref<50x64xf32, #tpu.memory_space<vmem>>
      %dma_start3A_1453 = arith.constant 0 : i32
      %dma_start3A_1454 = tpu.memref_slice %arg4[%mul3A_1446, %dma_start3A_1453] : memref<917504x128xf32, #tpu.memory_space<hbm>> -> memref<50x64xf32, #tpu.memory_space<hbm>>
      %dma_start3A_1455 = arith.constant 0 : i32
      %dma_start3A_1456 = tpu.memref_slice %arg4[%mul3A_1446, %dma_start3A_1455] : memref<917504x128xf32, #tpu.memory_space<hbm>> -> memref<50x64xf32, #tpu.memory_space<hbm>>
      %dma_start3A_1457 = arith.constant 0 : i32
      %dma_start3A_1458 = arith.constant 0 : i32
      %dma_start3A_1459 = tpu.memref_slice %arg6[%dma_start3A_1447, %dma_start3A_1448, %dma_start3A_1457, %dma_start3A_1458] : memref<4x4x50x64xf32, #tpu.memory_space<vmem>> -> memref<1x1x50x64xf32, #tpu.memory_space<vmem>>
      %dma_start3A_1460 = tpu.memref_squeeze %dma_start3A_1459 : memref<1x1x50x64xf32, #tpu.memory_space<vmem>> -> memref<50x64xf32, #tpu.memory_space<vmem>>
      tpu.enqueue_dma source(%dma_start3A_1460 : memref<50x64xf32, #tpu.memory_space<vmem>>) target(%dma_start3A_1456 : memref<50x64xf32, #tpu.memory_space<hbm>>) target_semaphore(%arg13 : memref<!tpu.dma_semaphore, #tpu.memory_space<semaphore_mem>>)
      %mul3A_1461 = arith.constant 4 : i32
      %mul3A_1462 = arith.muli %add3A_1439, %mul3A_1461 : i32
      %add3A_1463 = arith.addi %mul3A_2, %mul3A_1462 : i32
      %add3A_1464 = arith.constant 1 : i32
      %add3A_1465 = arith.addi %add3A_1463, %add3A_1464 : i32
      %mul3A_1466 = arith.constant 56 : i32
      %mul3A_1467 = arith.muli %add3A_1465, %mul3A_1466 : i32
      %dma_start3A_1468 = arith.constant 2 : i32
      %dma_start3A_1469 = arith.constant 1 : i32
      %dma_start3A_1470 = arith.constant 0 : i32
      %dma_start3A_1471 = arith.constant 0 : i32
      %dma_start3A_1472 = tpu.memref_slice %arg6[%dma_start3A_1468, %dma_start3A_1469, %dma_start3A_1470, %dma_start3A_1471] : memref<4x4x50x64xf32, #tpu.memory_space<vmem>> -> memref<1x1x50x64xf32, #tpu.memory_space<vmem>>
      %dma_start3A_1473 = tpu.memref_squeeze %dma_start3A_1472 : memref<1x1x50x64xf32, #tpu.memory_space<vmem>> -> memref<50x64xf32, #tpu.memory_space<vmem>>
      %dma_start3A_1474 = arith.constant 0 : i32
      %dma_start3A_1475 = tpu.memref_slice %arg4[%mul3A_1467, %dma_start3A_1474] : memref<917504x128xf32, #tpu.memory_space<hbm>> -> memref<50x64xf32, #tpu.memory_space<hbm>>
      %dma_start3A_1476 = arith.constant 0 : i32
      %dma_start3A_1477 = tpu.memref_slice %arg4[%mul3A_1467, %dma_start3A_1476] : memref<917504x128xf32, #tpu.memory_space<hbm>> -> memref<50x64xf32, #tpu.memory_space<hbm>>
      %dma_start3A_1478 = arith.constant 0 : i32
      %dma_start3A_1479 = arith.constant 0 : i32
      %dma_start3A_1480 = tpu.memref_slice %arg6[%dma_start3A_1468, %dma_start3A_1469, %dma_start3A_1478, %dma_start3A_1479] : memref<4x4x50x64xf32, #tpu.memory_space<vmem>> -> memref<1x1x50x64xf32, #tpu.memory_space<vmem>>
      %dma_start3A_1481 = tpu.memref_squeeze %dma_start3A_1480 : memref<1x1x50x64xf32, #tpu.memory_space<vmem>> -> memref<50x64xf32, #tpu.memory_space<vmem>>
      tpu.enqueue_dma source(%dma_start3A_1481 : memref<50x64xf32, #tpu.memory_space<vmem>>) target(%dma_start3A_1477 : memref<50x64xf32, #tpu.memory_space<hbm>>) target_semaphore(%arg13 : memref<!tpu.dma_semaphore, #tpu.memory_space<semaphore_mem>>)
      %mul3A_1482 = arith.constant 4 : i32
      %mul3A_1483 = arith.muli %add3A_1439, %mul3A_1482 : i32
      %add3A_1484 = arith.addi %mul3A_2, %mul3A_1483 : i32
      %add3A_1485 = arith.constant 2 : i32
      %add3A_1486 = arith.addi %add3A_1484, %add3A_1485 : i32
      %mul3A_1487 = arith.constant 56 : i32
      %mul3A_1488 = arith.muli %add3A_1486, %mul3A_1487 : i32
      %dma_start3A_1489 = arith.constant 2 : i32
      %dma_start3A_1490 = arith.constant 2 : i32
      %dma_start3A_1491 = arith.constant 0 : i32
      %dma_start3A_1492 = arith.constant 0 : i32
      %dma_start3A_1493 = tpu.memref_slice %arg6[%dma_start3A_1489, %dma_start3A_1490, %dma_start3A_1491, %dma_start3A_1492] : memref<4x4x50x64xf32, #tpu.memory_space<vmem>> -> memref<1x1x50x64xf32, #tpu.memory_space<vmem>>
      %dma_start3A_1494 = tpu.memref_squeeze %dma_start3A_1493 : memref<1x1x50x64xf32, #tpu.memory_space<vmem>> -> memref<50x64xf32, #tpu.memory_space<vmem>>
      %dma_start3A_1495 = arith.constant 0 : i32
      %dma_start3A_1496 = tpu.memref_slice %arg4[%mul3A_1488, %dma_start3A_1495] : memref<917504x128xf32, #tpu.memory_space<hbm>> -> memref<50x64xf32, #tpu.memory_space<hbm>>
      %dma_start3A_1497 = arith.constant 0 : i32
      %dma_start3A_1498 = tpu.memref_slice %arg4[%mul3A_1488, %dma_start3A_1497] : memref<917504x128xf32, #tpu.memory_space<hbm>> -> memref<50x64xf32, #tpu.memory_space<hbm>>
      %dma_start3A_1499 = arith.constant 0 : i32
      %dma_start3A_1500 = arith.constant 0 : i32
      %dma_start3A_1501 = tpu.memref_slice %arg6[%dma_start3A_1489, %dma_start3A_1490, %dma_start3A_1499, %dma_start3A_1500] : memref<4x4x50x64xf32, #tpu.memory_space<vmem>> -> memref<1x1x50x64xf32, #tpu.memory_space<vmem>>
      %dma_start3A_1502 = tpu.memref_squeeze %dma_start3A_1501 : memref<1x1x50x64xf32, #tpu.memory_space<vmem>> -> memref<50x64xf32, #tpu.memory_space<vmem>>
      tpu.enqueue_dma source(%dma_start3A_1502 : memref<50x64xf32, #tpu.memory_space<vmem>>) target(%dma_start3A_1498 : memref<50x64xf32, #tpu.memory_space<hbm>>) target_semaphore(%arg13 : memref<!tpu.dma_semaphore, #tpu.memory_space<semaphore_mem>>)
      %mul3A_1503 = arith.constant 4 : i32
      %mul3A_1504 = arith.muli %add3A_1439, %mul3A_1503 : i32
      %add3A_1505 = arith.addi %mul3A_2, %mul3A_1504 : i32
      %add3A_1506 = arith.constant 3 : i32
      %add3A_1507 = arith.addi %add3A_1505, %add3A_1506 : i32
      %mul3A_1508 = arith.constant 56 : i32
      %mul3A_1509 = arith.muli %add3A_1507, %mul3A_1508 : i32
      %dma_start3A_1510 = arith.constant 2 : i32
      %dma_start3A_1511 = arith.constant 3 : i32
      %dma_start3A_1512 = arith.constant 0 : i32
      %dma_start3A_1513 = arith.constant 0 : i32
      %dma_start3A_1514 = tpu.memref_slice %arg6[%dma_start3A_1510, %dma_start3A_1511, %dma_start3A_1512, %dma_start3A_1513] : memref<4x4x50x64xf32, #tpu.memory_space<vmem>> -> memref<1x1x50x64xf32, #tpu.memory_space<vmem>>
      %dma_start3A_1515 = tpu.memref_squeeze %dma_start3A_1514 : memref<1x1x50x64xf32, #tpu.memory_space<vmem>> -> memref<50x64xf32, #tpu.memory_space<vmem>>
      %dma_start3A_1516 = arith.constant 0 : i32
      %dma_start3A_1517 = tpu.memref_slice %arg4[%mul3A_1509, %dma_start3A_1516] : memref<917504x128xf32, #tpu.memory_space<hbm>> -> memref<50x64xf32, #tpu.memory_space<hbm>>
      %dma_start3A_1518 = arith.constant 0 : i32
      %dma_start3A_1519 = tpu.memref_slice %arg4[%mul3A_1509, %dma_start3A_1518] : memref<917504x128xf32, #tpu.memory_space<hbm>> -> memref<50x64xf32, #tpu.memory_space<hbm>>
      %dma_start3A_1520 = arith.constant 0 : i32
      %dma_start3A_1521 = arith.constant 0 : i32
      %dma_start3A_1522 = tpu.memref_slice %arg6[%dma_start3A_1510, %dma_start3A_1511, %dma_start3A_1520, %dma_start3A_1521] : memref<4x4x50x64xf32, #tpu.memory_space<vmem>> -> memref<1x1x50x64xf32, #tpu.memory_space<vmem>>
      %dma_start3A_1523 = tpu.memref_squeeze %dma_start3A_1522 : memref<1x1x50x64xf32, #tpu.memory_space<vmem>> -> memref<50x64xf32, #tpu.memory_space<vmem>>
      tpu.enqueue_dma source(%dma_start3A_1523 : memref<50x64xf32, #tpu.memory_space<vmem>>) target(%dma_start3A_1519 : memref<50x64xf32, #tpu.memory_space<hbm>>) target_semaphore(%arg13 : memref<!tpu.dma_semaphore, #tpu.memory_space<semaphore_mem>>)
      %add3A_1524 = arith.constant 3 : i32
      %add3A_1525 = arith.addi %mul3A_1067, %add3A_1524 : i32
      %mul3A_1526 = arith.constant 4 : i32
      %mul3A_1527 = arith.muli %add3A_1525, %mul3A_1526 : i32
      %add3A_1528 = arith.constant 0 : i32
      %add3A_1529 = arith.addi %mul3A_1527, %add3A_1528 : i32
      %dma_wait3A_1530 = arith.constant 3 : i32
      %dma_wait3A_1531 = arith.constant 0 : i32
      %dma_wait3A_1532 = arith.constant 0 : i32
      %dma_wait3A_1533 = arith.constant 0 : i32
      %dma_wait3A_1534 = tpu.memref_slice %arg6[%dma_wait3A_1530, %dma_wait3A_1531, %dma_wait3A_1532, %dma_wait3A_1533] : memref<4x4x50x64xf32, #tpu.memory_space<vmem>> -> memref<1x1x50x64xf32, #tpu.memory_space<vmem>>
      %dma_wait3A_1535 = tpu.memref_squeeze %dma_wait3A_1534 : memref<1x1x50x64xf32, #tpu.memory_space<vmem>> -> memref<50x64xf32, #tpu.memory_space<vmem>>
      %dma_wait3A_1536 = arith.constant 0 : i32
      %dma_wait3A_1537 = tpu.memref_slice %arg5[%add3A_1529, %dma_wait3A_1536] : memref<512x50xi32, #tpu.memory_space<vmem>> -> memref<1x50xi32, #tpu.memory_space<vmem>>
      %dma_wait3A_1538 = tpu.memref_squeeze %dma_wait3A_1537 : memref<1x50xi32, #tpu.memory_space<vmem>> -> memref<50xi32, #tpu.memory_space<vmem>>
      %dma_wait3A_1539 = arith.constant 0 : i32
      %dma_wait3A_1540 = arith.constant 0 : i32
      %dma_wait3A_1541 = tpu.memref_slice %arg3[%dma_wait3A_1539, %dma_wait3A_1540] : memref<100000x64xf32, #tpu.memory_space<hbm>> -> memref<100000x64xf32, #tpu.memory_space<hbm>>
      tpu.wait_indirect_dma semaphore(%arg10 : memref<!tpu.dma_semaphore, #tpu.memory_space<semaphore_mem>>) src(%dma_wait3A_1541 : memref<100000x64xf32, #tpu.memory_space<hbm>>) dst(%dma_wait3A_1535 : memref<50x64xf32, #tpu.memory_space<vmem>>)
      %mul3A_1542 = arith.constant 4 : i32
      %mul3A_1543 = arith.muli %add3A_1525, %mul3A_1542 : i32
      %add3A_1544 = arith.constant 1 : i32
      %add3A_1545 = arith.addi %mul3A_1543, %add3A_1544 : i32
      %dma_wait3A_1546 = arith.constant 3 : i32
      %dma_wait3A_1547 = arith.constant 1 : i32
      %dma_wait3A_1548 = arith.constant 0 : i32
      %dma_wait3A_1549 = arith.constant 0 : i32
      %dma_wait3A_1550 = tpu.memref_slice %arg6[%dma_wait3A_1546, %dma_wait3A_1547, %dma_wait3A_1548, %dma_wait3A_1549] : memref<4x4x50x64xf32, #tpu.memory_space<vmem>> -> memref<1x1x50x64xf32, #tpu.memory_space<vmem>>
      %dma_wait3A_1551 = tpu.memref_squeeze %dma_wait3A_1550 : memref<1x1x50x64xf32, #tpu.memory_space<vmem>> -> memref<50x64xf32, #tpu.memory_space<vmem>>
      %dma_wait3A_1552 = arith.constant 0 : i32
      %dma_wait3A_1553 = tpu.memref_slice %arg5[%add3A_1545, %dma_wait3A_1552] : memref<512x50xi32, #tpu.memory_space<vmem>> -> memref<1x50xi32, #tpu.memory_space<vmem>>
      %dma_wait3A_1554 = tpu.memref_squeeze %dma_wait3A_1553 : memref<1x50xi32, #tpu.memory_space<vmem>> -> memref<50xi32, #tpu.memory_space<vmem>>
      %dma_wait3A_1555 = arith.constant 0 : i32
      %dma_wait3A_1556 = arith.constant 0 : i32
      %dma_wait3A_1557 = tpu.memref_slice %arg3[%dma_wait3A_1555, %dma_wait3A_1556] : memref<100000x64xf32, #tpu.memory_space<hbm>> -> memref<100000x64xf32, #tpu.memory_space<hbm>>
      tpu.wait_indirect_dma semaphore(%arg10 : memref<!tpu.dma_semaphore, #tpu.memory_space<semaphore_mem>>) src(%dma_wait3A_1557 : memref<100000x64xf32, #tpu.memory_space<hbm>>) dst(%dma_wait3A_1551 : memref<50x64xf32, #tpu.memory_space<vmem>>)
      %mul3A_1558 = arith.constant 4 : i32
      %mul3A_1559 = arith.muli %add3A_1525, %mul3A_1558 : i32
      %add3A_1560 = arith.constant 2 : i32
      %add3A_1561 = arith.addi %mul3A_1559, %add3A_1560 : i32
      %dma_wait3A_1562 = arith.constant 3 : i32
      %dma_wait3A_1563 = arith.constant 2 : i32
      %dma_wait3A_1564 = arith.constant 0 : i32
      %dma_wait3A_1565 = arith.constant 0 : i32
      %dma_wait3A_1566 = tpu.memref_slice %arg6[%dma_wait3A_1562, %dma_wait3A_1563, %dma_wait3A_1564, %dma_wait3A_1565] : memref<4x4x50x64xf32, #tpu.memory_space<vmem>> -> memref<1x1x50x64xf32, #tpu.memory_space<vmem>>
      %dma_wait3A_1567 = tpu.memref_squeeze %dma_wait3A_1566 : memref<1x1x50x64xf32, #tpu.memory_space<vmem>> -> memref<50x64xf32, #tpu.memory_space<vmem>>
      %dma_wait3A_1568 = arith.constant 0 : i32
      %dma_wait3A_1569 = tpu.memref_slice %arg5[%add3A_1561, %dma_wait3A_1568] : memref<512x50xi32, #tpu.memory_space<vmem>> -> memref<1x50xi32, #tpu.memory_space<vmem>>
      %dma_wait3A_1570 = tpu.memref_squeeze %dma_wait3A_1569 : memref<1x50xi32, #tpu.memory_space<vmem>> -> memref<50xi32, #tpu.memory_space<vmem>>
      %dma_wait3A_1571 = arith.constant 0 : i32
      %dma_wait3A_1572 = arith.constant 0 : i32
      %dma_wait3A_1573 = tpu.memref_slice %arg3[%dma_wait3A_1571, %dma_wait3A_1572] : memref<100000x64xf32, #tpu.memory_space<hbm>> -> memref<100000x64xf32, #tpu.memory_space<hbm>>
      tpu.wait_indirect_dma semaphore(%arg10 : memref<!tpu.dma_semaphore, #tpu.memory_space<semaphore_mem>>) src(%dma_wait3A_1573 : memref<100000x64xf32, #tpu.memory_space<hbm>>) dst(%dma_wait3A_1567 : memref<50x64xf32, #tpu.memory_space<vmem>>)
      %mul3A_1574 = arith.constant 4 : i32
      %mul3A_1575 = arith.muli %add3A_1525, %mul3A_1574 : i32
      %add3A_1576 = arith.constant 3 : i32
      %add3A_1577 = arith.addi %mul3A_1575, %add3A_1576 : i32
      %dma_wait3A_1578 = arith.constant 3 : i32
      %dma_wait3A_1579 = arith.constant 3 : i32
      %dma_wait3A_1580 = arith.constant 0 : i32
      %dma_wait3A_1581 = arith.constant 0 : i32
      %dma_wait3A_1582 = tpu.memref_slice %arg6[%dma_wait3A_1578, %dma_wait3A_1579, %dma_wait3A_1580, %dma_wait3A_1581] : memref<4x4x50x64xf32, #tpu.memory_space<vmem>> -> memref<1x1x50x64xf32, #tpu.memory_space<vmem>>
      %dma_wait3A_1583 = tpu.memref_squeeze %dma_wait3A_1582 : memref<1x1x50x64xf32, #tpu.memory_space<vmem>> -> memref<50x64xf32, #tpu.memory_space<vmem>>
      %dma_wait3A_1584 = arith.constant 0 : i32
      %dma_wait3A_1585 = tpu.memref_slice %arg5[%add3A_1577, %dma_wait3A_1584] : memref<512x50xi32, #tpu.memory_space<vmem>> -> memref<1x50xi32, #tpu.memory_space<vmem>>
      %dma_wait3A_1586 = tpu.memref_squeeze %dma_wait3A_1585 : memref<1x50xi32, #tpu.memory_space<vmem>> -> memref<50xi32, #tpu.memory_space<vmem>>
      %dma_wait3A_1587 = arith.constant 0 : i32
      %dma_wait3A_1588 = arith.constant 0 : i32
      %dma_wait3A_1589 = tpu.memref_slice %arg3[%dma_wait3A_1587, %dma_wait3A_1588] : memref<100000x64xf32, #tpu.memory_space<hbm>> -> memref<100000x64xf32, #tpu.memory_space<hbm>>
      tpu.wait_indirect_dma semaphore(%arg10 : memref<!tpu.dma_semaphore, #tpu.memory_space<semaphore_mem>>) src(%dma_wait3A_1589 : memref<100000x64xf32, #tpu.memory_space<hbm>>) dst(%dma_wait3A_1583 : memref<50x64xf32, #tpu.memory_space<vmem>>)
      %add3A_1590 = arith.constant 3 : i32
      %add3A_1591 = arith.addi %mul3A_1067, %add3A_1590 : i32
      %mul3A_1592 = arith.constant 4 : i32
      %mul3A_1593 = arith.muli %add3A_1591, %mul3A_1592 : i32
      %add3A_1594 = arith.addi %mul3A_2, %mul3A_1593 : i32
      %add3A_1595 = arith.constant 0 : i32
      %add3A_1596 = arith.addi %add3A_1594, %add3A_1595 : i32
      %mul3A_1597 = arith.constant 56 : i32
      %mul3A_1598 = arith.muli %add3A_1596, %mul3A_1597 : i32
      %dma_start3A_1599 = arith.constant 3 : i32
      %dma_start3A_1600 = arith.constant 0 : i32
      %dma_start3A_1601 = arith.constant 0 : i32
      %dma_start3A_1602 = arith.constant 0 : i32
      %dma_start3A_1603 = tpu.memref_slice %arg6[%dma_start3A_1599, %dma_start3A_1600, %dma_start3A_1601, %dma_start3A_1602] : memref<4x4x50x64xf32, #tpu.memory_space<vmem>> -> memref<1x1x50x64xf32, #tpu.memory_space<vmem>>
      %dma_start3A_1604 = tpu.memref_squeeze %dma_start3A_1603 : memref<1x1x50x64xf32, #tpu.memory_space<vmem>> -> memref<50x64xf32, #tpu.memory_space<vmem>>
      %dma_start3A_1605 = arith.constant 0 : i32
      %dma_start3A_1606 = tpu.memref_slice %arg4[%mul3A_1598, %dma_start3A_1605] : memref<917504x128xf32, #tpu.memory_space<hbm>> -> memref<50x64xf32, #tpu.memory_space<hbm>>
      %dma_start3A_1607 = arith.constant 0 : i32
      %dma_start3A_1608 = tpu.memref_slice %arg4[%mul3A_1598, %dma_start3A_1607] : memref<917504x128xf32, #tpu.memory_space<hbm>> -> memref<50x64xf32, #tpu.memory_space<hbm>>
      %dma_start3A_1609 = arith.constant 0 : i32
      %dma_start3A_1610 = arith.constant 0 : i32
      %dma_start3A_1611 = tpu.memref_slice %arg6[%dma_start3A_1599, %dma_start3A_1600, %dma_start3A_1609, %dma_start3A_1610] : memref<4x4x50x64xf32, #tpu.memory_space<vmem>> -> memref<1x1x50x64xf32, #tpu.memory_space<vmem>>
      %dma_start3A_1612 = tpu.memref_squeeze %dma_start3A_1611 : memref<1x1x50x64xf32, #tpu.memory_space<vmem>> -> memref<50x64xf32, #tpu.memory_space<vmem>>
      tpu.enqueue_dma source(%dma_start3A_1612 : memref<50x64xf32, #tpu.memory_space<vmem>>) target(%dma_start3A_1608 : memref<50x64xf32, #tpu.memory_space<hbm>>) target_semaphore(%arg14 : memref<!tpu.dma_semaphore, #tpu.memory_space<semaphore_mem>>)
      %mul3A_1613 = arith.constant 4 : i32
      %mul3A_1614 = arith.muli %add3A_1591, %mul3A_1613 : i32
      %add3A_1615 = arith.addi %mul3A_2, %mul3A_1614 : i32
      %add3A_1616 = arith.constant 1 : i32
      %add3A_1617 = arith.addi %add3A_1615, %add3A_1616 : i32
      %mul3A_1618 = arith.constant 56 : i32
      %mul3A_1619 = arith.muli %add3A_1617, %mul3A_1618 : i32
      %dma_start3A_1620 = arith.constant 3 : i32
      %dma_start3A_1621 = arith.constant 1 : i32
      %dma_start3A_1622 = arith.constant 0 : i32
      %dma_start3A_1623 = arith.constant 0 : i32
      %dma_start3A_1624 = tpu.memref_slice %arg6[%dma_start3A_1620, %dma_start3A_1621, %dma_start3A_1622, %dma_start3A_1623] : memref<4x4x50x64xf32, #tpu.memory_space<vmem>> -> memref<1x1x50x64xf32, #tpu.memory_space<vmem>>
      %dma_start3A_1625 = tpu.memref_squeeze %dma_start3A_1624 : memref<1x1x50x64xf32, #tpu.memory_space<vmem>> -> memref<50x64xf32, #tpu.memory_space<vmem>>
      %dma_start3A_1626 = arith.constant 0 : i32
      %dma_start3A_1627 = tpu.memref_slice %arg4[%mul3A_1619, %dma_start3A_1626] : memref<917504x128xf32, #tpu.memory_space<hbm>> -> memref<50x64xf32, #tpu.memory_space<hbm>>
      %dma_start3A_1628 = arith.constant 0 : i32
      %dma_start3A_1629 = tpu.memref_slice %arg4[%mul3A_1619, %dma_start3A_1628] : memref<917504x128xf32, #tpu.memory_space<hbm>> -> memref<50x64xf32, #tpu.memory_space<hbm>>
      %dma_start3A_1630 = arith.constant 0 : i32
      %dma_start3A_1631 = arith.constant 0 : i32
      %dma_start3A_1632 = tpu.memref_slice %arg6[%dma_start3A_1620, %dma_start3A_1621, %dma_start3A_1630, %dma_start3A_1631] : memref<4x4x50x64xf32, #tpu.memory_space<vmem>> -> memref<1x1x50x64xf32, #tpu.memory_space<vmem>>
      %dma_start3A_1633 = tpu.memref_squeeze %dma_start3A_1632 : memref<1x1x50x64xf32, #tpu.memory_space<vmem>> -> memref<50x64xf32, #tpu.memory_space<vmem>>
      tpu.enqueue_dma source(%dma_start3A_1633 : memref<50x64xf32, #tpu.memory_space<vmem>>) target(%dma_start3A_1629 : memref<50x64xf32, #tpu.memory_space<hbm>>) target_semaphore(%arg14 : memref<!tpu.dma_semaphore, #tpu.memory_space<semaphore_mem>>)
      %mul3A_1634 = arith.constant 4 : i32
      %mul3A_1635 = arith.muli %add3A_1591, %mul3A_1634 : i32
      %add3A_1636 = arith.addi %mul3A_2, %mul3A_1635 : i32
      %add3A_1637 = arith.constant 2 : i32
      %add3A_1638 = arith.addi %add3A_1636, %add3A_1637 : i32
      %mul3A_1639 = arith.constant 56 : i32
      %mul3A_1640 = arith.muli %add3A_1638, %mul3A_1639 : i32
      %dma_start3A_1641 = arith.constant 3 : i32
      %dma_start3A_1642 = arith.constant 2 : i32
      %dma_start3A_1643 = arith.constant 0 : i32
      %dma_start3A_1644 = arith.constant 0 : i32
      %dma_start3A_1645 = tpu.memref_slice %arg6[%dma_start3A_1641, %dma_start3A_1642, %dma_start3A_1643, %dma_start3A_1644] : memref<4x4x50x64xf32, #tpu.memory_space<vmem>> -> memref<1x1x50x64xf32, #tpu.memory_space<vmem>>
      %dma_start3A_1646 = tpu.memref_squeeze %dma_start3A_1645 : memref<1x1x50x64xf32, #tpu.memory_space<vmem>> -> memref<50x64xf32, #tpu.memory_space<vmem>>
      %dma_start3A_1647 = arith.constant 0 : i32
      %dma_start3A_1648 = tpu.memref_slice %arg4[%mul3A_1640, %dma_start3A_1647] : memref<917504x128xf32, #tpu.memory_space<hbm>> -> memref<50x64xf32, #tpu.memory_space<hbm>>
      %dma_start3A_1649 = arith.constant 0 : i32
      %dma_start3A_1650 = tpu.memref_slice %arg4[%mul3A_1640, %dma_start3A_1649] : memref<917504x128xf32, #tpu.memory_space<hbm>> -> memref<50x64xf32, #tpu.memory_space<hbm>>
      %dma_start3A_1651 = arith.constant 0 : i32
      %dma_start3A_1652 = arith.constant 0 : i32
      %dma_start3A_1653 = tpu.memref_slice %arg6[%dma_start3A_1641, %dma_start3A_1642, %dma_start3A_1651, %dma_start3A_1652] : memref<4x4x50x64xf32, #tpu.memory_space<vmem>> -> memref<1x1x50x64xf32, #tpu.memory_space<vmem>>
      %dma_start3A_1654 = tpu.memref_squeeze %dma_start3A_1653 : memref<1x1x50x64xf32, #tpu.memory_space<vmem>> -> memref<50x64xf32, #tpu.memory_space<vmem>>
      tpu.enqueue_dma source(%dma_start3A_1654 : memref<50x64xf32, #tpu.memory_space<vmem>>) target(%dma_start3A_1650 : memref<50x64xf32, #tpu.memory_space<hbm>>) target_semaphore(%arg14 : memref<!tpu.dma_semaphore, #tpu.memory_space<semaphore_mem>>)
      %mul3A_1655 = arith.constant 4 : i32
      %mul3A_1656 = arith.muli %add3A_1591, %mul3A_1655 : i32
      %add3A_1657 = arith.addi %mul3A_2, %mul3A_1656 : i32
      %add3A_1658 = arith.constant 3 : i32
      %add3A_1659 = arith.addi %add3A_1657, %add3A_1658 : i32
      %mul3A_1660 = arith.constant 56 : i32
      %mul3A_1661 = arith.muli %add3A_1659, %mul3A_1660 : i32
      %dma_start3A_1662 = arith.constant 3 : i32
      %dma_start3A_1663 = arith.constant 3 : i32
      %dma_start3A_1664 = arith.constant 0 : i32
      %dma_start3A_1665 = arith.constant 0 : i32
      %dma_start3A_1666 = tpu.memref_slice %arg6[%dma_start3A_1662, %dma_start3A_1663, %dma_start3A_1664, %dma_start3A_1665] : memref<4x4x50x64xf32, #tpu.memory_space<vmem>> -> memref<1x1x50x64xf32, #tpu.memory_space<vmem>>
      %dma_start3A_1667 = tpu.memref_squeeze %dma_start3A_1666 : memref<1x1x50x64xf32, #tpu.memory_space<vmem>> -> memref<50x64xf32, #tpu.memory_space<vmem>>
      %dma_start3A_1668 = arith.constant 0 : i32
      %dma_start3A_1669 = tpu.memref_slice %arg4[%mul3A_1661, %dma_start3A_1668] : memref<917504x128xf32, #tpu.memory_space<hbm>> -> memref<50x64xf32, #tpu.memory_space<hbm>>
      %dma_start3A_1670 = arith.constant 0 : i32
      %dma_start3A_1671 = tpu.memref_slice %arg4[%mul3A_1661, %dma_start3A_1670] : memref<917504x128xf32, #tpu.memory_space<hbm>> -> memref<50x64xf32, #tpu.memory_space<hbm>>
      %dma_start3A_1672 = arith.constant 0 : i32
      %dma_start3A_1673 = arith.constant 0 : i32
      %dma_start3A_1674 = tpu.memref_slice %arg6[%dma_start3A_1662, %dma_start3A_1663, %dma_start3A_1672, %dma_start3A_1673] : memref<4x4x50x64xf32, #tpu.memory_space<vmem>> -> memref<1x1x50x64xf32, #tpu.memory_space<vmem>>
      %dma_start3A_1675 = tpu.memref_squeeze %dma_start3A_1674 : memref<1x1x50x64xf32, #tpu.memory_space<vmem>> -> memref<50x64xf32, #tpu.memory_space<vmem>>
      tpu.enqueue_dma source(%dma_start3A_1675 : memref<50x64xf32, #tpu.memory_space<vmem>>) target(%dma_start3A_1671 : memref<50x64xf32, #tpu.memory_space<hbm>>) target_semaphore(%arg14 : memref<!tpu.dma_semaphore, #tpu.memory_space<semaphore_mem>>)
      %add3A_1676 = arith.constant 0 : i32
      %add3A_1677 = arith.addi %mul3A_1067, %add3A_1676 : i32
      %mul3A_1678 = arith.constant 4 : i32
      %mul3A_1679 = arith.muli %add3A_1677, %mul3A_1678 : i32
      %add3A_1680 = arith.addi %mul3A_2, %mul3A_1679 : i32
      %add3A_1681 = arith.constant 0 : i32
      %add3A_1682 = arith.addi %add3A_1680, %add3A_1681 : i32
      %mul3A_1683 = arith.constant 56 : i32
      %mul3A_1684 = arith.muli %add3A_1682, %mul3A_1683 : i32
      %dma_wait3A_1685 = arith.constant 0 : i32
      %dma_wait3A_1686 = arith.constant 0 : i32
      %dma_wait3A_1687 = arith.constant 0 : i32
      %dma_wait3A_1688 = arith.constant 0 : i32
      %dma_wait3A_1689 = tpu.memref_slice %arg6[%dma_wait3A_1685, %dma_wait3A_1686, %dma_wait3A_1687, %dma_wait3A_1688] : memref<4x4x50x64xf32, #tpu.memory_space<vmem>> -> memref<1x1x50x64xf32, #tpu.memory_space<vmem>>
      %dma_wait3A_1690 = tpu.memref_squeeze %dma_wait3A_1689 : memref<1x1x50x64xf32, #tpu.memory_space<vmem>> -> memref<50x64xf32, #tpu.memory_space<vmem>>
      %dma_wait3A_1691 = arith.constant 0 : i32
      %dma_wait3A_1692 = tpu.memref_slice %arg4[%mul3A_1684, %dma_wait3A_1691] : memref<917504x128xf32, #tpu.memory_space<hbm>> -> memref<50x64xf32, #tpu.memory_space<hbm>>
      %dma_wait3A_1693 = arith.constant 0 : i32
      %dma_wait3A_1694 = tpu.memref_slice %arg4[%mul3A_1684, %dma_wait3A_1693] : memref<917504x128xf32, #tpu.memory_space<hbm>> -> memref<50x64xf32, #tpu.memory_space<hbm>>
      %dma_wait3A_1695 = arith.constant 0 : i32
      %dma_wait3A_1696 = arith.constant 0 : i32
      %dma_wait3A_1697 = tpu.memref_slice %arg6[%dma_wait3A_1685, %dma_wait3A_1686, %dma_wait3A_1695, %dma_wait3A_1696] : memref<4x4x50x64xf32, #tpu.memory_space<vmem>> -> memref<1x1x50x64xf32, #tpu.memory_space<vmem>>
      %dma_wait3A_1698 = tpu.memref_squeeze %dma_wait3A_1697 : memref<1x1x50x64xf32, #tpu.memory_space<vmem>> -> memref<50x64xf32, #tpu.memory_space<vmem>>
      tpu.wait_dma2 semaphore(%arg11 : memref<!tpu.dma_semaphore, #tpu.memory_space<semaphore_mem>>) src(%dma_wait3A_1698 : memref<50x64xf32, #tpu.memory_space<vmem>>) dst(%dma_wait3A_1694 : memref<50x64xf32, #tpu.memory_space<hbm>>)
      %mul3A_1699 = arith.constant 4 : i32
      %mul3A_1700 = arith.muli %add3A_1677, %mul3A_1699 : i32
      %add3A_1701 = arith.addi %mul3A_2, %mul3A_1700 : i32
      %add3A_1702 = arith.constant 1 : i32
      %add3A_1703 = arith.addi %add3A_1701, %add3A_1702 : i32
      %mul3A_1704 = arith.constant 56 : i32
      %mul3A_1705 = arith.muli %add3A_1703, %mul3A_1704 : i32
      %dma_wait3A_1706 = arith.constant 0 : i32
      %dma_wait3A_1707 = arith.constant 1 : i32
      %dma_wait3A_1708 = arith.constant 0 : i32
      %dma_wait3A_1709 = arith.constant 0 : i32
      %dma_wait3A_1710 = tpu.memref_slice %arg6[%dma_wait3A_1706, %dma_wait3A_1707, %dma_wait3A_1708, %dma_wait3A_1709] : memref<4x4x50x64xf32, #tpu.memory_space<vmem>> -> memref<1x1x50x64xf32, #tpu.memory_space<vmem>>
      %dma_wait3A_1711 = tpu.memref_squeeze %dma_wait3A_1710 : memref<1x1x50x64xf32, #tpu.memory_space<vmem>> -> memref<50x64xf32, #tpu.memory_space<vmem>>
      %dma_wait3A_1712 = arith.constant 0 : i32
      %dma_wait3A_1713 = tpu.memref_slice %arg4[%mul3A_1705, %dma_wait3A_1712] : memref<917504x128xf32, #tpu.memory_space<hbm>> -> memref<50x64xf32, #tpu.memory_space<hbm>>
      %dma_wait3A_1714 = arith.constant 0 : i32
      %dma_wait3A_1715 = tpu.memref_slice %arg4[%mul3A_1705, %dma_wait3A_1714] : memref<917504x128xf32, #tpu.memory_space<hbm>> -> memref<50x64xf32, #tpu.memory_space<hbm>>
      %dma_wait3A_1716 = arith.constant 0 : i32
      %dma_wait3A_1717 = arith.constant 0 : i32
      %dma_wait3A_1718 = tpu.memref_slice %arg6[%dma_wait3A_1706, %dma_wait3A_1707, %dma_wait3A_1716, %dma_wait3A_1717] : memref<4x4x50x64xf32, #tpu.memory_space<vmem>> -> memref<1x1x50x64xf32, #tpu.memory_space<vmem>>
      %dma_wait3A_1719 = tpu.memref_squeeze %dma_wait3A_1718 : memref<1x1x50x64xf32, #tpu.memory_space<vmem>> -> memref<50x64xf32, #tpu.memory_space<vmem>>
      tpu.wait_dma2 semaphore(%arg11 : memref<!tpu.dma_semaphore, #tpu.memory_space<semaphore_mem>>) src(%dma_wait3A_1719 : memref<50x64xf32, #tpu.memory_space<vmem>>) dst(%dma_wait3A_1715 : memref<50x64xf32, #tpu.memory_space<hbm>>)
      %mul3A_1720 = arith.constant 4 : i32
      %mul3A_1721 = arith.muli %add3A_1677, %mul3A_1720 : i32
      %add3A_1722 = arith.addi %mul3A_2, %mul3A_1721 : i32
      %add3A_1723 = arith.constant 2 : i32
      %add3A_1724 = arith.addi %add3A_1722, %add3A_1723 : i32
      %mul3A_1725 = arith.constant 56 : i32
      %mul3A_1726 = arith.muli %add3A_1724, %mul3A_1725 : i32
      %dma_wait3A_1727 = arith.constant 0 : i32
      %dma_wait3A_1728 = arith.constant 2 : i32
      %dma_wait3A_1729 = arith.constant 0 : i32
      %dma_wait3A_1730 = arith.constant 0 : i32
      %dma_wait3A_1731 = tpu.memref_slice %arg6[%dma_wait3A_1727, %dma_wait3A_1728, %dma_wait3A_1729, %dma_wait3A_1730] : memref<4x4x50x64xf32, #tpu.memory_space<vmem>> -> memref<1x1x50x64xf32, #tpu.memory_space<vmem>>
      %dma_wait3A_1732 = tpu.memref_squeeze %dma_wait3A_1731 : memref<1x1x50x64xf32, #tpu.memory_space<vmem>> -> memref<50x64xf32, #tpu.memory_space<vmem>>
      %dma_wait3A_1733 = arith.constant 0 : i32
      %dma_wait3A_1734 = tpu.memref_slice %arg4[%mul3A_1726, %dma_wait3A_1733] : memref<917504x128xf32, #tpu.memory_space<hbm>> -> memref<50x64xf32, #tpu.memory_space<hbm>>
      %dma_wait3A_1735 = arith.constant 0 : i32
      %dma_wait3A_1736 = tpu.memref_slice %arg4[%mul3A_1726, %dma_wait3A_1735] : memref<917504x128xf32, #tpu.memory_space<hbm>> -> memref<50x64xf32, #tpu.memory_space<hbm>>
      %dma_wait3A_1737 = arith.constant 0 : i32
      %dma_wait3A_1738 = arith.constant 0 : i32
      %dma_wait3A_1739 = tpu.memref_slice %arg6[%dma_wait3A_1727, %dma_wait3A_1728, %dma_wait3A_1737, %dma_wait3A_1738] : memref<4x4x50x64xf32, #tpu.memory_space<vmem>> -> memref<1x1x50x64xf32, #tpu.memory_space<vmem>>
      %dma_wait3A_1740 = tpu.memref_squeeze %dma_wait3A_1739 : memref<1x1x50x64xf32, #tpu.memory_space<vmem>> -> memref<50x64xf32, #tpu.memory_space<vmem>>
      tpu.wait_dma2 semaphore(%arg11 : memref<!tpu.dma_semaphore, #tpu.memory_space<semaphore_mem>>) src(%dma_wait3A_1740 : memref<50x64xf32, #tpu.memory_space<vmem>>) dst(%dma_wait3A_1736 : memref<50x64xf32, #tpu.memory_space<hbm>>)
      %mul3A_1741 = arith.constant 4 : i32
      %mul3A_1742 = arith.muli %add3A_1677, %mul3A_1741 : i32
      %add3A_1743 = arith.addi %mul3A_2, %mul3A_1742 : i32
      %add3A_1744 = arith.constant 3 : i32
      %add3A_1745 = arith.addi %add3A_1743, %add3A_1744 : i32
      %mul3A_1746 = arith.constant 56 : i32
      %mul3A_1747 = arith.muli %add3A_1745, %mul3A_1746 : i32
      %dma_wait3A_1748 = arith.constant 0 : i32
      %dma_wait3A_1749 = arith.constant 3 : i32
      %dma_wait3A_1750 = arith.constant 0 : i32
      %dma_wait3A_1751 = arith.constant 0 : i32
      %dma_wait3A_1752 = tpu.memref_slice %arg6[%dma_wait3A_1748, %dma_wait3A_1749, %dma_wait3A_1750, %dma_wait3A_1751] : memref<4x4x50x64xf32, #tpu.memory_space<vmem>> -> memref<1x1x50x64xf32, #tpu.memory_space<vmem>>
      %dma_wait3A_1753 = tpu.memref_squeeze %dma_wait3A_1752 : memref<1x1x50x64xf32, #tpu.memory_space<vmem>> -> memref<50x64xf32, #tpu.memory_space<vmem>>
      %dma_wait3A_1754 = arith.constant 0 : i32
      %dma_wait3A_1755 = tpu.memref_slice %arg4[%mul3A_1747, %dma_wait3A_1754] : memref<917504x128xf32, #tpu.memory_space<hbm>> -> memref<50x64xf32, #tpu.memory_space<hbm>>
      %dma_wait3A_1756 = arith.constant 0 : i32
      %dma_wait3A_1757 = tpu.memref_slice %arg4[%mul3A_1747, %dma_wait3A_1756] : memref<917504x128xf32, #tpu.memory_space<hbm>> -> memref<50x64xf32, #tpu.memory_space<hbm>>
      %dma_wait3A_1758 = arith.constant 0 : i32
      %dma_wait3A_1759 = arith.constant 0 : i32
      %dma_wait3A_1760 = tpu.memref_slice %arg6[%dma_wait3A_1748, %dma_wait3A_1749, %dma_wait3A_1758, %dma_wait3A_1759] : memref<4x4x50x64xf32, #tpu.memory_space<vmem>> -> memref<1x1x50x64xf32, #tpu.memory_space<vmem>>
      %dma_wait3A_1761 = tpu.memref_squeeze %dma_wait3A_1760 : memref<1x1x50x64xf32, #tpu.memory_space<vmem>> -> memref<50x64xf32, #tpu.memory_space<vmem>>
      tpu.wait_dma2 semaphore(%arg11 : memref<!tpu.dma_semaphore, #tpu.memory_space<semaphore_mem>>) src(%dma_wait3A_1761 : memref<50x64xf32, #tpu.memory_space<vmem>>) dst(%dma_wait3A_1757 : memref<50x64xf32, #tpu.memory_space<hbm>>)
      %add3A_1762 = arith.constant 4 : i32
      %add3A_1763 = arith.addi %mul3A_1067, %add3A_1762 : i32
      %add3A_1764 = arith.constant 0 : i32
      %add3A_1765 = arith.addi %add3A_1763, %add3A_1764 : i32
      %mul3A_1766 = arith.constant 4 : i32
      %mul3A_1767 = arith.muli %add3A_1765, %mul3A_1766 : i32
      %add3A_1768 = arith.constant 0 : i32
      %add3A_1769 = arith.addi %mul3A_1767, %add3A_1768 : i32
      %dma_start3A_1770 = arith.constant 0 : i32
      %dma_start3A_1771 = arith.constant 0 : i32
      %dma_start3A_1772 = arith.constant 0 : i32
      %dma_start3A_1773 = arith.constant 0 : i32
      %dma_start3A_1774 = tpu.memref_slice %arg6[%dma_start3A_1770, %dma_start3A_1771, %dma_start3A_1772, %dma_start3A_1773] : memref<4x4x50x64xf32, #tpu.memory_space<vmem>> -> memref<1x1x50x64xf32, #tpu.memory_space<vmem>>
      %dma_start3A_1775 = tpu.memref_squeeze %dma_start3A_1774 : memref<1x1x50x64xf32, #tpu.memory_space<vmem>> -> memref<50x64xf32, #tpu.memory_space<vmem>>
      %dma_start3A_1776 = arith.constant 0 : i32
      %dma_start3A_1777 = tpu.memref_slice %arg5[%add3A_1769, %dma_start3A_1776] : memref<512x50xi32, #tpu.memory_space<vmem>> -> memref<1x50xi32, #tpu.memory_space<vmem>>
      %dma_start3A_1778 = tpu.memref_squeeze %dma_start3A_1777 : memref<1x50xi32, #tpu.memory_space<vmem>> -> memref<50xi32, #tpu.memory_space<vmem>>
      %dma_start3A_1779 = arith.constant 0 : i32
      %dma_start3A_1780 = arith.constant 0 : i32
      %dma_start3A_1781 = tpu.memref_slice %arg3[%dma_start3A_1779, %dma_start3A_1780] : memref<100000x64xf32, #tpu.memory_space<hbm>> -> memref<100000x64xf32, #tpu.memory_space<hbm>>
      tpu.enqueue_indirect_dma source(%dma_start3A_1781 : memref<100000x64xf32, #tpu.memory_space<hbm>>) target(%dma_start3A_1775 : memref<50x64xf32, #tpu.memory_space<vmem>>) offsets(%dma_start3A_1778 : memref<50xi32, #tpu.memory_space<vmem>>) semaphore(%arg7 : memref<!tpu.dma_semaphore, #tpu.memory_space<semaphore_mem>>)
      %mul3A_1782 = arith.constant 4 : i32
      %mul3A_1783 = arith.muli %add3A_1765, %mul3A_1782 : i32
      %add3A_1784 = arith.constant 1 : i32
      %add3A_1785 = arith.addi %mul3A_1783, %add3A_1784 : i32
      %dma_start3A_1786 = arith.constant 0 : i32
      %dma_start3A_1787 = arith.constant 1 : i32
      %dma_start3A_1788 = arith.constant 0 : i32
      %dma_start3A_1789 = arith.constant 0 : i32
      %dma_start3A_1790 = tpu.memref_slice %arg6[%dma_start3A_1786, %dma_start3A_1787, %dma_start3A_1788, %dma_start3A_1789] : memref<4x4x50x64xf32, #tpu.memory_space<vmem>> -> memref<1x1x50x64xf32, #tpu.memory_space<vmem>>
      %dma_start3A_1791 = tpu.memref_squeeze %dma_start3A_1790 : memref<1x1x50x64xf32, #tpu.memory_space<vmem>> -> memref<50x64xf32, #tpu.memory_space<vmem>>
      %dma_start3A_1792 = arith.constant 0 : i32
      %dma_start3A_1793 = tpu.memref_slice %arg5[%add3A_1785, %dma_start3A_1792] : memref<512x50xi32, #tpu.memory_space<vmem>> -> memref<1x50xi32, #tpu.memory_space<vmem>>
      %dma_start3A_1794 = tpu.memref_squeeze %dma_start3A_1793 : memref<1x50xi32, #tpu.memory_space<vmem>> -> memref<50xi32, #tpu.memory_space<vmem>>
      %dma_start3A_1795 = arith.constant 0 : i32
      %dma_start3A_1796 = arith.constant 0 : i32
      %dma_start3A_1797 = tpu.memref_slice %arg3[%dma_start3A_1795, %dma_start3A_1796] : memref<100000x64xf32, #tpu.memory_space<hbm>> -> memref<100000x64xf32, #tpu.memory_space<hbm>>
      tpu.enqueue_indirect_dma source(%dma_start3A_1797 : memref<100000x64xf32, #tpu.memory_space<hbm>>) target(%dma_start3A_1791 : memref<50x64xf32, #tpu.memory_space<vmem>>) offsets(%dma_start3A_1794 : memref<50xi32, #tpu.memory_space<vmem>>) semaphore(%arg7 : memref<!tpu.dma_semaphore, #tpu.memory_space<semaphore_mem>>)
      %mul3A_1798 = arith.constant 4 : i32
      %mul3A_1799 = arith.muli %add3A_1765, %mul3A_1798 : i32
      %add3A_1800 = arith.constant 2 : i32
      %add3A_1801 = arith.addi %mul3A_1799, %add3A_1800 : i32
      %dma_start3A_1802 = arith.constant 0 : i32
      %dma_start3A_1803 = arith.constant 2 : i32
      %dma_start3A_1804 = arith.constant 0 : i32
      %dma_start3A_1805 = arith.constant 0 : i32
      %dma_start3A_1806 = tpu.memref_slice %arg6[%dma_start3A_1802, %dma_start3A_1803, %dma_start3A_1804, %dma_start3A_1805] : memref<4x4x50x64xf32, #tpu.memory_space<vmem>> -> memref<1x1x50x64xf32, #tpu.memory_space<vmem>>
      %dma_start3A_1807 = tpu.memref_squeeze %dma_start3A_1806 : memref<1x1x50x64xf32, #tpu.memory_space<vmem>> -> memref<50x64xf32, #tpu.memory_space<vmem>>
      %dma_start3A_1808 = arith.constant 0 : i32
      %dma_start3A_1809 = tpu.memref_slice %arg5[%add3A_1801, %dma_start3A_1808] : memref<512x50xi32, #tpu.memory_space<vmem>> -> memref<1x50xi32, #tpu.memory_space<vmem>>
      %dma_start3A_1810 = tpu.memref_squeeze %dma_start3A_1809 : memref<1x50xi32, #tpu.memory_space<vmem>> -> memref<50xi32, #tpu.memory_space<vmem>>
      %dma_start3A_1811 = arith.constant 0 : i32
      %dma_start3A_1812 = arith.constant 0 : i32
      %dma_start3A_1813 = tpu.memref_slice %arg3[%dma_start3A_1811, %dma_start3A_1812] : memref<100000x64xf32, #tpu.memory_space<hbm>> -> memref<100000x64xf32, #tpu.memory_space<hbm>>
      tpu.enqueue_indirect_dma source(%dma_start3A_1813 : memref<100000x64xf32, #tpu.memory_space<hbm>>) target(%dma_start3A_1807 : memref<50x64xf32, #tpu.memory_space<vmem>>) offsets(%dma_start3A_1810 : memref<50xi32, #tpu.memory_space<vmem>>) semaphore(%arg7 : memref<!tpu.dma_semaphore, #tpu.memory_space<semaphore_mem>>)
      %mul3A_1814 = arith.constant 4 : i32
      %mul3A_1815 = arith.muli %add3A_1765, %mul3A_1814 : i32
      %add3A_1816 = arith.constant 3 : i32
      %add3A_1817 = arith.addi %mul3A_1815, %add3A_1816 : i32
      %dma_start3A_1818 = arith.constant 0 : i32
      %dma_start3A_1819 = arith.constant 3 : i32
      %dma_start3A_1820 = arith.constant 0 : i32
      %dma_start3A_1821 = arith.constant 0 : i32
      %dma_start3A_1822 = tpu.memref_slice %arg6[%dma_start3A_1818, %dma_start3A_1819, %dma_start3A_1820, %dma_start3A_1821] : memref<4x4x50x64xf32, #tpu.memory_space<vmem>> -> memref<1x1x50x64xf32, #tpu.memory_space<vmem>>
      %dma_start3A_1823 = tpu.memref_squeeze %dma_start3A_1822 : memref<1x1x50x64xf32, #tpu.memory_space<vmem>> -> memref<50x64xf32, #tpu.memory_space<vmem>>
      %dma_start3A_1824 = arith.constant 0 : i32
      %dma_start3A_1825 = tpu.memref_slice %arg5[%add3A_1817, %dma_start3A_1824] : memref<512x50xi32, #tpu.memory_space<vmem>> -> memref<1x50xi32, #tpu.memory_space<vmem>>
      %dma_start3A_1826 = tpu.memref_squeeze %dma_start3A_1825 : memref<1x50xi32, #tpu.memory_space<vmem>> -> memref<50xi32, #tpu.memory_space<vmem>>
      %dma_start3A_1827 = arith.constant 0 : i32
      %dma_start3A_1828 = arith.constant 0 : i32
      %dma_start3A_1829 = tpu.memref_slice %arg3[%dma_start3A_1827, %dma_start3A_1828] : memref<100000x64xf32, #tpu.memory_space<hbm>> -> memref<100000x64xf32, #tpu.memory_space<hbm>>
      tpu.enqueue_indirect_dma source(%dma_start3A_1829 : memref<100000x64xf32, #tpu.memory_space<hbm>>) target(%dma_start3A_1823 : memref<50x64xf32, #tpu.memory_space<vmem>>) offsets(%dma_start3A_1826 : memref<50xi32, #tpu.memory_space<vmem>>) semaphore(%arg7 : memref<!tpu.dma_semaphore, #tpu.memory_space<semaphore_mem>>)
      %add3A_1830 = arith.constant 1 : i32
      %add3A_1831 = arith.addi %mul3A_1067, %add3A_1830 : i32
      %mul3A_1832 = arith.constant 4 : i32
      %mul3A_1833 = arith.muli %add3A_1831, %mul3A_1832 : i32
      %add3A_1834 = arith.addi %mul3A_2, %mul3A_1833 : i32
      %add3A_1835 = arith.constant 0 : i32
      %add3A_1836 = arith.addi %add3A_1834, %add3A_1835 : i32
      %mul3A_1837 = arith.constant 56 : i32
      %mul3A_1838 = arith.muli %add3A_1836, %mul3A_1837 : i32
      %dma_wait3A_1839 = arith.constant 1 : i32
      %dma_wait3A_1840 = arith.constant 0 : i32
      %dma_wait3A_1841 = arith.constant 0 : i32
      %dma_wait3A_1842 = arith.constant 0 : i32
      %dma_wait3A_1843 = tpu.memref_slice %arg6[%dma_wait3A_1839, %dma_wait3A_1840, %dma_wait3A_1841, %dma_wait3A_1842] : memref<4x4x50x64xf32, #tpu.memory_space<vmem>> -> memref<1x1x50x64xf32, #tpu.memory_space<vmem>>
      %dma_wait3A_1844 = tpu.memref_squeeze %dma_wait3A_1843 : memref<1x1x50x64xf32, #tpu.memory_space<vmem>> -> memref<50x64xf32, #tpu.memory_space<vmem>>
      %dma_wait3A_1845 = arith.constant 0 : i32
      %dma_wait3A_1846 = tpu.memref_slice %arg4[%mul3A_1838, %dma_wait3A_1845] : memref<917504x128xf32, #tpu.memory_space<hbm>> -> memref<50x64xf32, #tpu.memory_space<hbm>>
      %dma_wait3A_1847 = arith.constant 0 : i32
      %dma_wait3A_1848 = tpu.memref_slice %arg4[%mul3A_1838, %dma_wait3A_1847] : memref<917504x128xf32, #tpu.memory_space<hbm>> -> memref<50x64xf32, #tpu.memory_space<hbm>>
      %dma_wait3A_1849 = arith.constant 0 : i32
      %dma_wait3A_1850 = arith.constant 0 : i32
      %dma_wait3A_1851 = tpu.memref_slice %arg6[%dma_wait3A_1839, %dma_wait3A_1840, %dma_wait3A_1849, %dma_wait3A_1850] : memref<4x4x50x64xf32, #tpu.memory_space<vmem>> -> memref<1x1x50x64xf32, #tpu.memory_space<vmem>>
      %dma_wait3A_1852 = tpu.memref_squeeze %dma_wait3A_1851 : memref<1x1x50x64xf32, #tpu.memory_space<vmem>> -> memref<50x64xf32, #tpu.memory_space<vmem>>
      tpu.wait_dma2 semaphore(%arg12 : memref<!tpu.dma_semaphore, #tpu.memory_space<semaphore_mem>>) src(%dma_wait3A_1852 : memref<50x64xf32, #tpu.memory_space<vmem>>) dst(%dma_wait3A_1848 : memref<50x64xf32, #tpu.memory_space<hbm>>)
      %mul3A_1853 = arith.constant 4 : i32
      %mul3A_1854 = arith.muli %add3A_1831, %mul3A_1853 : i32
      %add3A_1855 = arith.addi %mul3A_2, %mul3A_1854 : i32
      %add3A_1856 = arith.constant 1 : i32
      %add3A_1857 = arith.addi %add3A_1855, %add3A_1856 : i32
      %mul3A_1858 = arith.constant 56 : i32
      %mul3A_1859 = arith.muli %add3A_1857, %mul3A_1858 : i32
      %dma_wait3A_1860 = arith.constant 1 : i32
      %dma_wait3A_1861 = arith.constant 1 : i32
      %dma_wait3A_1862 = arith.constant 0 : i32
      %dma_wait3A_1863 = arith.constant 0 : i32
      %dma_wait3A_1864 = tpu.memref_slice %arg6[%dma_wait3A_1860, %dma_wait3A_1861, %dma_wait3A_1862, %dma_wait3A_1863] : memref<4x4x50x64xf32, #tpu.memory_space<vmem>> -> memref<1x1x50x64xf32, #tpu.memory_space<vmem>>
      %dma_wait3A_1865 = tpu.memref_squeeze %dma_wait3A_1864 : memref<1x1x50x64xf32, #tpu.memory_space<vmem>> -> memref<50x64xf32, #tpu.memory_space<vmem>>
      %dma_wait3A_1866 = arith.constant 0 : i32
      %dma_wait3A_1867 = tpu.memref_slice %arg4[%mul3A_1859, %dma_wait3A_1866] : memref<917504x128xf32, #tpu.memory_space<hbm>> -> memref<50x64xf32, #tpu.memory_space<hbm>>
      %dma_wait3A_1868 = arith.constant 0 : i32
      %dma_wait3A_1869 = tpu.memref_slice %arg4[%mul3A_1859, %dma_wait3A_1868] : memref<917504x128xf32, #tpu.memory_space<hbm>> -> memref<50x64xf32, #tpu.memory_space<hbm>>
      %dma_wait3A_1870 = arith.constant 0 : i32
      %dma_wait3A_1871 = arith.constant 0 : i32
      %dma_wait3A_1872 = tpu.memref_slice %arg6[%dma_wait3A_1860, %dma_wait3A_1861, %dma_wait3A_1870, %dma_wait3A_1871] : memref<4x4x50x64xf32, #tpu.memory_space<vmem>> -> memref<1x1x50x64xf32, #tpu.memory_space<vmem>>
      %dma_wait3A_1873 = tpu.memref_squeeze %dma_wait3A_1872 : memref<1x1x50x64xf32, #tpu.memory_space<vmem>> -> memref<50x64xf32, #tpu.memory_space<vmem>>
      tpu.wait_dma2 semaphore(%arg12 : memref<!tpu.dma_semaphore, #tpu.memory_space<semaphore_mem>>) src(%dma_wait3A_1873 : memref<50x64xf32, #tpu.memory_space<vmem>>) dst(%dma_wait3A_1869 : memref<50x64xf32, #tpu.memory_space<hbm>>)
      %mul3A_1874 = arith.constant 4 : i32
      %mul3A_1875 = arith.muli %add3A_1831, %mul3A_1874 : i32
      %add3A_1876 = arith.addi %mul3A_2, %mul3A_1875 : i32
      %add3A_1877 = arith.constant 2 : i32
      %add3A_1878 = arith.addi %add3A_1876, %add3A_1877 : i32
      %mul3A_1879 = arith.constant 56 : i32
      %mul3A_1880 = arith.muli %add3A_1878, %mul3A_1879 : i32
      %dma_wait3A_1881 = arith.constant 1 : i32
      %dma_wait3A_1882 = arith.constant 2 : i32
      %dma_wait3A_1883 = arith.constant 0 : i32
      %dma_wait3A_1884 = arith.constant 0 : i32
      %dma_wait3A_1885 = tpu.memref_slice %arg6[%dma_wait3A_1881, %dma_wait3A_1882, %dma_wait3A_1883, %dma_wait3A_1884] : memref<4x4x50x64xf32, #tpu.memory_space<vmem>> -> memref<1x1x50x64xf32, #tpu.memory_space<vmem>>
      %dma_wait3A_1886 = tpu.memref_squeeze %dma_wait3A_1885 : memref<1x1x50x64xf32, #tpu.memory_space<vmem>> -> memref<50x64xf32, #tpu.memory_space<vmem>>
      %dma_wait3A_1887 = arith.constant 0 : i32
      %dma_wait3A_1888 = tpu.memref_slice %arg4[%mul3A_1880, %dma_wait3A_1887] : memref<917504x128xf32, #tpu.memory_space<hbm>> -> memref<50x64xf32, #tpu.memory_space<hbm>>
      %dma_wait3A_1889 = arith.constant 0 : i32
      %dma_wait3A_1890 = tpu.memref_slice %arg4[%mul3A_1880, %dma_wait3A_1889] : memref<917504x128xf32, #tpu.memory_space<hbm>> -> memref<50x64xf32, #tpu.memory_space<hbm>>
      %dma_wait3A_1891 = arith.constant 0 : i32
      %dma_wait3A_1892 = arith.constant 0 : i32
      %dma_wait3A_1893 = tpu.memref_slice %arg6[%dma_wait3A_1881, %dma_wait3A_1882, %dma_wait3A_1891, %dma_wait3A_1892] : memref<4x4x50x64xf32, #tpu.memory_space<vmem>> -> memref<1x1x50x64xf32, #tpu.memory_space<vmem>>
      %dma_wait3A_1894 = tpu.memref_squeeze %dma_wait3A_1893 : memref<1x1x50x64xf32, #tpu.memory_space<vmem>> -> memref<50x64xf32, #tpu.memory_space<vmem>>
      tpu.wait_dma2 semaphore(%arg12 : memref<!tpu.dma_semaphore, #tpu.memory_space<semaphore_mem>>) src(%dma_wait3A_1894 : memref<50x64xf32, #tpu.memory_space<vmem>>) dst(%dma_wait3A_1890 : memref<50x64xf32, #tpu.memory_space<hbm>>)
      %mul3A_1895 = arith.constant 4 : i32
      %mul3A_1896 = arith.muli %add3A_1831, %mul3A_1895 : i32
      %add3A_1897 = arith.addi %mul3A_2, %mul3A_1896 : i32
      %add3A_1898 = arith.constant 3 : i32
      %add3A_1899 = arith.addi %add3A_1897, %add3A_1898 : i32
      %mul3A_1900 = arith.constant 56 : i32
      %mul3A_1901 = arith.muli %add3A_1899, %mul3A_1900 : i32
      %dma_wait3A_1902 = arith.constant 1 : i32
      %dma_wait3A_1903 = arith.constant 3 : i32
      %dma_wait3A_1904 = arith.constant 0 : i32
      %dma_wait3A_1905 = arith.constant 0 : i32
      %dma_wait3A_1906 = tpu.memref_slice %arg6[%dma_wait3A_1902, %dma_wait3A_1903, %dma_wait3A_1904, %dma_wait3A_1905] : memref<4x4x50x64xf32, #tpu.memory_space<vmem>> -> memref<1x1x50x64xf32, #tpu.memory_space<vmem>>
      %dma_wait3A_1907 = tpu.memref_squeeze %dma_wait3A_1906 : memref<1x1x50x64xf32, #tpu.memory_space<vmem>> -> memref<50x64xf32, #tpu.memory_space<vmem>>
      %dma_wait3A_1908 = arith.constant 0 : i32
      %dma_wait3A_1909 = tpu.memref_slice %arg4[%mul3A_1901, %dma_wait3A_1908] : memref<917504x128xf32, #tpu.memory_space<hbm>> -> memref<50x64xf32, #tpu.memory_space<hbm>>
      %dma_wait3A_1910 = arith.constant 0 : i32
      %dma_wait3A_1911 = tpu.memref_slice %arg4[%mul3A_1901, %dma_wait3A_1910] : memref<917504x128xf32, #tpu.memory_space<hbm>> -> memref<50x64xf32, #tpu.memory_space<hbm>>
      %dma_wait3A_1912 = arith.constant 0 : i32
      %dma_wait3A_1913 = arith.constant 0 : i32
      %dma_wait3A_1914 = tpu.memref_slice %arg6[%dma_wait3A_1902, %dma_wait3A_1903, %dma_wait3A_1912, %dma_wait3A_1913] : memref<4x4x50x64xf32, #tpu.memory_space<vmem>> -> memref<1x1x50x64xf32, #tpu.memory_space<vmem>>
      %dma_wait3A_1915 = tpu.memref_squeeze %dma_wait3A_1914 : memref<1x1x50x64xf32, #tpu.memory_space<vmem>> -> memref<50x64xf32, #tpu.memory_space<vmem>>
      tpu.wait_dma2 semaphore(%arg12 : memref<!tpu.dma_semaphore, #tpu.memory_space<semaphore_mem>>) src(%dma_wait3A_1915 : memref<50x64xf32, #tpu.memory_space<vmem>>) dst(%dma_wait3A_1911 : memref<50x64xf32, #tpu.memory_space<hbm>>)
      %add3A_1916 = arith.constant 4 : i32
      %add3A_1917 = arith.addi %mul3A_1067, %add3A_1916 : i32
      %add3A_1918 = arith.constant 1 : i32
      %add3A_1919 = arith.addi %add3A_1917, %add3A_1918 : i32
      %mul3A_1920 = arith.constant 4 : i32
      %mul3A_1921 = arith.muli %add3A_1919, %mul3A_1920 : i32
      %add3A_1922 = arith.constant 0 : i32
      %add3A_1923 = arith.addi %mul3A_1921, %add3A_1922 : i32
      %dma_start3A_1924 = arith.constant 1 : i32
      %dma_start3A_1925 = arith.constant 0 : i32
      %dma_start3A_1926 = arith.constant 0 : i32
      %dma_start3A_1927 = arith.constant 0 : i32
      %dma_start3A_1928 = tpu.memref_slice %arg6[%dma_start3A_1924, %dma_start3A_1925, %dma_start3A_1926, %dma_start3A_1927] : memref<4x4x50x64xf32, #tpu.memory_space<vmem>> -> memref<1x1x50x64xf32, #tpu.memory_space<vmem>>
      %dma_start3A_1929 = tpu.memref_squeeze %dma_start3A_1928 : memref<1x1x50x64xf32, #tpu.memory_space<vmem>> -> memref<50x64xf32, #tpu.memory_space<vmem>>
      %dma_start3A_1930 = arith.constant 0 : i32
      %dma_start3A_1931 = tpu.memref_slice %arg5[%add3A_1923, %dma_start3A_1930] : memref<512x50xi32, #tpu.memory_space<vmem>> -> memref<1x50xi32, #tpu.memory_space<vmem>>
      %dma_start3A_1932 = tpu.memref_squeeze %dma_start3A_1931 : memref<1x50xi32, #tpu.memory_space<vmem>> -> memref<50xi32, #tpu.memory_space<vmem>>
      %dma_start3A_1933 = arith.constant 0 : i32
      %dma_start3A_1934 = arith.constant 0 : i32
      %dma_start3A_1935 = tpu.memref_slice %arg3[%dma_start3A_1933, %dma_start3A_1934] : memref<100000x64xf32, #tpu.memory_space<hbm>> -> memref<100000x64xf32, #tpu.memory_space<hbm>>
      tpu.enqueue_indirect_dma source(%dma_start3A_1935 : memref<100000x64xf32, #tpu.memory_space<hbm>>) target(%dma_start3A_1929 : memref<50x64xf32, #tpu.memory_space<vmem>>) offsets(%dma_start3A_1932 : memref<50xi32, #tpu.memory_space<vmem>>) semaphore(%arg8 : memref<!tpu.dma_semaphore, #tpu.memory_space<semaphore_mem>>)
      %mul3A_1936 = arith.constant 4 : i32
      %mul3A_1937 = arith.muli %add3A_1919, %mul3A_1936 : i32
      %add3A_1938 = arith.constant 1 : i32
      %add3A_1939 = arith.addi %mul3A_1937, %add3A_1938 : i32
      %dma_start3A_1940 = arith.constant 1 : i32
      %dma_start3A_1941 = arith.constant 1 : i32
      %dma_start3A_1942 = arith.constant 0 : i32
      %dma_start3A_1943 = arith.constant 0 : i32
      %dma_start3A_1944 = tpu.memref_slice %arg6[%dma_start3A_1940, %dma_start3A_1941, %dma_start3A_1942, %dma_start3A_1943] : memref<4x4x50x64xf32, #tpu.memory_space<vmem>> -> memref<1x1x50x64xf32, #tpu.memory_space<vmem>>
      %dma_start3A_1945 = tpu.memref_squeeze %dma_start3A_1944 : memref<1x1x50x64xf32, #tpu.memory_space<vmem>> -> memref<50x64xf32, #tpu.memory_space<vmem>>
      %dma_start3A_1946 = arith.constant 0 : i32
      %dma_start3A_1947 = tpu.memref_slice %arg5[%add3A_1939, %dma_start3A_1946] : memref<512x50xi32, #tpu.memory_space<vmem>> -> memref<1x50xi32, #tpu.memory_space<vmem>>
      %dma_start3A_1948 = tpu.memref_squeeze %dma_start3A_1947 : memref<1x50xi32, #tpu.memory_space<vmem>> -> memref<50xi32, #tpu.memory_space<vmem>>
      %dma_start3A_1949 = arith.constant 0 : i32
      %dma_start3A_1950 = arith.constant 0 : i32
      %dma_start3A_1951 = tpu.memref_slice %arg3[%dma_start3A_1949, %dma_start3A_1950] : memref<100000x64xf32, #tpu.memory_space<hbm>> -> memref<100000x64xf32, #tpu.memory_space<hbm>>
      tpu.enqueue_indirect_dma source(%dma_start3A_1951 : memref<100000x64xf32, #tpu.memory_space<hbm>>) target(%dma_start3A_1945 : memref<50x64xf32, #tpu.memory_space<vmem>>) offsets(%dma_start3A_1948 : memref<50xi32, #tpu.memory_space<vmem>>) semaphore(%arg8 : memref<!tpu.dma_semaphore, #tpu.memory_space<semaphore_mem>>)
      %mul3A_1952 = arith.constant 4 : i32
      %mul3A_1953 = arith.muli %add3A_1919, %mul3A_1952 : i32
      %add3A_1954 = arith.constant 2 : i32
      %add3A_1955 = arith.addi %mul3A_1953, %add3A_1954 : i32
      %dma_start3A_1956 = arith.constant 1 : i32
      %dma_start3A_1957 = arith.constant 2 : i32
      %dma_start3A_1958 = arith.constant 0 : i32
      %dma_start3A_1959 = arith.constant 0 : i32
      %dma_start3A_1960 = tpu.memref_slice %arg6[%dma_start3A_1956, %dma_start3A_1957, %dma_start3A_1958, %dma_start3A_1959] : memref<4x4x50x64xf32, #tpu.memory_space<vmem>> -> memref<1x1x50x64xf32, #tpu.memory_space<vmem>>
      %dma_start3A_1961 = tpu.memref_squeeze %dma_start3A_1960 : memref<1x1x50x64xf32, #tpu.memory_space<vmem>> -> memref<50x64xf32, #tpu.memory_space<vmem>>
      %dma_start3A_1962 = arith.constant 0 : i32
      %dma_start3A_1963 = tpu.memref_slice %arg5[%add3A_1955, %dma_start3A_1962] : memref<512x50xi32, #tpu.memory_space<vmem>> -> memref<1x50xi32, #tpu.memory_space<vmem>>
      %dma_start3A_1964 = tpu.memref_squeeze %dma_start3A_1963 : memref<1x50xi32, #tpu.memory_space<vmem>> -> memref<50xi32, #tpu.memory_space<vmem>>
      %dma_start3A_1965 = arith.constant 0 : i32
      %dma_start3A_1966 = arith.constant 0 : i32
      %dma_start3A_1967 = tpu.memref_slice %arg3[%dma_start3A_1965, %dma_start3A_1966] : memref<100000x64xf32, #tpu.memory_space<hbm>> -> memref<100000x64xf32, #tpu.memory_space<hbm>>
      tpu.enqueue_indirect_dma source(%dma_start3A_1967 : memref<100000x64xf32, #tpu.memory_space<hbm>>) target(%dma_start3A_1961 : memref<50x64xf32, #tpu.memory_space<vmem>>) offsets(%dma_start3A_1964 : memref<50xi32, #tpu.memory_space<vmem>>) semaphore(%arg8 : memref<!tpu.dma_semaphore, #tpu.memory_space<semaphore_mem>>)
      %mul3A_1968 = arith.constant 4 : i32
      %mul3A_1969 = arith.muli %add3A_1919, %mul3A_1968 : i32
      %add3A_1970 = arith.constant 3 : i32
      %add3A_1971 = arith.addi %mul3A_1969, %add3A_1970 : i32
      %dma_start3A_1972 = arith.constant 1 : i32
      %dma_start3A_1973 = arith.constant 3 : i32
      %dma_start3A_1974 = arith.constant 0 : i32
      %dma_start3A_1975 = arith.constant 0 : i32
      %dma_start3A_1976 = tpu.memref_slice %arg6[%dma_start3A_1972, %dma_start3A_1973, %dma_start3A_1974, %dma_start3A_1975] : memref<4x4x50x64xf32, #tpu.memory_space<vmem>> -> memref<1x1x50x64xf32, #tpu.memory_space<vmem>>
      %dma_start3A_1977 = tpu.memref_squeeze %dma_start3A_1976 : memref<1x1x50x64xf32, #tpu.memory_space<vmem>> -> memref<50x64xf32, #tpu.memory_space<vmem>>
      %dma_start3A_1978 = arith.constant 0 : i32
      %dma_start3A_1979 = tpu.memref_slice %arg5[%add3A_1971, %dma_start3A_1978] : memref<512x50xi32, #tpu.memory_space<vmem>> -> memref<1x50xi32, #tpu.memory_space<vmem>>
      %dma_start3A_1980 = tpu.memref_squeeze %dma_start3A_1979 : memref<1x50xi32, #tpu.memory_space<vmem>> -> memref<50xi32, #tpu.memory_space<vmem>>
      %dma_start3A_1981 = arith.constant 0 : i32
      %dma_start3A_1982 = arith.constant 0 : i32
      %dma_start3A_1983 = tpu.memref_slice %arg3[%dma_start3A_1981, %dma_start3A_1982] : memref<100000x64xf32, #tpu.memory_space<hbm>> -> memref<100000x64xf32, #tpu.memory_space<hbm>>
      tpu.enqueue_indirect_dma source(%dma_start3A_1983 : memref<100000x64xf32, #tpu.memory_space<hbm>>) target(%dma_start3A_1977 : memref<50x64xf32, #tpu.memory_space<vmem>>) offsets(%dma_start3A_1980 : memref<50xi32, #tpu.memory_space<vmem>>) semaphore(%arg8 : memref<!tpu.dma_semaphore, #tpu.memory_space<semaphore_mem>>)
      %add3A_1984 = arith.constant 2 : i32
      %add3A_1985 = arith.addi %mul3A_1067, %add3A_1984 : i32
      %mul3A_1986 = arith.constant 4 : i32
      %mul3A_1987 = arith.muli %add3A_1985, %mul3A_1986 : i32
      %add3A_1988 = arith.addi %mul3A_2, %mul3A_1987 : i32
      %add3A_1989 = arith.constant 0 : i32
      %add3A_1990 = arith.addi %add3A_1988, %add3A_1989 : i32
      %mul3A_1991 = arith.constant 56 : i32
      %mul3A_1992 = arith.muli %add3A_1990, %mul3A_1991 : i32
      %dma_wait3A_1993 = arith.constant 2 : i32
      %dma_wait3A_1994 = arith.constant 0 : i32
      %dma_wait3A_1995 = arith.constant 0 : i32
      %dma_wait3A_1996 = arith.constant 0 : i32
      %dma_wait3A_1997 = tpu.memref_slice %arg6[%dma_wait3A_1993, %dma_wait3A_1994, %dma_wait3A_1995, %dma_wait3A_1996] : memref<4x4x50x64xf32, #tpu.memory_space<vmem>> -> memref<1x1x50x64xf32, #tpu.memory_space<vmem>>
      %dma_wait3A_1998 = tpu.memref_squeeze %dma_wait3A_1997 : memref<1x1x50x64xf32, #tpu.memory_space<vmem>> -> memref<50x64xf32, #tpu.memory_space<vmem>>
      %dma_wait3A_1999 = arith.constant 0 : i32
      %dma_wait3A_2000 = tpu.memref_slice %arg4[%mul3A_1992, %dma_wait3A_1999] : memref<917504x128xf32, #tpu.memory_space<hbm>> -> memref<50x64xf32, #tpu.memory_space<hbm>>
      %dma_wait3A_2001 = arith.constant 0 : i32
      %dma_wait3A_2002 = tpu.memref_slice %arg4[%mul3A_1992, %dma_wait3A_2001] : memref<917504x128xf32, #tpu.memory_space<hbm>> -> memref<50x64xf32, #tpu.memory_space<hbm>>
      %dma_wait3A_2003 = arith.constant 0 : i32
      %dma_wait3A_2004 = arith.constant 0 : i32
      %dma_wait3A_2005 = tpu.memref_slice %arg6[%dma_wait3A_1993, %dma_wait3A_1994, %dma_wait3A_2003, %dma_wait3A_2004] : memref<4x4x50x64xf32, #tpu.memory_space<vmem>> -> memref<1x1x50x64xf32, #tpu.memory_space<vmem>>
      %dma_wait3A_2006 = tpu.memref_squeeze %dma_wait3A_2005 : memref<1x1x50x64xf32, #tpu.memory_space<vmem>> -> memref<50x64xf32, #tpu.memory_space<vmem>>
      tpu.wait_dma2 semaphore(%arg13 : memref<!tpu.dma_semaphore, #tpu.memory_space<semaphore_mem>>) src(%dma_wait3A_2006 : memref<50x64xf32, #tpu.memory_space<vmem>>) dst(%dma_wait3A_2002 : memref<50x64xf32, #tpu.memory_space<hbm>>)
      %mul3A_2007 = arith.constant 4 : i32
      %mul3A_2008 = arith.muli %add3A_1985, %mul3A_2007 : i32
      %add3A_2009 = arith.addi %mul3A_2, %mul3A_2008 : i32
      %add3A_2010 = arith.constant 1 : i32
      %add3A_2011 = arith.addi %add3A_2009, %add3A_2010 : i32
      %mul3A_2012 = arith.constant 56 : i32
      %mul3A_2013 = arith.muli %add3A_2011, %mul3A_2012 : i32
      %dma_wait3A_2014 = arith.constant 2 : i32
      %dma_wait3A_2015 = arith.constant 1 : i32
      %dma_wait3A_2016 = arith.constant 0 : i32
      %dma_wait3A_2017 = arith.constant 0 : i32
      %dma_wait3A_2018 = tpu.memref_slice %arg6[%dma_wait3A_2014, %dma_wait3A_2015, %dma_wait3A_2016, %dma_wait3A_2017] : memref<4x4x50x64xf32, #tpu.memory_space<vmem>> -> memref<1x1x50x64xf32, #tpu.memory_space<vmem>>
      %dma_wait3A_2019 = tpu.memref_squeeze %dma_wait3A_2018 : memref<1x1x50x64xf32, #tpu.memory_space<vmem>> -> memref<50x64xf32, #tpu.memory_space<vmem>>
      %dma_wait3A_2020 = arith.constant 0 : i32
      %dma_wait3A_2021 = tpu.memref_slice %arg4[%mul3A_2013, %dma_wait3A_2020] : memref<917504x128xf32, #tpu.memory_space<hbm>> -> memref<50x64xf32, #tpu.memory_space<hbm>>
      %dma_wait3A_2022 = arith.constant 0 : i32
      %dma_wait3A_2023 = tpu.memref_slice %arg4[%mul3A_2013, %dma_wait3A_2022] : memref<917504x128xf32, #tpu.memory_space<hbm>> -> memref<50x64xf32, #tpu.memory_space<hbm>>
      %dma_wait3A_2024 = arith.constant 0 : i32
      %dma_wait3A_2025 = arith.constant 0 : i32
      %dma_wait3A_2026 = tpu.memref_slice %arg6[%dma_wait3A_2014, %dma_wait3A_2015, %dma_wait3A_2024, %dma_wait3A_2025] : memref<4x4x50x64xf32, #tpu.memory_space<vmem>> -> memref<1x1x50x64xf32, #tpu.memory_space<vmem>>
      %dma_wait3A_2027 = tpu.memref_squeeze %dma_wait3A_2026 : memref<1x1x50x64xf32, #tpu.memory_space<vmem>> -> memref<50x64xf32, #tpu.memory_space<vmem>>
      tpu.wait_dma2 semaphore(%arg13 : memref<!tpu.dma_semaphore, #tpu.memory_space<semaphore_mem>>) src(%dma_wait3A_2027 : memref<50x64xf32, #tpu.memory_space<vmem>>) dst(%dma_wait3A_2023 : memref<50x64xf32, #tpu.memory_space<hbm>>)
      %mul3A_2028 = arith.constant 4 : i32
      %mul3A_2029 = arith.muli %add3A_1985, %mul3A_2028 : i32
      %add3A_2030 = arith.addi %mul3A_2, %mul3A_2029 : i32
      %add3A_2031 = arith.constant 2 : i32
      %add3A_2032 = arith.addi %add3A_2030, %add3A_2031 : i32
      %mul3A_2033 = arith.constant 56 : i32
      %mul3A_2034 = arith.muli %add3A_2032, %mul3A_2033 : i32
      %dma_wait3A_2035 = arith.constant 2 : i32
      %dma_wait3A_2036 = arith.constant 2 : i32
      %dma_wait3A_2037 = arith.constant 0 : i32
      %dma_wait3A_2038 = arith.constant 0 : i32
      %dma_wait3A_2039 = tpu.memref_slice %arg6[%dma_wait3A_2035, %dma_wait3A_2036, %dma_wait3A_2037, %dma_wait3A_2038] : memref<4x4x50x64xf32, #tpu.memory_space<vmem>> -> memref<1x1x50x64xf32, #tpu.memory_space<vmem>>
      %dma_wait3A_2040 = tpu.memref_squeeze %dma_wait3A_2039 : memref<1x1x50x64xf32, #tpu.memory_space<vmem>> -> memref<50x64xf32, #tpu.memory_space<vmem>>
      %dma_wait3A_2041 = arith.constant 0 : i32
      %dma_wait3A_2042 = tpu.memref_slice %arg4[%mul3A_2034, %dma_wait3A_2041] : memref<917504x128xf32, #tpu.memory_space<hbm>> -> memref<50x64xf32, #tpu.memory_space<hbm>>
      %dma_wait3A_2043 = arith.constant 0 : i32
      %dma_wait3A_2044 = tpu.memref_slice %arg4[%mul3A_2034, %dma_wait3A_2043] : memref<917504x128xf32, #tpu.memory_space<hbm>> -> memref<50x64xf32, #tpu.memory_space<hbm>>
      %dma_wait3A_2045 = arith.constant 0 : i32
      %dma_wait3A_2046 = arith.constant 0 : i32
      %dma_wait3A_2047 = tpu.memref_slice %arg6[%dma_wait3A_2035, %dma_wait3A_2036, %dma_wait3A_2045, %dma_wait3A_2046] : memref<4x4x50x64xf32, #tpu.memory_space<vmem>> -> memref<1x1x50x64xf32, #tpu.memory_space<vmem>>
      %dma_wait3A_2048 = tpu.memref_squeeze %dma_wait3A_2047 : memref<1x1x50x64xf32, #tpu.memory_space<vmem>> -> memref<50x64xf32, #tpu.memory_space<vmem>>
      tpu.wait_dma2 semaphore(%arg13 : memref<!tpu.dma_semaphore, #tpu.memory_space<semaphore_mem>>) src(%dma_wait3A_2048 : memref<50x64xf32, #tpu.memory_space<vmem>>) dst(%dma_wait3A_2044 : memref<50x64xf32, #tpu.memory_space<hbm>>)
      %mul3A_2049 = arith.constant 4 : i32
      %mul3A_2050 = arith.muli %add3A_1985, %mul3A_2049 : i32
      %add3A_2051 = arith.addi %mul3A_2, %mul3A_2050 : i32
      %add3A_2052 = arith.constant 3 : i32
      %add3A_2053 = arith.addi %add3A_2051, %add3A_2052 : i32
      %mul3A_2054 = arith.constant 56 : i32
      %mul3A_2055 = arith.muli %add3A_2053, %mul3A_2054 : i32
      %dma_wait3A_2056 = arith.constant 2 : i32
      %dma_wait3A_2057 = arith.constant 3 : i32
      %dma_wait3A_2058 = arith.constant 0 : i32
      %dma_wait3A_2059 = arith.constant 0 : i32
      %dma_wait3A_2060 = tpu.memref_slice %arg6[%dma_wait3A_2056, %dma_wait3A_2057, %dma_wait3A_2058, %dma_wait3A_2059] : memref<4x4x50x64xf32, #tpu.memory_space<vmem>> -> memref<1x1x50x64xf32, #tpu.memory_space<vmem>>
      %dma_wait3A_2061 = tpu.memref_squeeze %dma_wait3A_2060 : memref<1x1x50x64xf32, #tpu.memory_space<vmem>> -> memref<50x64xf32, #tpu.memory_space<vmem>>
      %dma_wait3A_2062 = arith.constant 0 : i32
      %dma_wait3A_2063 = tpu.memref_slice %arg4[%mul3A_2055, %dma_wait3A_2062] : memref<917504x128xf32, #tpu.memory_space<hbm>> -> memref<50x64xf32, #tpu.memory_space<hbm>>
      %dma_wait3A_2064 = arith.constant 0 : i32
      %dma_wait3A_2065 = tpu.memref_slice %arg4[%mul3A_2055, %dma_wait3A_2064] : memref<917504x128xf32, #tpu.memory_space<hbm>> -> memref<50x64xf32, #tpu.memory_space<hbm>>
      %dma_wait3A_2066 = arith.constant 0 : i32
      %dma_wait3A_2067 = arith.constant 0 : i32
      %dma_wait3A_2068 = tpu.memref_slice %arg6[%dma_wait3A_2056, %dma_wait3A_2057, %dma_wait3A_2066, %dma_wait3A_2067] : memref<4x4x50x64xf32, #tpu.memory_space<vmem>> -> memref<1x1x50x64xf32, #tpu.memory_space<vmem>>
      %dma_wait3A_2069 = tpu.memref_squeeze %dma_wait3A_2068 : memref<1x1x50x64xf32, #tpu.memory_space<vmem>> -> memref<50x64xf32, #tpu.memory_space<vmem>>
      tpu.wait_dma2 semaphore(%arg13 : memref<!tpu.dma_semaphore, #tpu.memory_space<semaphore_mem>>) src(%dma_wait3A_2069 : memref<50x64xf32, #tpu.memory_space<vmem>>) dst(%dma_wait3A_2065 : memref<50x64xf32, #tpu.memory_space<hbm>>)
      %add3A_2070 = arith.constant 4 : i32
      %add3A_2071 = arith.addi %mul3A_1067, %add3A_2070 : i32
      %add3A_2072 = arith.constant 2 : i32
      %add3A_2073 = arith.addi %add3A_2071, %add3A_2072 : i32
      %mul3A_2074 = arith.constant 4 : i32
      %mul3A_2075 = arith.muli %add3A_2073, %mul3A_2074 : i32
      %add3A_2076 = arith.constant 0 : i32
      %add3A_2077 = arith.addi %mul3A_2075, %add3A_2076 : i32
      %dma_start3A_2078 = arith.constant 2 : i32
      %dma_start3A_2079 = arith.constant 0 : i32
      %dma_start3A_2080 = arith.constant 0 : i32
      %dma_start3A_2081 = arith.constant 0 : i32
      %dma_start3A_2082 = tpu.memref_slice %arg6[%dma_start3A_2078, %dma_start3A_2079, %dma_start3A_2080, %dma_start3A_2081] : memref<4x4x50x64xf32, #tpu.memory_space<vmem>> -> memref<1x1x50x64xf32, #tpu.memory_space<vmem>>
      %dma_start3A_2083 = tpu.memref_squeeze %dma_start3A_2082 : memref<1x1x50x64xf32, #tpu.memory_space<vmem>> -> memref<50x64xf32, #tpu.memory_space<vmem>>
      %dma_start3A_2084 = arith.constant 0 : i32
      %dma_start3A_2085 = tpu.memref_slice %arg5[%add3A_2077, %dma_start3A_2084] : memref<512x50xi32, #tpu.memory_space<vmem>> -> memref<1x50xi32, #tpu.memory_space<vmem>>
      %dma_start3A_2086 = tpu.memref_squeeze %dma_start3A_2085 : memref<1x50xi32, #tpu.memory_space<vmem>> -> memref<50xi32, #tpu.memory_space<vmem>>
      %dma_start3A_2087 = arith.constant 0 : i32
      %dma_start3A_2088 = arith.constant 0 : i32
      %dma_start3A_2089 = tpu.memref_slice %arg3[%dma_start3A_2087, %dma_start3A_2088] : memref<100000x64xf32, #tpu.memory_space<hbm>> -> memref<100000x64xf32, #tpu.memory_space<hbm>>
      tpu.enqueue_indirect_dma source(%dma_start3A_2089 : memref<100000x64xf32, #tpu.memory_space<hbm>>) target(%dma_start3A_2083 : memref<50x64xf32, #tpu.memory_space<vmem>>) offsets(%dma_start3A_2086 : memref<50xi32, #tpu.memory_space<vmem>>) semaphore(%arg9 : memref<!tpu.dma_semaphore, #tpu.memory_space<semaphore_mem>>)
      %mul3A_2090 = arith.constant 4 : i32
      %mul3A_2091 = arith.muli %add3A_2073, %mul3A_2090 : i32
      %add3A_2092 = arith.constant 1 : i32
      %add3A_2093 = arith.addi %mul3A_2091, %add3A_2092 : i32
      %dma_start3A_2094 = arith.constant 2 : i32
      %dma_start3A_2095 = arith.constant 1 : i32
      %dma_start3A_2096 = arith.constant 0 : i32
      %dma_start3A_2097 = arith.constant 0 : i32
      %dma_start3A_2098 = tpu.memref_slice %arg6[%dma_start3A_2094, %dma_start3A_2095, %dma_start3A_2096, %dma_start3A_2097] : memref<4x4x50x64xf32, #tpu.memory_space<vmem>> -> memref<1x1x50x64xf32, #tpu.memory_space<vmem>>
      %dma_start3A_2099 = tpu.memref_squeeze %dma_start3A_2098 : memref<1x1x50x64xf32, #tpu.memory_space<vmem>> -> memref<50x64xf32, #tpu.memory_space<vmem>>
      %dma_start3A_2100 = arith.constant 0 : i32
      %dma_start3A_2101 = tpu.memref_slice %arg5[%add3A_2093, %dma_start3A_2100] : memref<512x50xi32, #tpu.memory_space<vmem>> -> memref<1x50xi32, #tpu.memory_space<vmem>>
      %dma_start3A_2102 = tpu.memref_squeeze %dma_start3A_2101 : memref<1x50xi32, #tpu.memory_space<vmem>> -> memref<50xi32, #tpu.memory_space<vmem>>
      %dma_start3A_2103 = arith.constant 0 : i32
      %dma_start3A_2104 = arith.constant 0 : i32
      %dma_start3A_2105 = tpu.memref_slice %arg3[%dma_start3A_2103, %dma_start3A_2104] : memref<100000x64xf32, #tpu.memory_space<hbm>> -> memref<100000x64xf32, #tpu.memory_space<hbm>>
      tpu.enqueue_indirect_dma source(%dma_start3A_2105 : memref<100000x64xf32, #tpu.memory_space<hbm>>) target(%dma_start3A_2099 : memref<50x64xf32, #tpu.memory_space<vmem>>) offsets(%dma_start3A_2102 : memref<50xi32, #tpu.memory_space<vmem>>) semaphore(%arg9 : memref<!tpu.dma_semaphore, #tpu.memory_space<semaphore_mem>>)
      %mul3A_2106 = arith.constant 4 : i32
      %mul3A_2107 = arith.muli %add3A_2073, %mul3A_2106 : i32
      %add3A_2108 = arith.constant 2 : i32
      %add3A_2109 = arith.addi %mul3A_2107, %add3A_2108 : i32
      %dma_start3A_2110 = arith.constant 2 : i32
      %dma_start3A_2111 = arith.constant 2 : i32
      %dma_start3A_2112 = arith.constant 0 : i32
      %dma_start3A_2113 = arith.constant 0 : i32
      %dma_start3A_2114 = tpu.memref_slice %arg6[%dma_start3A_2110, %dma_start3A_2111, %dma_start3A_2112, %dma_start3A_2113] : memref<4x4x50x64xf32, #tpu.memory_space<vmem>> -> memref<1x1x50x64xf32, #tpu.memory_space<vmem>>
      %dma_start3A_2115 = tpu.memref_squeeze %dma_start3A_2114 : memref<1x1x50x64xf32, #tpu.memory_space<vmem>> -> memref<50x64xf32, #tpu.memory_space<vmem>>
      %dma_start3A_2116 = arith.constant 0 : i32
      %dma_start3A_2117 = tpu.memref_slice %arg5[%add3A_2109, %dma_start3A_2116] : memref<512x50xi32, #tpu.memory_space<vmem>> -> memref<1x50xi32, #tpu.memory_space<vmem>>
      %dma_start3A_2118 = tpu.memref_squeeze %dma_start3A_2117 : memref<1x50xi32, #tpu.memory_space<vmem>> -> memref<50xi32, #tpu.memory_space<vmem>>
      %dma_start3A_2119 = arith.constant 0 : i32
      %dma_start3A_2120 = arith.constant 0 : i32
      %dma_start3A_2121 = tpu.memref_slice %arg3[%dma_start3A_2119, %dma_start3A_2120] : memref<100000x64xf32, #tpu.memory_space<hbm>> -> memref<100000x64xf32, #tpu.memory_space<hbm>>
      tpu.enqueue_indirect_dma source(%dma_start3A_2121 : memref<100000x64xf32, #tpu.memory_space<hbm>>) target(%dma_start3A_2115 : memref<50x64xf32, #tpu.memory_space<vmem>>) offsets(%dma_start3A_2118 : memref<50xi32, #tpu.memory_space<vmem>>) semaphore(%arg9 : memref<!tpu.dma_semaphore, #tpu.memory_space<semaphore_mem>>)
      %mul3A_2122 = arith.constant 4 : i32
      %mul3A_2123 = arith.muli %add3A_2073, %mul3A_2122 : i32
      %add3A_2124 = arith.constant 3 : i32
      %add3A_2125 = arith.addi %mul3A_2123, %add3A_2124 : i32
      %dma_start3A_2126 = arith.constant 2 : i32
      %dma_start3A_2127 = arith.constant 3 : i32
      %dma_start3A_2128 = arith.constant 0 : i32
      %dma_start3A_2129 = arith.constant 0 : i32
      %dma_start3A_2130 = tpu.memref_slice %arg6[%dma_start3A_2126, %dma_start3A_2127, %dma_start3A_2128, %dma_start3A_2129] : memref<4x4x50x64xf32, #tpu.memory_space<vmem>> -> memref<1x1x50x64xf32, #tpu.memory_space<vmem>>
      %dma_start3A_2131 = tpu.memref_squeeze %dma_start3A_2130 : memref<1x1x50x64xf32, #tpu.memory_space<vmem>> -> memref<50x64xf32, #tpu.memory_space<vmem>>
      %dma_start3A_2132 = arith.constant 0 : i32
      %dma_start3A_2133 = tpu.memref_slice %arg5[%add3A_2125, %dma_start3A_2132] : memref<512x50xi32, #tpu.memory_space<vmem>> -> memref<1x50xi32, #tpu.memory_space<vmem>>
      %dma_start3A_2134 = tpu.memref_squeeze %dma_start3A_2133 : memref<1x50xi32, #tpu.memory_space<vmem>> -> memref<50xi32, #tpu.memory_space<vmem>>
      %dma_start3A_2135 = arith.constant 0 : i32
      %dma_start3A_2136 = arith.constant 0 : i32
      %dma_start3A_2137 = tpu.memref_slice %arg3[%dma_start3A_2135, %dma_start3A_2136] : memref<100000x64xf32, #tpu.memory_space<hbm>> -> memref<100000x64xf32, #tpu.memory_space<hbm>>
      tpu.enqueue_indirect_dma source(%dma_start3A_2137 : memref<100000x64xf32, #tpu.memory_space<hbm>>) target(%dma_start3A_2131 : memref<50x64xf32, #tpu.memory_space<vmem>>) offsets(%dma_start3A_2134 : memref<50xi32, #tpu.memory_space<vmem>>) semaphore(%arg9 : memref<!tpu.dma_semaphore, #tpu.memory_space<semaphore_mem>>)
      %add3A_2138 = arith.constant 3 : i32
      %add3A_2139 = arith.addi %mul3A_1067, %add3A_2138 : i32
      %mul3A_2140 = arith.constant 4 : i32
      %mul3A_2141 = arith.muli %add3A_2139, %mul3A_2140 : i32
      %add3A_2142 = arith.addi %mul3A_2, %mul3A_2141 : i32
      %add3A_2143 = arith.constant 0 : i32
      %add3A_2144 = arith.addi %add3A_2142, %add3A_2143 : i32
      %mul3A_2145 = arith.constant 56 : i32
      %mul3A_2146 = arith.muli %add3A_2144, %mul3A_2145 : i32
      %dma_wait3A_2147 = arith.constant 3 : i32
      %dma_wait3A_2148 = arith.constant 0 : i32
      %dma_wait3A_2149 = arith.constant 0 : i32
      %dma_wait3A_2150 = arith.constant 0 : i32
      %dma_wait3A_2151 = tpu.memref_slice %arg6[%dma_wait3A_2147, %dma_wait3A_2148, %dma_wait3A_2149, %dma_wait3A_2150] : memref<4x4x50x64xf32, #tpu.memory_space<vmem>> -> memref<1x1x50x64xf32, #tpu.memory_space<vmem>>
      %dma_wait3A_2152 = tpu.memref_squeeze %dma_wait3A_2151 : memref<1x1x50x64xf32, #tpu.memory_space<vmem>> -> memref<50x64xf32, #tpu.memory_space<vmem>>
      %dma_wait3A_2153 = arith.constant 0 : i32
      %dma_wait3A_2154 = tpu.memref_slice %arg4[%mul3A_2146, %dma_wait3A_2153] : memref<917504x128xf32, #tpu.memory_space<hbm>> -> memref<50x64xf32, #tpu.memory_space<hbm>>
      %dma_wait3A_2155 = arith.constant 0 : i32
      %dma_wait3A_2156 = tpu.memref_slice %arg4[%mul3A_2146, %dma_wait3A_2155] : memref<917504x128xf32, #tpu.memory_space<hbm>> -> memref<50x64xf32, #tpu.memory_space<hbm>>
      %dma_wait3A_2157 = arith.constant 0 : i32
      %dma_wait3A_2158 = arith.constant 0 : i32
      %dma_wait3A_2159 = tpu.memref_slice %arg6[%dma_wait3A_2147, %dma_wait3A_2148, %dma_wait3A_2157, %dma_wait3A_2158] : memref<4x4x50x64xf32, #tpu.memory_space<vmem>> -> memref<1x1x50x64xf32, #tpu.memory_space<vmem>>
      %dma_wait3A_2160 = tpu.memref_squeeze %dma_wait3A_2159 : memref<1x1x50x64xf32, #tpu.memory_space<vmem>> -> memref<50x64xf32, #tpu.memory_space<vmem>>
      tpu.wait_dma2 semaphore(%arg14 : memref<!tpu.dma_semaphore, #tpu.memory_space<semaphore_mem>>) src(%dma_wait3A_2160 : memref<50x64xf32, #tpu.memory_space<vmem>>) dst(%dma_wait3A_2156 : memref<50x64xf32, #tpu.memory_space<hbm>>)
      %mul3A_2161 = arith.constant 4 : i32
      %mul3A_2162 = arith.muli %add3A_2139, %mul3A_2161 : i32
      %add3A_2163 = arith.addi %mul3A_2, %mul3A_2162 : i32
      %add3A_2164 = arith.constant 1 : i32
      %add3A_2165 = arith.addi %add3A_2163, %add3A_2164 : i32
      %mul3A_2166 = arith.constant 56 : i32
      %mul3A_2167 = arith.muli %add3A_2165, %mul3A_2166 : i32
      %dma_wait3A_2168 = arith.constant 3 : i32
      %dma_wait3A_2169 = arith.constant 1 : i32
      %dma_wait3A_2170 = arith.constant 0 : i32
      %dma_wait3A_2171 = arith.constant 0 : i32
      %dma_wait3A_2172 = tpu.memref_slice %arg6[%dma_wait3A_2168, %dma_wait3A_2169, %dma_wait3A_2170, %dma_wait3A_2171] : memref<4x4x50x64xf32, #tpu.memory_space<vmem>> -> memref<1x1x50x64xf32, #tpu.memory_space<vmem>>
      %dma_wait3A_2173 = tpu.memref_squeeze %dma_wait3A_2172 : memref<1x1x50x64xf32, #tpu.memory_space<vmem>> -> memref<50x64xf32, #tpu.memory_space<vmem>>
      %dma_wait3A_2174 = arith.constant 0 : i32
      %dma_wait3A_2175 = tpu.memref_slice %arg4[%mul3A_2167, %dma_wait3A_2174] : memref<917504x128xf32, #tpu.memory_space<hbm>> -> memref<50x64xf32, #tpu.memory_space<hbm>>
      %dma_wait3A_2176 = arith.constant 0 : i32
      %dma_wait3A_2177 = tpu.memref_slice %arg4[%mul3A_2167, %dma_wait3A_2176] : memref<917504x128xf32, #tpu.memory_space<hbm>> -> memref<50x64xf32, #tpu.memory_space<hbm>>
      %dma_wait3A_2178 = arith.constant 0 : i32
      %dma_wait3A_2179 = arith.constant 0 : i32
      %dma_wait3A_2180 = tpu.memref_slice %arg6[%dma_wait3A_2168, %dma_wait3A_2169, %dma_wait3A_2178, %dma_wait3A_2179] : memref<4x4x50x64xf32, #tpu.memory_space<vmem>> -> memref<1x1x50x64xf32, #tpu.memory_space<vmem>>
      %dma_wait3A_2181 = tpu.memref_squeeze %dma_wait3A_2180 : memref<1x1x50x64xf32, #tpu.memory_space<vmem>> -> memref<50x64xf32, #tpu.memory_space<vmem>>
      tpu.wait_dma2 semaphore(%arg14 : memref<!tpu.dma_semaphore, #tpu.memory_space<semaphore_mem>>) src(%dma_wait3A_2181 : memref<50x64xf32, #tpu.memory_space<vmem>>) dst(%dma_wait3A_2177 : memref<50x64xf32, #tpu.memory_space<hbm>>)
      %mul3A_2182 = arith.constant 4 : i32
      %mul3A_2183 = arith.muli %add3A_2139, %mul3A_2182 : i32
      %add3A_2184 = arith.addi %mul3A_2, %mul3A_2183 : i32
      %add3A_2185 = arith.constant 2 : i32
      %add3A_2186 = arith.addi %add3A_2184, %add3A_2185 : i32
      %mul3A_2187 = arith.constant 56 : i32
      %mul3A_2188 = arith.muli %add3A_2186, %mul3A_2187 : i32
      %dma_wait3A_2189 = arith.constant 3 : i32
      %dma_wait3A_2190 = arith.constant 2 : i32
      %dma_wait3A_2191 = arith.constant 0 : i32
      %dma_wait3A_2192 = arith.constant 0 : i32
      %dma_wait3A_2193 = tpu.memref_slice %arg6[%dma_wait3A_2189, %dma_wait3A_2190, %dma_wait3A_2191, %dma_wait3A_2192] : memref<4x4x50x64xf32, #tpu.memory_space<vmem>> -> memref<1x1x50x64xf32, #tpu.memory_space<vmem>>
      %dma_wait3A_2194 = tpu.memref_squeeze %dma_wait3A_2193 : memref<1x1x50x64xf32, #tpu.memory_space<vmem>> -> memref<50x64xf32, #tpu.memory_space<vmem>>
      %dma_wait3A_2195 = arith.constant 0 : i32
      %dma_wait3A_2196 = tpu.memref_slice %arg4[%mul3A_2188, %dma_wait3A_2195] : memref<917504x128xf32, #tpu.memory_space<hbm>> -> memref<50x64xf32, #tpu.memory_space<hbm>>
      %dma_wait3A_2197 = arith.constant 0 : i32
      %dma_wait3A_2198 = tpu.memref_slice %arg4[%mul3A_2188, %dma_wait3A_2197] : memref<917504x128xf32, #tpu.memory_space<hbm>> -> memref<50x64xf32, #tpu.memory_space<hbm>>
      %dma_wait3A_2199 = arith.constant 0 : i32
      %dma_wait3A_2200 = arith.constant 0 : i32
      %dma_wait3A_2201 = tpu.memref_slice %arg6[%dma_wait3A_2189, %dma_wait3A_2190, %dma_wait3A_2199, %dma_wait3A_2200] : memref<4x4x50x64xf32, #tpu.memory_space<vmem>> -> memref<1x1x50x64xf32, #tpu.memory_space<vmem>>
      %dma_wait3A_2202 = tpu.memref_squeeze %dma_wait3A_2201 : memref<1x1x50x64xf32, #tpu.memory_space<vmem>> -> memref<50x64xf32, #tpu.memory_space<vmem>>
      tpu.wait_dma2 semaphore(%arg14 : memref<!tpu.dma_semaphore, #tpu.memory_space<semaphore_mem>>) src(%dma_wait3A_2202 : memref<50x64xf32, #tpu.memory_space<vmem>>) dst(%dma_wait3A_2198 : memref<50x64xf32, #tpu.memory_space<hbm>>)
      %mul3A_2203 = arith.constant 4 : i32
      %mul3A_2204 = arith.muli %add3A_2139, %mul3A_2203 : i32
      %add3A_2205 = arith.addi %mul3A_2, %mul3A_2204 : i32
      %add3A_2206 = arith.constant 3 : i32
      %add3A_2207 = arith.addi %add3A_2205, %add3A_2206 : i32
      %mul3A_2208 = arith.constant 56 : i32
      %mul3A_2209 = arith.muli %add3A_2207, %mul3A_2208 : i32
      %dma_wait3A_2210 = arith.constant 3 : i32
      %dma_wait3A_2211 = arith.constant 3 : i32
      %dma_wait3A_2212 = arith.constant 0 : i32
      %dma_wait3A_2213 = arith.constant 0 : i32
      %dma_wait3A_2214 = tpu.memref_slice %arg6[%dma_wait3A_2210, %dma_wait3A_2211, %dma_wait3A_2212, %dma_wait3A_2213] : memref<4x4x50x64xf32, #tpu.memory_space<vmem>> -> memref<1x1x50x64xf32, #tpu.memory_space<vmem>>
      %dma_wait3A_2215 = tpu.memref_squeeze %dma_wait3A_2214 : memref<1x1x50x64xf32, #tpu.memory_space<vmem>> -> memref<50x64xf32, #tpu.memory_space<vmem>>
      %dma_wait3A_2216 = arith.constant 0 : i32
      %dma_wait3A_2217 = tpu.memref_slice %arg4[%mul3A_2209, %dma_wait3A_2216] : memref<917504x128xf32, #tpu.memory_space<hbm>> -> memref<50x64xf32, #tpu.memory_space<hbm>>
      %dma_wait3A_2218 = arith.constant 0 : i32
      %dma_wait3A_2219 = tpu.memref_slice %arg4[%mul3A_2209, %dma_wait3A_2218] : memref<917504x128xf32, #tpu.memory_space<hbm>> -> memref<50x64xf32, #tpu.memory_space<hbm>>
      %dma_wait3A_2220 = arith.constant 0 : i32
      %dma_wait3A_2221 = arith.constant 0 : i32
      %dma_wait3A_2222 = tpu.memref_slice %arg6[%dma_wait3A_2210, %dma_wait3A_2211, %dma_wait3A_2220, %dma_wait3A_2221] : memref<4x4x50x64xf32, #tpu.memory_space<vmem>> -> memref<1x1x50x64xf32, #tpu.memory_space<vmem>>
      %dma_wait3A_2223 = tpu.memref_squeeze %dma_wait3A_2222 : memref<1x1x50x64xf32, #tpu.memory_space<vmem>> -> memref<50x64xf32, #tpu.memory_space<vmem>>
      tpu.wait_dma2 semaphore(%arg14 : memref<!tpu.dma_semaphore, #tpu.memory_space<semaphore_mem>>) src(%dma_wait3A_2223 : memref<50x64xf32, #tpu.memory_space<vmem>>) dst(%dma_wait3A_2219 : memref<50x64xf32, #tpu.memory_space<hbm>>)
      %add3A_2224 = arith.constant 4 : i32
      %add3A_2225 = arith.addi %mul3A_1067, %add3A_2224 : i32
      %add3A_2226 = arith.constant 3 : i32
      %add3A_2227 = arith.addi %add3A_2225, %add3A_2226 : i32
      %mul3A_2228 = arith.constant 4 : i32
      %mul3A_2229 = arith.muli %add3A_2227, %mul3A_2228 : i32
      %add3A_2230 = arith.constant 0 : i32
      %add3A_2231 = arith.addi %mul3A_2229, %add3A_2230 : i32
      %dma_start3A_2232 = arith.constant 3 : i32
      %dma_start3A_2233 = arith.constant 0 : i32
      %dma_start3A_2234 = arith.constant 0 : i32
      %dma_start3A_2235 = arith.constant 0 : i32
      %dma_start3A_2236 = tpu.memref_slice %arg6[%dma_start3A_2232, %dma_start3A_2233, %dma_start3A_2234, %dma_start3A_2235] : memref<4x4x50x64xf32, #tpu.memory_space<vmem>> -> memref<1x1x50x64xf32, #tpu.memory_space<vmem>>
      %dma_start3A_2237 = tpu.memref_squeeze %dma_start3A_2236 : memref<1x1x50x64xf32, #tpu.memory_space<vmem>> -> memref<50x64xf32, #tpu.memory_space<vmem>>
      %dma_start3A_2238 = arith.constant 0 : i32
      %dma_start3A_2239 = tpu.memref_slice %arg5[%add3A_2231, %dma_start3A_2238] : memref<512x50xi32, #tpu.memory_space<vmem>> -> memref<1x50xi32, #tpu.memory_space<vmem>>
      %dma_start3A_2240 = tpu.memref_squeeze %dma_start3A_2239 : memref<1x50xi32, #tpu.memory_space<vmem>> -> memref<50xi32, #tpu.memory_space<vmem>>
      %dma_start3A_2241 = arith.constant 0 : i32
      %dma_start3A_2242 = arith.constant 0 : i32
      %dma_start3A_2243 = tpu.memref_slice %arg3[%dma_start3A_2241, %dma_start3A_2242] : memref<100000x64xf32, #tpu.memory_space<hbm>> -> memref<100000x64xf32, #tpu.memory_space<hbm>>
      tpu.enqueue_indirect_dma source(%dma_start3A_2243 : memref<100000x64xf32, #tpu.memory_space<hbm>>) target(%dma_start3A_2237 : memref<50x64xf32, #tpu.memory_space<vmem>>) offsets(%dma_start3A_2240 : memref<50xi32, #tpu.memory_space<vmem>>) semaphore(%arg10 : memref<!tpu.dma_semaphore, #tpu.memory_space<semaphore_mem>>)
      %mul3A_2244 = arith.constant 4 : i32
      %mul3A_2245 = arith.muli %add3A_2227, %mul3A_2244 : i32
      %add3A_2246 = arith.constant 1 : i32
      %add3A_2247 = arith.addi %mul3A_2245, %add3A_2246 : i32
      %dma_start3A_2248 = arith.constant 3 : i32
      %dma_start3A_2249 = arith.constant 1 : i32
      %dma_start3A_2250 = arith.constant 0 : i32
      %dma_start3A_2251 = arith.constant 0 : i32
      %dma_start3A_2252 = tpu.memref_slice %arg6[%dma_start3A_2248, %dma_start3A_2249, %dma_start3A_2250, %dma_start3A_2251] : memref<4x4x50x64xf32, #tpu.memory_space<vmem>> -> memref<1x1x50x64xf32, #tpu.memory_space<vmem>>
      %dma_start3A_2253 = tpu.memref_squeeze %dma_start3A_2252 : memref<1x1x50x64xf32, #tpu.memory_space<vmem>> -> memref<50x64xf32, #tpu.memory_space<vmem>>
      %dma_start3A_2254 = arith.constant 0 : i32
      %dma_start3A_2255 = tpu.memref_slice %arg5[%add3A_2247, %dma_start3A_2254] : memref<512x50xi32, #tpu.memory_space<vmem>> -> memref<1x50xi32, #tpu.memory_space<vmem>>
      %dma_start3A_2256 = tpu.memref_squeeze %dma_start3A_2255 : memref<1x50xi32, #tpu.memory_space<vmem>> -> memref<50xi32, #tpu.memory_space<vmem>>
      %dma_start3A_2257 = arith.constant 0 : i32
      %dma_start3A_2258 = arith.constant 0 : i32
      %dma_start3A_2259 = tpu.memref_slice %arg3[%dma_start3A_2257, %dma_start3A_2258] : memref<100000x64xf32, #tpu.memory_space<hbm>> -> memref<100000x64xf32, #tpu.memory_space<hbm>>
      tpu.enqueue_indirect_dma source(%dma_start3A_2259 : memref<100000x64xf32, #tpu.memory_space<hbm>>) target(%dma_start3A_2253 : memref<50x64xf32, #tpu.memory_space<vmem>>) offsets(%dma_start3A_2256 : memref<50xi32, #tpu.memory_space<vmem>>) semaphore(%arg10 : memref<!tpu.dma_semaphore, #tpu.memory_space<semaphore_mem>>)
      %mul3A_2260 = arith.constant 4 : i32
      %mul3A_2261 = arith.muli %add3A_2227, %mul3A_2260 : i32
      %add3A_2262 = arith.constant 2 : i32
      %add3A_2263 = arith.addi %mul3A_2261, %add3A_2262 : i32
      %dma_start3A_2264 = arith.constant 3 : i32
      %dma_start3A_2265 = arith.constant 2 : i32
      %dma_start3A_2266 = arith.constant 0 : i32
      %dma_start3A_2267 = arith.constant 0 : i32
      %dma_start3A_2268 = tpu.memref_slice %arg6[%dma_start3A_2264, %dma_start3A_2265, %dma_start3A_2266, %dma_start3A_2267] : memref<4x4x50x64xf32, #tpu.memory_space<vmem>> -> memref<1x1x50x64xf32, #tpu.memory_space<vmem>>
      %dma_start3A_2269 = tpu.memref_squeeze %dma_start3A_2268 : memref<1x1x50x64xf32, #tpu.memory_space<vmem>> -> memref<50x64xf32, #tpu.memory_space<vmem>>
      %dma_start3A_2270 = arith.constant 0 : i32
      %dma_start3A_2271 = tpu.memref_slice %arg5[%add3A_2263, %dma_start3A_2270] : memref<512x50xi32, #tpu.memory_space<vmem>> -> memref<1x50xi32, #tpu.memory_space<vmem>>
      %dma_start3A_2272 = tpu.memref_squeeze %dma_start3A_2271 : memref<1x50xi32, #tpu.memory_space<vmem>> -> memref<50xi32, #tpu.memory_space<vmem>>
      %dma_start3A_2273 = arith.constant 0 : i32
      %dma_start3A_2274 = arith.constant 0 : i32
      %dma_start3A_2275 = tpu.memref_slice %arg3[%dma_start3A_2273, %dma_start3A_2274] : memref<100000x64xf32, #tpu.memory_space<hbm>> -> memref<100000x64xf32, #tpu.memory_space<hbm>>
      tpu.enqueue_indirect_dma source(%dma_start3A_2275 : memref<100000x64xf32, #tpu.memory_space<hbm>>) target(%dma_start3A_2269 : memref<50x64xf32, #tpu.memory_space<vmem>>) offsets(%dma_start3A_2272 : memref<50xi32, #tpu.memory_space<vmem>>) semaphore(%arg10 : memref<!tpu.dma_semaphore, #tpu.memory_space<semaphore_mem>>)
      %mul3A_2276 = arith.constant 4 : i32
      %mul3A_2277 = arith.muli %add3A_2227, %mul3A_2276 : i32
      %add3A_2278 = arith.constant 3 : i32
      %add3A_2279 = arith.addi %mul3A_2277, %add3A_2278 : i32
      %dma_start3A_2280 = arith.constant 3 : i32
      %dma_start3A_2281 = arith.constant 3 : i32
      %dma_start3A_2282 = arith.constant 0 : i32
      %dma_start3A_2283 = arith.constant 0 : i32
      %dma_start3A_2284 = tpu.memref_slice %arg6[%dma_start3A_2280, %dma_start3A_2281, %dma_start3A_2282, %dma_start3A_2283] : memref<4x4x50x64xf32, #tpu.memory_space<vmem>> -> memref<1x1x50x64xf32, #tpu.memory_space<vmem>>
      %dma_start3A_2285 = tpu.memref_squeeze %dma_start3A_2284 : memref<1x1x50x64xf32, #tpu.memory_space<vmem>> -> memref<50x64xf32, #tpu.memory_space<vmem>>
      %dma_start3A_2286 = arith.constant 0 : i32
      %dma_start3A_2287 = tpu.memref_slice %arg5[%add3A_2279, %dma_start3A_2286] : memref<512x50xi32, #tpu.memory_space<vmem>> -> memref<1x50xi32, #tpu.memory_space<vmem>>
      %dma_start3A_2288 = tpu.memref_squeeze %dma_start3A_2287 : memref<1x50xi32, #tpu.memory_space<vmem>> -> memref<50xi32, #tpu.memory_space<vmem>>
      %dma_start3A_2289 = arith.constant 0 : i32
      %dma_start3A_2290 = arith.constant 0 : i32
      %dma_start3A_2291 = tpu.memref_slice %arg3[%dma_start3A_2289, %dma_start3A_2290] : memref<100000x64xf32, #tpu.memory_space<hbm>> -> memref<100000x64xf32, #tpu.memory_space<hbm>>
      tpu.enqueue_indirect_dma source(%dma_start3A_2291 : memref<100000x64xf32, #tpu.memory_space<hbm>>) target(%dma_start3A_2285 : memref<50x64xf32, #tpu.memory_space<vmem>>) offsets(%dma_start3A_2288 : memref<50xi32, #tpu.memory_space<vmem>>) semaphore(%arg10 : memref<!tpu.dma_semaphore, #tpu.memory_space<semaphore_mem>>)
    }
    %scan3A_213 = arith.constant 31 : i32
    %dma_wait3A = arith.constant 496 : i32
    %dma_wait3A_214 = arith.constant 0 : i32
    %dma_wait3A_215 = arith.constant 0 : i32
    %dma_wait3A_216 = arith.constant 0 : i32
    %dma_wait3A_217 = arith.constant 0 : i32
    %dma_wait3A_218 = tpu.memref_slice %arg6[%dma_wait3A_214, %dma_wait3A_215, %dma_wait3A_216, %dma_wait3A_217] : memref<4x4x50x64xf32, #tpu.memory_space<vmem>> -> memref<1x1x50x64xf32, #tpu.memory_space<vmem>>
    %dma_wait3A_219 = tpu.memref_squeeze %dma_wait3A_218 : memref<1x1x50x64xf32, #tpu.memory_space<vmem>> -> memref<50x64xf32, #tpu.memory_space<vmem>>
    %dma_wait3A_220 = arith.constant 0 : i32
    %dma_wait3A_221 = tpu.memref_slice %arg5[%dma_wait3A, %dma_wait3A_220] : memref<512x50xi32, #tpu.memory_space<vmem>> -> memref<1x50xi32, #tpu.memory_space<vmem>>
    %dma_wait3A_222 = tpu.memref_squeeze %dma_wait3A_221 : memref<1x50xi32, #tpu.memory_space<vmem>> -> memref<50xi32, #tpu.memory_space<vmem>>
    %dma_wait3A_223 = arith.constant 0 : i32
    %dma_wait3A_224 = arith.constant 0 : i32
    %dma_wait3A_225 = tpu.memref_slice %arg3[%dma_wait3A_223, %dma_wait3A_224] : memref<100000x64xf32, #tpu.memory_space<hbm>> -> memref<100000x64xf32, #tpu.memory_space<hbm>>
    tpu.wait_indirect_dma semaphore(%arg7 : memref<!tpu.dma_semaphore, #tpu.memory_space<semaphore_mem>>) src(%dma_wait3A_225 : memref<100000x64xf32, #tpu.memory_space<hbm>>) dst(%dma_wait3A_219 : memref<50x64xf32, #tpu.memory_space<vmem>>)
    %dma_wait3A_226 = arith.constant 497 : i32
    %dma_wait3A_227 = arith.constant 0 : i32
    %dma_wait3A_228 = arith.constant 1 : i32
    %dma_wait3A_229 = arith.constant 0 : i32
    %dma_wait3A_230 = arith.constant 0 : i32
    %dma_wait3A_231 = tpu.memref_slice %arg6[%dma_wait3A_227, %dma_wait3A_228, %dma_wait3A_229, %dma_wait3A_230] : memref<4x4x50x64xf32, #tpu.memory_space<vmem>> -> memref<1x1x50x64xf32, #tpu.memory_space<vmem>>
    %dma_wait3A_232 = tpu.memref_squeeze %dma_wait3A_231 : memref<1x1x50x64xf32, #tpu.memory_space<vmem>> -> memref<50x64xf32, #tpu.memory_space<vmem>>
    %dma_wait3A_233 = arith.constant 0 : i32
    %dma_wait3A_234 = tpu.memref_slice %arg5[%dma_wait3A_226, %dma_wait3A_233] : memref<512x50xi32, #tpu.memory_space<vmem>> -> memref<1x50xi32, #tpu.memory_space<vmem>>
    %dma_wait3A_235 = tpu.memref_squeeze %dma_wait3A_234 : memref<1x50xi32, #tpu.memory_space<vmem>> -> memref<50xi32, #tpu.memory_space<vmem>>
    %dma_wait3A_236 = arith.constant 0 : i32
    %dma_wait3A_237 = arith.constant 0 : i32
    %dma_wait3A_238 = tpu.memref_slice %arg3[%dma_wait3A_236, %dma_wait3A_237] : memref<100000x64xf32, #tpu.memory_space<hbm>> -> memref<100000x64xf32, #tpu.memory_space<hbm>>
    tpu.wait_indirect_dma semaphore(%arg7 : memref<!tpu.dma_semaphore, #tpu.memory_space<semaphore_mem>>) src(%dma_wait3A_238 : memref<100000x64xf32, #tpu.memory_space<hbm>>) dst(%dma_wait3A_232 : memref<50x64xf32, #tpu.memory_space<vmem>>)
    %dma_wait3A_239 = arith.constant 498 : i32
    %dma_wait3A_240 = arith.constant 0 : i32
    %dma_wait3A_241 = arith.constant 2 : i32
    %dma_wait3A_242 = arith.constant 0 : i32
    %dma_wait3A_243 = arith.constant 0 : i32
    %dma_wait3A_244 = tpu.memref_slice %arg6[%dma_wait3A_240, %dma_wait3A_241, %dma_wait3A_242, %dma_wait3A_243] : memref<4x4x50x64xf32, #tpu.memory_space<vmem>> -> memref<1x1x50x64xf32, #tpu.memory_space<vmem>>
    %dma_wait3A_245 = tpu.memref_squeeze %dma_wait3A_244 : memref<1x1x50x64xf32, #tpu.memory_space<vmem>> -> memref<50x64xf32, #tpu.memory_space<vmem>>
    %dma_wait3A_246 = arith.constant 0 : i32
    %dma_wait3A_247 = tpu.memref_slice %arg5[%dma_wait3A_239, %dma_wait3A_246] : memref<512x50xi32, #tpu.memory_space<vmem>> -> memref<1x50xi32, #tpu.memory_space<vmem>>
    %dma_wait3A_248 = tpu.memref_squeeze %dma_wait3A_247 : memref<1x50xi32, #tpu.memory_space<vmem>> -> memref<50xi32, #tpu.memory_space<vmem>>
    %dma_wait3A_249 = arith.constant 0 : i32
    %dma_wait3A_250 = arith.constant 0 : i32
    %dma_wait3A_251 = tpu.memref_slice %arg3[%dma_wait3A_249, %dma_wait3A_250] : memref<100000x64xf32, #tpu.memory_space<hbm>> -> memref<100000x64xf32, #tpu.memory_space<hbm>>
    tpu.wait_indirect_dma semaphore(%arg7 : memref<!tpu.dma_semaphore, #tpu.memory_space<semaphore_mem>>) src(%dma_wait3A_251 : memref<100000x64xf32, #tpu.memory_space<hbm>>) dst(%dma_wait3A_245 : memref<50x64xf32, #tpu.memory_space<vmem>>)
    %dma_wait3A_252 = arith.constant 499 : i32
    %dma_wait3A_253 = arith.constant 0 : i32
    %dma_wait3A_254 = arith.constant 3 : i32
    %dma_wait3A_255 = arith.constant 0 : i32
    %dma_wait3A_256 = arith.constant 0 : i32
    %dma_wait3A_257 = tpu.memref_slice %arg6[%dma_wait3A_253, %dma_wait3A_254, %dma_wait3A_255, %dma_wait3A_256] : memref<4x4x50x64xf32, #tpu.memory_space<vmem>> -> memref<1x1x50x64xf32, #tpu.memory_space<vmem>>
    %dma_wait3A_258 = tpu.memref_squeeze %dma_wait3A_257 : memref<1x1x50x64xf32, #tpu.memory_space<vmem>> -> memref<50x64xf32, #tpu.memory_space<vmem>>
    %dma_wait3A_259 = arith.constant 0 : i32
    %dma_wait3A_260 = tpu.memref_slice %arg5[%dma_wait3A_252, %dma_wait3A_259] : memref<512x50xi32, #tpu.memory_space<vmem>> -> memref<1x50xi32, #tpu.memory_space<vmem>>
    %dma_wait3A_261 = tpu.memref_squeeze %dma_wait3A_260 : memref<1x50xi32, #tpu.memory_space<vmem>> -> memref<50xi32, #tpu.memory_space<vmem>>
    %dma_wait3A_262 = arith.constant 0 : i32
    %dma_wait3A_263 = arith.constant 0 : i32
    %dma_wait3A_264 = tpu.memref_slice %arg3[%dma_wait3A_262, %dma_wait3A_263] : memref<100000x64xf32, #tpu.memory_space<hbm>> -> memref<100000x64xf32, #tpu.memory_space<hbm>>
    tpu.wait_indirect_dma semaphore(%arg7 : memref<!tpu.dma_semaphore, #tpu.memory_space<semaphore_mem>>) src(%dma_wait3A_264 : memref<100000x64xf32, #tpu.memory_space<hbm>>) dst(%dma_wait3A_258 : memref<50x64xf32, #tpu.memory_space<vmem>>)
    %add3A_265 = arith.constant 496 : i32
    %add3A_266 = arith.addi %mul3A_2, %add3A_265 : i32
    %add3A_267 = arith.constant 0 : i32
    %add3A_268 = arith.addi %add3A_266, %add3A_267 : i32
    %mul3A_269 = arith.constant 56 : i32
    %mul3A_270 = arith.muli %add3A_268, %mul3A_269 : i32
    %dma_start3A_271 = arith.constant 0 : i32
    %dma_start3A_272 = arith.constant 0 : i32
    %dma_start3A_273 = arith.constant 0 : i32
    %dma_start3A_274 = arith.constant 0 : i32
    %dma_start3A_275 = tpu.memref_slice %arg6[%dma_start3A_271, %dma_start3A_272, %dma_start3A_273, %dma_start3A_274] : memref<4x4x50x64xf32, #tpu.memory_space<vmem>> -> memref<1x1x50x64xf32, #tpu.memory_space<vmem>>
    %dma_start3A_276 = tpu.memref_squeeze %dma_start3A_275 : memref<1x1x50x64xf32, #tpu.memory_space<vmem>> -> memref<50x64xf32, #tpu.memory_space<vmem>>
    %dma_start3A_277 = arith.constant 0 : i32
    %dma_start3A_278 = tpu.memref_slice %arg4[%mul3A_270, %dma_start3A_277] : memref<917504x128xf32, #tpu.memory_space<hbm>> -> memref<50x64xf32, #tpu.memory_space<hbm>>
    %dma_start3A_279 = arith.constant 0 : i32
    %dma_start3A_280 = tpu.memref_slice %arg4[%mul3A_270, %dma_start3A_279] : memref<917504x128xf32, #tpu.memory_space<hbm>> -> memref<50x64xf32, #tpu.memory_space<hbm>>
    %dma_start3A_281 = arith.constant 0 : i32
    %dma_start3A_282 = arith.constant 0 : i32
    %dma_start3A_283 = tpu.memref_slice %arg6[%dma_start3A_271, %dma_start3A_272, %dma_start3A_281, %dma_start3A_282] : memref<4x4x50x64xf32, #tpu.memory_space<vmem>> -> memref<1x1x50x64xf32, #tpu.memory_space<vmem>>
    %dma_start3A_284 = tpu.memref_squeeze %dma_start3A_283 : memref<1x1x50x64xf32, #tpu.memory_space<vmem>> -> memref<50x64xf32, #tpu.memory_space<vmem>>
    tpu.enqueue_dma source(%dma_start3A_284 : memref<50x64xf32, #tpu.memory_space<vmem>>) target(%dma_start3A_280 : memref<50x64xf32, #tpu.memory_space<hbm>>) target_semaphore(%arg11 : memref<!tpu.dma_semaphore, #tpu.memory_space<semaphore_mem>>)
    %add3A_285 = arith.constant 496 : i32
    %add3A_286 = arith.addi %mul3A_2, %add3A_285 : i32
    %add3A_287 = arith.constant 1 : i32
    %add3A_288 = arith.addi %add3A_286, %add3A_287 : i32
    %mul3A_289 = arith.constant 56 : i32
    %mul3A_290 = arith.muli %add3A_288, %mul3A_289 : i32
    %dma_start3A_291 = arith.constant 0 : i32
    %dma_start3A_292 = arith.constant 1 : i32
    %dma_start3A_293 = arith.constant 0 : i32
    %dma_start3A_294 = arith.constant 0 : i32
    %dma_start3A_295 = tpu.memref_slice %arg6[%dma_start3A_291, %dma_start3A_292, %dma_start3A_293, %dma_start3A_294] : memref<4x4x50x64xf32, #tpu.memory_space<vmem>> -> memref<1x1x50x64xf32, #tpu.memory_space<vmem>>
    %dma_start3A_296 = tpu.memref_squeeze %dma_start3A_295 : memref<1x1x50x64xf32, #tpu.memory_space<vmem>> -> memref<50x64xf32, #tpu.memory_space<vmem>>
    %dma_start3A_297 = arith.constant 0 : i32
    %dma_start3A_298 = tpu.memref_slice %arg4[%mul3A_290, %dma_start3A_297] : memref<917504x128xf32, #tpu.memory_space<hbm>> -> memref<50x64xf32, #tpu.memory_space<hbm>>
    %dma_start3A_299 = arith.constant 0 : i32
    %dma_start3A_300 = tpu.memref_slice %arg4[%mul3A_290, %dma_start3A_299] : memref<917504x128xf32, #tpu.memory_space<hbm>> -> memref<50x64xf32, #tpu.memory_space<hbm>>
    %dma_start3A_301 = arith.constant 0 : i32
    %dma_start3A_302 = arith.constant 0 : i32
    %dma_start3A_303 = tpu.memref_slice %arg6[%dma_start3A_291, %dma_start3A_292, %dma_start3A_301, %dma_start3A_302] : memref<4x4x50x64xf32, #tpu.memory_space<vmem>> -> memref<1x1x50x64xf32, #tpu.memory_space<vmem>>
    %dma_start3A_304 = tpu.memref_squeeze %dma_start3A_303 : memref<1x1x50x64xf32, #tpu.memory_space<vmem>> -> memref<50x64xf32, #tpu.memory_space<vmem>>
    tpu.enqueue_dma source(%dma_start3A_304 : memref<50x64xf32, #tpu.memory_space<vmem>>) target(%dma_start3A_300 : memref<50x64xf32, #tpu.memory_space<hbm>>) target_semaphore(%arg11 : memref<!tpu.dma_semaphore, #tpu.memory_space<semaphore_mem>>)
    %add3A_305 = arith.constant 496 : i32
    %add3A_306 = arith.addi %mul3A_2, %add3A_305 : i32
    %add3A_307 = arith.constant 2 : i32
    %add3A_308 = arith.addi %add3A_306, %add3A_307 : i32
    %mul3A_309 = arith.constant 56 : i32
    %mul3A_310 = arith.muli %add3A_308, %mul3A_309 : i32
    %dma_start3A_311 = arith.constant 0 : i32
    %dma_start3A_312 = arith.constant 2 : i32
    %dma_start3A_313 = arith.constant 0 : i32
    %dma_start3A_314 = arith.constant 0 : i32
    %dma_start3A_315 = tpu.memref_slice %arg6[%dma_start3A_311, %dma_start3A_312, %dma_start3A_313, %dma_start3A_314] : memref<4x4x50x64xf32, #tpu.memory_space<vmem>> -> memref<1x1x50x64xf32, #tpu.memory_space<vmem>>
    %dma_start3A_316 = tpu.memref_squeeze %dma_start3A_315 : memref<1x1x50x64xf32, #tpu.memory_space<vmem>> -> memref<50x64xf32, #tpu.memory_space<vmem>>
    %dma_start3A_317 = arith.constant 0 : i32
    %dma_start3A_318 = tpu.memref_slice %arg4[%mul3A_310, %dma_start3A_317] : memref<917504x128xf32, #tpu.memory_space<hbm>> -> memref<50x64xf32, #tpu.memory_space<hbm>>
    %dma_start3A_319 = arith.constant 0 : i32
    %dma_start3A_320 = tpu.memref_slice %arg4[%mul3A_310, %dma_start3A_319] : memref<917504x128xf32, #tpu.memory_space<hbm>> -> memref<50x64xf32, #tpu.memory_space<hbm>>
    %dma_start3A_321 = arith.constant 0 : i32
    %dma_start3A_322 = arith.constant 0 : i32
    %dma_start3A_323 = tpu.memref_slice %arg6[%dma_start3A_311, %dma_start3A_312, %dma_start3A_321, %dma_start3A_322] : memref<4x4x50x64xf32, #tpu.memory_space<vmem>> -> memref<1x1x50x64xf32, #tpu.memory_space<vmem>>
    %dma_start3A_324 = tpu.memref_squeeze %dma_start3A_323 : memref<1x1x50x64xf32, #tpu.memory_space<vmem>> -> memref<50x64xf32, #tpu.memory_space<vmem>>
    tpu.enqueue_dma source(%dma_start3A_324 : memref<50x64xf32, #tpu.memory_space<vmem>>) target(%dma_start3A_320 : memref<50x64xf32, #tpu.memory_space<hbm>>) target_semaphore(%arg11 : memref<!tpu.dma_semaphore, #tpu.memory_space<semaphore_mem>>)
    %add3A_325 = arith.constant 496 : i32
    %add3A_326 = arith.addi %mul3A_2, %add3A_325 : i32
    %add3A_327 = arith.constant 3 : i32
    %add3A_328 = arith.addi %add3A_326, %add3A_327 : i32
    %mul3A_329 = arith.constant 56 : i32
    %mul3A_330 = arith.muli %add3A_328, %mul3A_329 : i32
    %dma_start3A_331 = arith.constant 0 : i32
    %dma_start3A_332 = arith.constant 3 : i32
    %dma_start3A_333 = arith.constant 0 : i32
    %dma_start3A_334 = arith.constant 0 : i32
    %dma_start3A_335 = tpu.memref_slice %arg6[%dma_start3A_331, %dma_start3A_332, %dma_start3A_333, %dma_start3A_334] : memref<4x4x50x64xf32, #tpu.memory_space<vmem>> -> memref<1x1x50x64xf32, #tpu.memory_space<vmem>>
    %dma_start3A_336 = tpu.memref_squeeze %dma_start3A_335 : memref<1x1x50x64xf32, #tpu.memory_space<vmem>> -> memref<50x64xf32, #tpu.memory_space<vmem>>
    %dma_start3A_337 = arith.constant 0 : i32
    %dma_start3A_338 = tpu.memref_slice %arg4[%mul3A_330, %dma_start3A_337] : memref<917504x128xf32, #tpu.memory_space<hbm>> -> memref<50x64xf32, #tpu.memory_space<hbm>>
    %dma_start3A_339 = arith.constant 0 : i32
    %dma_start3A_340 = tpu.memref_slice %arg4[%mul3A_330, %dma_start3A_339] : memref<917504x128xf32, #tpu.memory_space<hbm>> -> memref<50x64xf32, #tpu.memory_space<hbm>>
    %dma_start3A_341 = arith.constant 0 : i32
    %dma_start3A_342 = arith.constant 0 : i32
    %dma_start3A_343 = tpu.memref_slice %arg6[%dma_start3A_331, %dma_start3A_332, %dma_start3A_341, %dma_start3A_342] : memref<4x4x50x64xf32, #tpu.memory_space<vmem>> -> memref<1x1x50x64xf32, #tpu.memory_space<vmem>>
    %dma_start3A_344 = tpu.memref_squeeze %dma_start3A_343 : memref<1x1x50x64xf32, #tpu.memory_space<vmem>> -> memref<50x64xf32, #tpu.memory_space<vmem>>
    tpu.enqueue_dma source(%dma_start3A_344 : memref<50x64xf32, #tpu.memory_space<vmem>>) target(%dma_start3A_340 : memref<50x64xf32, #tpu.memory_space<hbm>>) target_semaphore(%arg11 : memref<!tpu.dma_semaphore, #tpu.memory_space<semaphore_mem>>)
    %dma_wait3A_345 = arith.constant 500 : i32
    %dma_wait3A_346 = arith.constant 1 : i32
    %dma_wait3A_347 = arith.constant 0 : i32
    %dma_wait3A_348 = arith.constant 0 : i32
    %dma_wait3A_349 = arith.constant 0 : i32
    %dma_wait3A_350 = tpu.memref_slice %arg6[%dma_wait3A_346, %dma_wait3A_347, %dma_wait3A_348, %dma_wait3A_349] : memref<4x4x50x64xf32, #tpu.memory_space<vmem>> -> memref<1x1x50x64xf32, #tpu.memory_space<vmem>>
    %dma_wait3A_351 = tpu.memref_squeeze %dma_wait3A_350 : memref<1x1x50x64xf32, #tpu.memory_space<vmem>> -> memref<50x64xf32, #tpu.memory_space<vmem>>
    %dma_wait3A_352 = arith.constant 0 : i32
    %dma_wait3A_353 = tpu.memref_slice %arg5[%dma_wait3A_345, %dma_wait3A_352] : memref<512x50xi32, #tpu.memory_space<vmem>> -> memref<1x50xi32, #tpu.memory_space<vmem>>
    %dma_wait3A_354 = tpu.memref_squeeze %dma_wait3A_353 : memref<1x50xi32, #tpu.memory_space<vmem>> -> memref<50xi32, #tpu.memory_space<vmem>>
    %dma_wait3A_355 = arith.constant 0 : i32
    %dma_wait3A_356 = arith.constant 0 : i32
    %dma_wait3A_357 = tpu.memref_slice %arg3[%dma_wait3A_355, %dma_wait3A_356] : memref<100000x64xf32, #tpu.memory_space<hbm>> -> memref<100000x64xf32, #tpu.memory_space<hbm>>
    tpu.wait_indirect_dma semaphore(%arg8 : memref<!tpu.dma_semaphore, #tpu.memory_space<semaphore_mem>>) src(%dma_wait3A_357 : memref<100000x64xf32, #tpu.memory_space<hbm>>) dst(%dma_wait3A_351 : memref<50x64xf32, #tpu.memory_space<vmem>>)
    %dma_wait3A_358 = arith.constant 501 : i32
    %dma_wait3A_359 = arith.constant 1 : i32
    %dma_wait3A_360 = arith.constant 1 : i32
    %dma_wait3A_361 = arith.constant 0 : i32
    %dma_wait3A_362 = arith.constant 0 : i32
    %dma_wait3A_363 = tpu.memref_slice %arg6[%dma_wait3A_359, %dma_wait3A_360, %dma_wait3A_361, %dma_wait3A_362] : memref<4x4x50x64xf32, #tpu.memory_space<vmem>> -> memref<1x1x50x64xf32, #tpu.memory_space<vmem>>
    %dma_wait3A_364 = tpu.memref_squeeze %dma_wait3A_363 : memref<1x1x50x64xf32, #tpu.memory_space<vmem>> -> memref<50x64xf32, #tpu.memory_space<vmem>>
    %dma_wait3A_365 = arith.constant 0 : i32
    %dma_wait3A_366 = tpu.memref_slice %arg5[%dma_wait3A_358, %dma_wait3A_365] : memref<512x50xi32, #tpu.memory_space<vmem>> -> memref<1x50xi32, #tpu.memory_space<vmem>>
    %dma_wait3A_367 = tpu.memref_squeeze %dma_wait3A_366 : memref<1x50xi32, #tpu.memory_space<vmem>> -> memref<50xi32, #tpu.memory_space<vmem>>
    %dma_wait3A_368 = arith.constant 0 : i32
    %dma_wait3A_369 = arith.constant 0 : i32
    %dma_wait3A_370 = tpu.memref_slice %arg3[%dma_wait3A_368, %dma_wait3A_369] : memref<100000x64xf32, #tpu.memory_space<hbm>> -> memref<100000x64xf32, #tpu.memory_space<hbm>>
    tpu.wait_indirect_dma semaphore(%arg8 : memref<!tpu.dma_semaphore, #tpu.memory_space<semaphore_mem>>) src(%dma_wait3A_370 : memref<100000x64xf32, #tpu.memory_space<hbm>>) dst(%dma_wait3A_364 : memref<50x64xf32, #tpu.memory_space<vmem>>)
    %dma_wait3A_371 = arith.constant 502 : i32
    %dma_wait3A_372 = arith.constant 1 : i32
    %dma_wait3A_373 = arith.constant 2 : i32
    %dma_wait3A_374 = arith.constant 0 : i32
    %dma_wait3A_375 = arith.constant 0 : i32
    %dma_wait3A_376 = tpu.memref_slice %arg6[%dma_wait3A_372, %dma_wait3A_373, %dma_wait3A_374, %dma_wait3A_375] : memref<4x4x50x64xf32, #tpu.memory_space<vmem>> -> memref<1x1x50x64xf32, #tpu.memory_space<vmem>>
    %dma_wait3A_377 = tpu.memref_squeeze %dma_wait3A_376 : memref<1x1x50x64xf32, #tpu.memory_space<vmem>> -> memref<50x64xf32, #tpu.memory_space<vmem>>
    %dma_wait3A_378 = arith.constant 0 : i32
    %dma_wait3A_379 = tpu.memref_slice %arg5[%dma_wait3A_371, %dma_wait3A_378] : memref<512x50xi32, #tpu.memory_space<vmem>> -> memref<1x50xi32, #tpu.memory_space<vmem>>
    %dma_wait3A_380 = tpu.memref_squeeze %dma_wait3A_379 : memref<1x50xi32, #tpu.memory_space<vmem>> -> memref<50xi32, #tpu.memory_space<vmem>>
    %dma_wait3A_381 = arith.constant 0 : i32
    %dma_wait3A_382 = arith.constant 0 : i32
    %dma_wait3A_383 = tpu.memref_slice %arg3[%dma_wait3A_381, %dma_wait3A_382] : memref<100000x64xf32, #tpu.memory_space<hbm>> -> memref<100000x64xf32, #tpu.memory_space<hbm>>
    tpu.wait_indirect_dma semaphore(%arg8 : memref<!tpu.dma_semaphore, #tpu.memory_space<semaphore_mem>>) src(%dma_wait3A_383 : memref<100000x64xf32, #tpu.memory_space<hbm>>) dst(%dma_wait3A_377 : memref<50x64xf32, #tpu.memory_space<vmem>>)
    %dma_wait3A_384 = arith.constant 503 : i32
    %dma_wait3A_385 = arith.constant 1 : i32
    %dma_wait3A_386 = arith.constant 3 : i32
    %dma_wait3A_387 = arith.constant 0 : i32
    %dma_wait3A_388 = arith.constant 0 : i32
    %dma_wait3A_389 = tpu.memref_slice %arg6[%dma_wait3A_385, %dma_wait3A_386, %dma_wait3A_387, %dma_wait3A_388] : memref<4x4x50x64xf32, #tpu.memory_space<vmem>> -> memref<1x1x50x64xf32, #tpu.memory_space<vmem>>
    %dma_wait3A_390 = tpu.memref_squeeze %dma_wait3A_389 : memref<1x1x50x64xf32, #tpu.memory_space<vmem>> -> memref<50x64xf32, #tpu.memory_space<vmem>>
    %dma_wait3A_391 = arith.constant 0 : i32
    %dma_wait3A_392 = tpu.memref_slice %arg5[%dma_wait3A_384, %dma_wait3A_391] : memref<512x50xi32, #tpu.memory_space<vmem>> -> memref<1x50xi32, #tpu.memory_space<vmem>>
    %dma_wait3A_393 = tpu.memref_squeeze %dma_wait3A_392 : memref<1x50xi32, #tpu.memory_space<vmem>> -> memref<50xi32, #tpu.memory_space<vmem>>
    %dma_wait3A_394 = arith.constant 0 : i32
    %dma_wait3A_395 = arith.constant 0 : i32
    %dma_wait3A_396 = tpu.memref_slice %arg3[%dma_wait3A_394, %dma_wait3A_395] : memref<100000x64xf32, #tpu.memory_space<hbm>> -> memref<100000x64xf32, #tpu.memory_space<hbm>>
    tpu.wait_indirect_dma semaphore(%arg8 : memref<!tpu.dma_semaphore, #tpu.memory_space<semaphore_mem>>) src(%dma_wait3A_396 : memref<100000x64xf32, #tpu.memory_space<hbm>>) dst(%dma_wait3A_390 : memref<50x64xf32, #tpu.memory_space<vmem>>)
    %add3A_397 = arith.constant 500 : i32
    %add3A_398 = arith.addi %mul3A_2, %add3A_397 : i32
    %add3A_399 = arith.constant 0 : i32
    %add3A_400 = arith.addi %add3A_398, %add3A_399 : i32
    %mul3A_401 = arith.constant 56 : i32
    %mul3A_402 = arith.muli %add3A_400, %mul3A_401 : i32
    %dma_start3A_403 = arith.constant 1 : i32
    %dma_start3A_404 = arith.constant 0 : i32
    %dma_start3A_405 = arith.constant 0 : i32
    %dma_start3A_406 = arith.constant 0 : i32
    %dma_start3A_407 = tpu.memref_slice %arg6[%dma_start3A_403, %dma_start3A_404, %dma_start3A_405, %dma_start3A_406] : memref<4x4x50x64xf32, #tpu.memory_space<vmem>> -> memref<1x1x50x64xf32, #tpu.memory_space<vmem>>
    %dma_start3A_408 = tpu.memref_squeeze %dma_start3A_407 : memref<1x1x50x64xf32, #tpu.memory_space<vmem>> -> memref<50x64xf32, #tpu.memory_space<vmem>>
    %dma_start3A_409 = arith.constant 0 : i32
    %dma_start3A_410 = tpu.memref_slice %arg4[%mul3A_402, %dma_start3A_409] : memref<917504x128xf32, #tpu.memory_space<hbm>> -> memref<50x64xf32, #tpu.memory_space<hbm>>
    %dma_start3A_411 = arith.constant 0 : i32
    %dma_start3A_412 = tpu.memref_slice %arg4[%mul3A_402, %dma_start3A_411] : memref<917504x128xf32, #tpu.memory_space<hbm>> -> memref<50x64xf32, #tpu.memory_space<hbm>>
    %dma_start3A_413 = arith.constant 0 : i32
    %dma_start3A_414 = arith.constant 0 : i32
    %dma_start3A_415 = tpu.memref_slice %arg6[%dma_start3A_403, %dma_start3A_404, %dma_start3A_413, %dma_start3A_414] : memref<4x4x50x64xf32, #tpu.memory_space<vmem>> -> memref<1x1x50x64xf32, #tpu.memory_space<vmem>>
    %dma_start3A_416 = tpu.memref_squeeze %dma_start3A_415 : memref<1x1x50x64xf32, #tpu.memory_space<vmem>> -> memref<50x64xf32, #tpu.memory_space<vmem>>
    tpu.enqueue_dma source(%dma_start3A_416 : memref<50x64xf32, #tpu.memory_space<vmem>>) target(%dma_start3A_412 : memref<50x64xf32, #tpu.memory_space<hbm>>) target_semaphore(%arg12 : memref<!tpu.dma_semaphore, #tpu.memory_space<semaphore_mem>>)
    %add3A_417 = arith.constant 500 : i32
    %add3A_418 = arith.addi %mul3A_2, %add3A_417 : i32
    %add3A_419 = arith.constant 1 : i32
    %add3A_420 = arith.addi %add3A_418, %add3A_419 : i32
    %mul3A_421 = arith.constant 56 : i32
    %mul3A_422 = arith.muli %add3A_420, %mul3A_421 : i32
    %dma_start3A_423 = arith.constant 1 : i32
    %dma_start3A_424 = arith.constant 1 : i32
    %dma_start3A_425 = arith.constant 0 : i32
    %dma_start3A_426 = arith.constant 0 : i32
    %dma_start3A_427 = tpu.memref_slice %arg6[%dma_start3A_423, %dma_start3A_424, %dma_start3A_425, %dma_start3A_426] : memref<4x4x50x64xf32, #tpu.memory_space<vmem>> -> memref<1x1x50x64xf32, #tpu.memory_space<vmem>>
    %dma_start3A_428 = tpu.memref_squeeze %dma_start3A_427 : memref<1x1x50x64xf32, #tpu.memory_space<vmem>> -> memref<50x64xf32, #tpu.memory_space<vmem>>
    %dma_start3A_429 = arith.constant 0 : i32
    %dma_start3A_430 = tpu.memref_slice %arg4[%mul3A_422, %dma_start3A_429] : memref<917504x128xf32, #tpu.memory_space<hbm>> -> memref<50x64xf32, #tpu.memory_space<hbm>>
    %dma_start3A_431 = arith.constant 0 : i32
    %dma_start3A_432 = tpu.memref_slice %arg4[%mul3A_422, %dma_start3A_431] : memref<917504x128xf32, #tpu.memory_space<hbm>> -> memref<50x64xf32, #tpu.memory_space<hbm>>
    %dma_start3A_433 = arith.constant 0 : i32
    %dma_start3A_434 = arith.constant 0 : i32
    %dma_start3A_435 = tpu.memref_slice %arg6[%dma_start3A_423, %dma_start3A_424, %dma_start3A_433, %dma_start3A_434] : memref<4x4x50x64xf32, #tpu.memory_space<vmem>> -> memref<1x1x50x64xf32, #tpu.memory_space<vmem>>
    %dma_start3A_436 = tpu.memref_squeeze %dma_start3A_435 : memref<1x1x50x64xf32, #tpu.memory_space<vmem>> -> memref<50x64xf32, #tpu.memory_space<vmem>>
    tpu.enqueue_dma source(%dma_start3A_436 : memref<50x64xf32, #tpu.memory_space<vmem>>) target(%dma_start3A_432 : memref<50x64xf32, #tpu.memory_space<hbm>>) target_semaphore(%arg12 : memref<!tpu.dma_semaphore, #tpu.memory_space<semaphore_mem>>)
    %add3A_437 = arith.constant 500 : i32
    %add3A_438 = arith.addi %mul3A_2, %add3A_437 : i32
    %add3A_439 = arith.constant 2 : i32
    %add3A_440 = arith.addi %add3A_438, %add3A_439 : i32
    %mul3A_441 = arith.constant 56 : i32
    %mul3A_442 = arith.muli %add3A_440, %mul3A_441 : i32
    %dma_start3A_443 = arith.constant 1 : i32
    %dma_start3A_444 = arith.constant 2 : i32
    %dma_start3A_445 = arith.constant 0 : i32
    %dma_start3A_446 = arith.constant 0 : i32
    %dma_start3A_447 = tpu.memref_slice %arg6[%dma_start3A_443, %dma_start3A_444, %dma_start3A_445, %dma_start3A_446] : memref<4x4x50x64xf32, #tpu.memory_space<vmem>> -> memref<1x1x50x64xf32, #tpu.memory_space<vmem>>
    %dma_start3A_448 = tpu.memref_squeeze %dma_start3A_447 : memref<1x1x50x64xf32, #tpu.memory_space<vmem>> -> memref<50x64xf32, #tpu.memory_space<vmem>>
    %dma_start3A_449 = arith.constant 0 : i32
    %dma_start3A_450 = tpu.memref_slice %arg4[%mul3A_442, %dma_start3A_449] : memref<917504x128xf32, #tpu.memory_space<hbm>> -> memref<50x64xf32, #tpu.memory_space<hbm>>
    %dma_start3A_451 = arith.constant 0 : i32
    %dma_start3A_452 = tpu.memref_slice %arg4[%mul3A_442, %dma_start3A_451] : memref<917504x128xf32, #tpu.memory_space<hbm>> -> memref<50x64xf32, #tpu.memory_space<hbm>>
    %dma_start3A_453 = arith.constant 0 : i32
    %dma_start3A_454 = arith.constant 0 : i32
    %dma_start3A_455 = tpu.memref_slice %arg6[%dma_start3A_443, %dma_start3A_444, %dma_start3A_453, %dma_start3A_454] : memref<4x4x50x64xf32, #tpu.memory_space<vmem>> -> memref<1x1x50x64xf32, #tpu.memory_space<vmem>>
    %dma_start3A_456 = tpu.memref_squeeze %dma_start3A_455 : memref<1x1x50x64xf32, #tpu.memory_space<vmem>> -> memref<50x64xf32, #tpu.memory_space<vmem>>
    tpu.enqueue_dma source(%dma_start3A_456 : memref<50x64xf32, #tpu.memory_space<vmem>>) target(%dma_start3A_452 : memref<50x64xf32, #tpu.memory_space<hbm>>) target_semaphore(%arg12 : memref<!tpu.dma_semaphore, #tpu.memory_space<semaphore_mem>>)
    %add3A_457 = arith.constant 500 : i32
    %add3A_458 = arith.addi %mul3A_2, %add3A_457 : i32
    %add3A_459 = arith.constant 3 : i32
    %add3A_460 = arith.addi %add3A_458, %add3A_459 : i32
    %mul3A_461 = arith.constant 56 : i32
    %mul3A_462 = arith.muli %add3A_460, %mul3A_461 : i32
    %dma_start3A_463 = arith.constant 1 : i32
    %dma_start3A_464 = arith.constant 3 : i32
    %dma_start3A_465 = arith.constant 0 : i32
    %dma_start3A_466 = arith.constant 0 : i32
    %dma_start3A_467 = tpu.memref_slice %arg6[%dma_start3A_463, %dma_start3A_464, %dma_start3A_465, %dma_start3A_466] : memref<4x4x50x64xf32, #tpu.memory_space<vmem>> -> memref<1x1x50x64xf32, #tpu.memory_space<vmem>>
    %dma_start3A_468 = tpu.memref_squeeze %dma_start3A_467 : memref<1x1x50x64xf32, #tpu.memory_space<vmem>> -> memref<50x64xf32, #tpu.memory_space<vmem>>
    %dma_start3A_469 = arith.constant 0 : i32
    %dma_start3A_470 = tpu.memref_slice %arg4[%mul3A_462, %dma_start3A_469] : memref<917504x128xf32, #tpu.memory_space<hbm>> -> memref<50x64xf32, #tpu.memory_space<hbm>>
    %dma_start3A_471 = arith.constant 0 : i32
    %dma_start3A_472 = tpu.memref_slice %arg4[%mul3A_462, %dma_start3A_471] : memref<917504x128xf32, #tpu.memory_space<hbm>> -> memref<50x64xf32, #tpu.memory_space<hbm>>
    %dma_start3A_473 = arith.constant 0 : i32
    %dma_start3A_474 = arith.constant 0 : i32
    %dma_start3A_475 = tpu.memref_slice %arg6[%dma_start3A_463, %dma_start3A_464, %dma_start3A_473, %dma_start3A_474] : memref<4x4x50x64xf32, #tpu.memory_space<vmem>> -> memref<1x1x50x64xf32, #tpu.memory_space<vmem>>
    %dma_start3A_476 = tpu.memref_squeeze %dma_start3A_475 : memref<1x1x50x64xf32, #tpu.memory_space<vmem>> -> memref<50x64xf32, #tpu.memory_space<vmem>>
    tpu.enqueue_dma source(%dma_start3A_476 : memref<50x64xf32, #tpu.memory_space<vmem>>) target(%dma_start3A_472 : memref<50x64xf32, #tpu.memory_space<hbm>>) target_semaphore(%arg12 : memref<!tpu.dma_semaphore, #tpu.memory_space<semaphore_mem>>)
    %dma_wait3A_477 = arith.constant 504 : i32
    %dma_wait3A_478 = arith.constant 2 : i32
    %dma_wait3A_479 = arith.constant 0 : i32
    %dma_wait3A_480 = arith.constant 0 : i32
    %dma_wait3A_481 = arith.constant 0 : i32
    %dma_wait3A_482 = tpu.memref_slice %arg6[%dma_wait3A_478, %dma_wait3A_479, %dma_wait3A_480, %dma_wait3A_481] : memref<4x4x50x64xf32, #tpu.memory_space<vmem>> -> memref<1x1x50x64xf32, #tpu.memory_space<vmem>>
    %dma_wait3A_483 = tpu.memref_squeeze %dma_wait3A_482 : memref<1x1x50x64xf32, #tpu.memory_space<vmem>> -> memref<50x64xf32, #tpu.memory_space<vmem>>
    %dma_wait3A_484 = arith.constant 0 : i32
    %dma_wait3A_485 = tpu.memref_slice %arg5[%dma_wait3A_477, %dma_wait3A_484] : memref<512x50xi32, #tpu.memory_space<vmem>> -> memref<1x50xi32, #tpu.memory_space<vmem>>
    %dma_wait3A_486 = tpu.memref_squeeze %dma_wait3A_485 : memref<1x50xi32, #tpu.memory_space<vmem>> -> memref<50xi32, #tpu.memory_space<vmem>>
    %dma_wait3A_487 = arith.constant 0 : i32
    %dma_wait3A_488 = arith.constant 0 : i32
    %dma_wait3A_489 = tpu.memref_slice %arg3[%dma_wait3A_487, %dma_wait3A_488] : memref<100000x64xf32, #tpu.memory_space<hbm>> -> memref<100000x64xf32, #tpu.memory_space<hbm>>
    tpu.wait_indirect_dma semaphore(%arg9 : memref<!tpu.dma_semaphore, #tpu.memory_space<semaphore_mem>>) src(%dma_wait3A_489 : memref<100000x64xf32, #tpu.memory_space<hbm>>) dst(%dma_wait3A_483 : memref<50x64xf32, #tpu.memory_space<vmem>>)
    %dma_wait3A_490 = arith.constant 505 : i32
    %dma_wait3A_491 = arith.constant 2 : i32
    %dma_wait3A_492 = arith.constant 1 : i32
    %dma_wait3A_493 = arith.constant 0 : i32
    %dma_wait3A_494 = arith.constant 0 : i32
    %dma_wait3A_495 = tpu.memref_slice %arg6[%dma_wait3A_491, %dma_wait3A_492, %dma_wait3A_493, %dma_wait3A_494] : memref<4x4x50x64xf32, #tpu.memory_space<vmem>> -> memref<1x1x50x64xf32, #tpu.memory_space<vmem>>
    %dma_wait3A_496 = tpu.memref_squeeze %dma_wait3A_495 : memref<1x1x50x64xf32, #tpu.memory_space<vmem>> -> memref<50x64xf32, #tpu.memory_space<vmem>>
    %dma_wait3A_497 = arith.constant 0 : i32
    %dma_wait3A_498 = tpu.memref_slice %arg5[%dma_wait3A_490, %dma_wait3A_497] : memref<512x50xi32, #tpu.memory_space<vmem>> -> memref<1x50xi32, #tpu.memory_space<vmem>>
    %dma_wait3A_499 = tpu.memref_squeeze %dma_wait3A_498 : memref<1x50xi32, #tpu.memory_space<vmem>> -> memref<50xi32, #tpu.memory_space<vmem>>
    %dma_wait3A_500 = arith.constant 0 : i32
    %dma_wait3A_501 = arith.constant 0 : i32
    %dma_wait3A_502 = tpu.memref_slice %arg3[%dma_wait3A_500, %dma_wait3A_501] : memref<100000x64xf32, #tpu.memory_space<hbm>> -> memref<100000x64xf32, #tpu.memory_space<hbm>>
    tpu.wait_indirect_dma semaphore(%arg9 : memref<!tpu.dma_semaphore, #tpu.memory_space<semaphore_mem>>) src(%dma_wait3A_502 : memref<100000x64xf32, #tpu.memory_space<hbm>>) dst(%dma_wait3A_496 : memref<50x64xf32, #tpu.memory_space<vmem>>)
    %dma_wait3A_503 = arith.constant 506 : i32
    %dma_wait3A_504 = arith.constant 2 : i32
    %dma_wait3A_505 = arith.constant 2 : i32
    %dma_wait3A_506 = arith.constant 0 : i32
    %dma_wait3A_507 = arith.constant 0 : i32
    %dma_wait3A_508 = tpu.memref_slice %arg6[%dma_wait3A_504, %dma_wait3A_505, %dma_wait3A_506, %dma_wait3A_507] : memref<4x4x50x64xf32, #tpu.memory_space<vmem>> -> memref<1x1x50x64xf32, #tpu.memory_space<vmem>>
    %dma_wait3A_509 = tpu.memref_squeeze %dma_wait3A_508 : memref<1x1x50x64xf32, #tpu.memory_space<vmem>> -> memref<50x64xf32, #tpu.memory_space<vmem>>
    %dma_wait3A_510 = arith.constant 0 : i32
    %dma_wait3A_511 = tpu.memref_slice %arg5[%dma_wait3A_503, %dma_wait3A_510] : memref<512x50xi32, #tpu.memory_space<vmem>> -> memref<1x50xi32, #tpu.memory_space<vmem>>
    %dma_wait3A_512 = tpu.memref_squeeze %dma_wait3A_511 : memref<1x50xi32, #tpu.memory_space<vmem>> -> memref<50xi32, #tpu.memory_space<vmem>>
    %dma_wait3A_513 = arith.constant 0 : i32
    %dma_wait3A_514 = arith.constant 0 : i32
    %dma_wait3A_515 = tpu.memref_slice %arg3[%dma_wait3A_513, %dma_wait3A_514] : memref<100000x64xf32, #tpu.memory_space<hbm>> -> memref<100000x64xf32, #tpu.memory_space<hbm>>
    tpu.wait_indirect_dma semaphore(%arg9 : memref<!tpu.dma_semaphore, #tpu.memory_space<semaphore_mem>>) src(%dma_wait3A_515 : memref<100000x64xf32, #tpu.memory_space<hbm>>) dst(%dma_wait3A_509 : memref<50x64xf32, #tpu.memory_space<vmem>>)
    %dma_wait3A_516 = arith.constant 507 : i32
    %dma_wait3A_517 = arith.constant 2 : i32
    %dma_wait3A_518 = arith.constant 3 : i32
    %dma_wait3A_519 = arith.constant 0 : i32
    %dma_wait3A_520 = arith.constant 0 : i32
    %dma_wait3A_521 = tpu.memref_slice %arg6[%dma_wait3A_517, %dma_wait3A_518, %dma_wait3A_519, %dma_wait3A_520] : memref<4x4x50x64xf32, #tpu.memory_space<vmem>> -> memref<1x1x50x64xf32, #tpu.memory_space<vmem>>
    %dma_wait3A_522 = tpu.memref_squeeze %dma_wait3A_521 : memref<1x1x50x64xf32, #tpu.memory_space<vmem>> -> memref<50x64xf32, #tpu.memory_space<vmem>>
    %dma_wait3A_523 = arith.constant 0 : i32
    %dma_wait3A_524 = tpu.memref_slice %arg5[%dma_wait3A_516, %dma_wait3A_523] : memref<512x50xi32, #tpu.memory_space<vmem>> -> memref<1x50xi32, #tpu.memory_space<vmem>>
    %dma_wait3A_525 = tpu.memref_squeeze %dma_wait3A_524 : memref<1x50xi32, #tpu.memory_space<vmem>> -> memref<50xi32, #tpu.memory_space<vmem>>
    %dma_wait3A_526 = arith.constant 0 : i32
    %dma_wait3A_527 = arith.constant 0 : i32
    %dma_wait3A_528 = tpu.memref_slice %arg3[%dma_wait3A_526, %dma_wait3A_527] : memref<100000x64xf32, #tpu.memory_space<hbm>> -> memref<100000x64xf32, #tpu.memory_space<hbm>>
    tpu.wait_indirect_dma semaphore(%arg9 : memref<!tpu.dma_semaphore, #tpu.memory_space<semaphore_mem>>) src(%dma_wait3A_528 : memref<100000x64xf32, #tpu.memory_space<hbm>>) dst(%dma_wait3A_522 : memref<50x64xf32, #tpu.memory_space<vmem>>)
    %add3A_529 = arith.constant 504 : i32
    %add3A_530 = arith.addi %mul3A_2, %add3A_529 : i32
    %add3A_531 = arith.constant 0 : i32
    %add3A_532 = arith.addi %add3A_530, %add3A_531 : i32
    %mul3A_533 = arith.constant 56 : i32
    %mul3A_534 = arith.muli %add3A_532, %mul3A_533 : i32
    %dma_start3A_535 = arith.constant 2 : i32
    %dma_start3A_536 = arith.constant 0 : i32
    %dma_start3A_537 = arith.constant 0 : i32
    %dma_start3A_538 = arith.constant 0 : i32
    %dma_start3A_539 = tpu.memref_slice %arg6[%dma_start3A_535, %dma_start3A_536, %dma_start3A_537, %dma_start3A_538] : memref<4x4x50x64xf32, #tpu.memory_space<vmem>> -> memref<1x1x50x64xf32, #tpu.memory_space<vmem>>
    %dma_start3A_540 = tpu.memref_squeeze %dma_start3A_539 : memref<1x1x50x64xf32, #tpu.memory_space<vmem>> -> memref<50x64xf32, #tpu.memory_space<vmem>>
    %dma_start3A_541 = arith.constant 0 : i32
    %dma_start3A_542 = tpu.memref_slice %arg4[%mul3A_534, %dma_start3A_541] : memref<917504x128xf32, #tpu.memory_space<hbm>> -> memref<50x64xf32, #tpu.memory_space<hbm>>
    %dma_start3A_543 = arith.constant 0 : i32
    %dma_start3A_544 = tpu.memref_slice %arg4[%mul3A_534, %dma_start3A_543] : memref<917504x128xf32, #tpu.memory_space<hbm>> -> memref<50x64xf32, #tpu.memory_space<hbm>>
    %dma_start3A_545 = arith.constant 0 : i32
    %dma_start3A_546 = arith.constant 0 : i32
    %dma_start3A_547 = tpu.memref_slice %arg6[%dma_start3A_535, %dma_start3A_536, %dma_start3A_545, %dma_start3A_546] : memref<4x4x50x64xf32, #tpu.memory_space<vmem>> -> memref<1x1x50x64xf32, #tpu.memory_space<vmem>>
    %dma_start3A_548 = tpu.memref_squeeze %dma_start3A_547 : memref<1x1x50x64xf32, #tpu.memory_space<vmem>> -> memref<50x64xf32, #tpu.memory_space<vmem>>
    tpu.enqueue_dma source(%dma_start3A_548 : memref<50x64xf32, #tpu.memory_space<vmem>>) target(%dma_start3A_544 : memref<50x64xf32, #tpu.memory_space<hbm>>) target_semaphore(%arg13 : memref<!tpu.dma_semaphore, #tpu.memory_space<semaphore_mem>>)
    %add3A_549 = arith.constant 504 : i32
    %add3A_550 = arith.addi %mul3A_2, %add3A_549 : i32
    %add3A_551 = arith.constant 1 : i32
    %add3A_552 = arith.addi %add3A_550, %add3A_551 : i32
    %mul3A_553 = arith.constant 56 : i32
    %mul3A_554 = arith.muli %add3A_552, %mul3A_553 : i32
    %dma_start3A_555 = arith.constant 2 : i32
    %dma_start3A_556 = arith.constant 1 : i32
    %dma_start3A_557 = arith.constant 0 : i32
    %dma_start3A_558 = arith.constant 0 : i32
    %dma_start3A_559 = tpu.memref_slice %arg6[%dma_start3A_555, %dma_start3A_556, %dma_start3A_557, %dma_start3A_558] : memref<4x4x50x64xf32, #tpu.memory_space<vmem>> -> memref<1x1x50x64xf32, #tpu.memory_space<vmem>>
    %dma_start3A_560 = tpu.memref_squeeze %dma_start3A_559 : memref<1x1x50x64xf32, #tpu.memory_space<vmem>> -> memref<50x64xf32, #tpu.memory_space<vmem>>
    %dma_start3A_561 = arith.constant 0 : i32
    %dma_start3A_562 = tpu.memref_slice %arg4[%mul3A_554, %dma_start3A_561] : memref<917504x128xf32, #tpu.memory_space<hbm>> -> memref<50x64xf32, #tpu.memory_space<hbm>>
    %dma_start3A_563 = arith.constant 0 : i32
    %dma_start3A_564 = tpu.memref_slice %arg4[%mul3A_554, %dma_start3A_563] : memref<917504x128xf32, #tpu.memory_space<hbm>> -> memref<50x64xf32, #tpu.memory_space<hbm>>
    %dma_start3A_565 = arith.constant 0 : i32
    %dma_start3A_566 = arith.constant 0 : i32
    %dma_start3A_567 = tpu.memref_slice %arg6[%dma_start3A_555, %dma_start3A_556, %dma_start3A_565, %dma_start3A_566] : memref<4x4x50x64xf32, #tpu.memory_space<vmem>> -> memref<1x1x50x64xf32, #tpu.memory_space<vmem>>
    %dma_start3A_568 = tpu.memref_squeeze %dma_start3A_567 : memref<1x1x50x64xf32, #tpu.memory_space<vmem>> -> memref<50x64xf32, #tpu.memory_space<vmem>>
    tpu.enqueue_dma source(%dma_start3A_568 : memref<50x64xf32, #tpu.memory_space<vmem>>) target(%dma_start3A_564 : memref<50x64xf32, #tpu.memory_space<hbm>>) target_semaphore(%arg13 : memref<!tpu.dma_semaphore, #tpu.memory_space<semaphore_mem>>)
    %add3A_569 = arith.constant 504 : i32
    %add3A_570 = arith.addi %mul3A_2, %add3A_569 : i32
    %add3A_571 = arith.constant 2 : i32
    %add3A_572 = arith.addi %add3A_570, %add3A_571 : i32
    %mul3A_573 = arith.constant 56 : i32
    %mul3A_574 = arith.muli %add3A_572, %mul3A_573 : i32
    %dma_start3A_575 = arith.constant 2 : i32
    %dma_start3A_576 = arith.constant 2 : i32
    %dma_start3A_577 = arith.constant 0 : i32
    %dma_start3A_578 = arith.constant 0 : i32
    %dma_start3A_579 = tpu.memref_slice %arg6[%dma_start3A_575, %dma_start3A_576, %dma_start3A_577, %dma_start3A_578] : memref<4x4x50x64xf32, #tpu.memory_space<vmem>> -> memref<1x1x50x64xf32, #tpu.memory_space<vmem>>
    %dma_start3A_580 = tpu.memref_squeeze %dma_start3A_579 : memref<1x1x50x64xf32, #tpu.memory_space<vmem>> -> memref<50x64xf32, #tpu.memory_space<vmem>>
    %dma_start3A_581 = arith.constant 0 : i32
    %dma_start3A_582 = tpu.memref_slice %arg4[%mul3A_574, %dma_start3A_581] : memref<917504x128xf32, #tpu.memory_space<hbm>> -> memref<50x64xf32, #tpu.memory_space<hbm>>
    %dma_start3A_583 = arith.constant 0 : i32
    %dma_start3A_584 = tpu.memref_slice %arg4[%mul3A_574, %dma_start3A_583] : memref<917504x128xf32, #tpu.memory_space<hbm>> -> memref<50x64xf32, #tpu.memory_space<hbm>>
    %dma_start3A_585 = arith.constant 0 : i32
    %dma_start3A_586 = arith.constant 0 : i32
    %dma_start3A_587 = tpu.memref_slice %arg6[%dma_start3A_575, %dma_start3A_576, %dma_start3A_585, %dma_start3A_586] : memref<4x4x50x64xf32, #tpu.memory_space<vmem>> -> memref<1x1x50x64xf32, #tpu.memory_space<vmem>>
    %dma_start3A_588 = tpu.memref_squeeze %dma_start3A_587 : memref<1x1x50x64xf32, #tpu.memory_space<vmem>> -> memref<50x64xf32, #tpu.memory_space<vmem>>
    tpu.enqueue_dma source(%dma_start3A_588 : memref<50x64xf32, #tpu.memory_space<vmem>>) target(%dma_start3A_584 : memref<50x64xf32, #tpu.memory_space<hbm>>) target_semaphore(%arg13 : memref<!tpu.dma_semaphore, #tpu.memory_space<semaphore_mem>>)
    %add3A_589 = arith.constant 504 : i32
    %add3A_590 = arith.addi %mul3A_2, %add3A_589 : i32
    %add3A_591 = arith.constant 3 : i32
    %add3A_592 = arith.addi %add3A_590, %add3A_591 : i32
    %mul3A_593 = arith.constant 56 : i32
    %mul3A_594 = arith.muli %add3A_592, %mul3A_593 : i32
    %dma_start3A_595 = arith.constant 2 : i32
    %dma_start3A_596 = arith.constant 3 : i32
    %dma_start3A_597 = arith.constant 0 : i32
    %dma_start3A_598 = arith.constant 0 : i32
    %dma_start3A_599 = tpu.memref_slice %arg6[%dma_start3A_595, %dma_start3A_596, %dma_start3A_597, %dma_start3A_598] : memref<4x4x50x64xf32, #tpu.memory_space<vmem>> -> memref<1x1x50x64xf32, #tpu.memory_space<vmem>>
    %dma_start3A_600 = tpu.memref_squeeze %dma_start3A_599 : memref<1x1x50x64xf32, #tpu.memory_space<vmem>> -> memref<50x64xf32, #tpu.memory_space<vmem>>
    %dma_start3A_601 = arith.constant 0 : i32
    %dma_start3A_602 = tpu.memref_slice %arg4[%mul3A_594, %dma_start3A_601] : memref<917504x128xf32, #tpu.memory_space<hbm>> -> memref<50x64xf32, #tpu.memory_space<hbm>>
    %dma_start3A_603 = arith.constant 0 : i32
    %dma_start3A_604 = tpu.memref_slice %arg4[%mul3A_594, %dma_start3A_603] : memref<917504x128xf32, #tpu.memory_space<hbm>> -> memref<50x64xf32, #tpu.memory_space<hbm>>
    %dma_start3A_605 = arith.constant 0 : i32
    %dma_start3A_606 = arith.constant 0 : i32
    %dma_start3A_607 = tpu.memref_slice %arg6[%dma_start3A_595, %dma_start3A_596, %dma_start3A_605, %dma_start3A_606] : memref<4x4x50x64xf32, #tpu.memory_space<vmem>> -> memref<1x1x50x64xf32, #tpu.memory_space<vmem>>
    %dma_start3A_608 = tpu.memref_squeeze %dma_start3A_607 : memref<1x1x50x64xf32, #tpu.memory_space<vmem>> -> memref<50x64xf32, #tpu.memory_space<vmem>>
    tpu.enqueue_dma source(%dma_start3A_608 : memref<50x64xf32, #tpu.memory_space<vmem>>) target(%dma_start3A_604 : memref<50x64xf32, #tpu.memory_space<hbm>>) target_semaphore(%arg13 : memref<!tpu.dma_semaphore, #tpu.memory_space<semaphore_mem>>)
    %dma_wait3A_609 = arith.constant 508 : i32
    %dma_wait3A_610 = arith.constant 3 : i32
    %dma_wait3A_611 = arith.constant 0 : i32
    %dma_wait3A_612 = arith.constant 0 : i32
    %dma_wait3A_613 = arith.constant 0 : i32
    %dma_wait3A_614 = tpu.memref_slice %arg6[%dma_wait3A_610, %dma_wait3A_611, %dma_wait3A_612, %dma_wait3A_613] : memref<4x4x50x64xf32, #tpu.memory_space<vmem>> -> memref<1x1x50x64xf32, #tpu.memory_space<vmem>>
    %dma_wait3A_615 = tpu.memref_squeeze %dma_wait3A_614 : memref<1x1x50x64xf32, #tpu.memory_space<vmem>> -> memref<50x64xf32, #tpu.memory_space<vmem>>
    %dma_wait3A_616 = arith.constant 0 : i32
    %dma_wait3A_617 = tpu.memref_slice %arg5[%dma_wait3A_609, %dma_wait3A_616] : memref<512x50xi32, #tpu.memory_space<vmem>> -> memref<1x50xi32, #tpu.memory_space<vmem>>
    %dma_wait3A_618 = tpu.memref_squeeze %dma_wait3A_617 : memref<1x50xi32, #tpu.memory_space<vmem>> -> memref<50xi32, #tpu.memory_space<vmem>>
    %dma_wait3A_619 = arith.constant 0 : i32
    %dma_wait3A_620 = arith.constant 0 : i32
    %dma_wait3A_621 = tpu.memref_slice %arg3[%dma_wait3A_619, %dma_wait3A_620] : memref<100000x64xf32, #tpu.memory_space<hbm>> -> memref<100000x64xf32, #tpu.memory_space<hbm>>
    tpu.wait_indirect_dma semaphore(%arg10 : memref<!tpu.dma_semaphore, #tpu.memory_space<semaphore_mem>>) src(%dma_wait3A_621 : memref<100000x64xf32, #tpu.memory_space<hbm>>) dst(%dma_wait3A_615 : memref<50x64xf32, #tpu.memory_space<vmem>>)
    %dma_wait3A_622 = arith.constant 509 : i32
    %dma_wait3A_623 = arith.constant 3 : i32
    %dma_wait3A_624 = arith.constant 1 : i32
    %dma_wait3A_625 = arith.constant 0 : i32
    %dma_wait3A_626 = arith.constant 0 : i32
    %dma_wait3A_627 = tpu.memref_slice %arg6[%dma_wait3A_623, %dma_wait3A_624, %dma_wait3A_625, %dma_wait3A_626] : memref<4x4x50x64xf32, #tpu.memory_space<vmem>> -> memref<1x1x50x64xf32, #tpu.memory_space<vmem>>
    %dma_wait3A_628 = tpu.memref_squeeze %dma_wait3A_627 : memref<1x1x50x64xf32, #tpu.memory_space<vmem>> -> memref<50x64xf32, #tpu.memory_space<vmem>>
    %dma_wait3A_629 = arith.constant 0 : i32
    %dma_wait3A_630 = tpu.memref_slice %arg5[%dma_wait3A_622, %dma_wait3A_629] : memref<512x50xi32, #tpu.memory_space<vmem>> -> memref<1x50xi32, #tpu.memory_space<vmem>>
    %dma_wait3A_631 = tpu.memref_squeeze %dma_wait3A_630 : memref<1x50xi32, #tpu.memory_space<vmem>> -> memref<50xi32, #tpu.memory_space<vmem>>
    %dma_wait3A_632 = arith.constant 0 : i32
    %dma_wait3A_633 = arith.constant 0 : i32
    %dma_wait3A_634 = tpu.memref_slice %arg3[%dma_wait3A_632, %dma_wait3A_633] : memref<100000x64xf32, #tpu.memory_space<hbm>> -> memref<100000x64xf32, #tpu.memory_space<hbm>>
    tpu.wait_indirect_dma semaphore(%arg10 : memref<!tpu.dma_semaphore, #tpu.memory_space<semaphore_mem>>) src(%dma_wait3A_634 : memref<100000x64xf32, #tpu.memory_space<hbm>>) dst(%dma_wait3A_628 : memref<50x64xf32, #tpu.memory_space<vmem>>)
    %dma_wait3A_635 = arith.constant 510 : i32
    %dma_wait3A_636 = arith.constant 3 : i32
    %dma_wait3A_637 = arith.constant 2 : i32
    %dma_wait3A_638 = arith.constant 0 : i32
    %dma_wait3A_639 = arith.constant 0 : i32
    %dma_wait3A_640 = tpu.memref_slice %arg6[%dma_wait3A_636, %dma_wait3A_637, %dma_wait3A_638, %dma_wait3A_639] : memref<4x4x50x64xf32, #tpu.memory_space<vmem>> -> memref<1x1x50x64xf32, #tpu.memory_space<vmem>>
    %dma_wait3A_641 = tpu.memref_squeeze %dma_wait3A_640 : memref<1x1x50x64xf32, #tpu.memory_space<vmem>> -> memref<50x64xf32, #tpu.memory_space<vmem>>
    %dma_wait3A_642 = arith.constant 0 : i32
    %dma_wait3A_643 = tpu.memref_slice %arg5[%dma_wait3A_635, %dma_wait3A_642] : memref<512x50xi32, #tpu.memory_space<vmem>> -> memref<1x50xi32, #tpu.memory_space<vmem>>
    %dma_wait3A_644 = tpu.memref_squeeze %dma_wait3A_643 : memref<1x50xi32, #tpu.memory_space<vmem>> -> memref<50xi32, #tpu.memory_space<vmem>>
    %dma_wait3A_645 = arith.constant 0 : i32
    %dma_wait3A_646 = arith.constant 0 : i32
    %dma_wait3A_647 = tpu.memref_slice %arg3[%dma_wait3A_645, %dma_wait3A_646] : memref<100000x64xf32, #tpu.memory_space<hbm>> -> memref<100000x64xf32, #tpu.memory_space<hbm>>
    tpu.wait_indirect_dma semaphore(%arg10 : memref<!tpu.dma_semaphore, #tpu.memory_space<semaphore_mem>>) src(%dma_wait3A_647 : memref<100000x64xf32, #tpu.memory_space<hbm>>) dst(%dma_wait3A_641 : memref<50x64xf32, #tpu.memory_space<vmem>>)
    %dma_wait3A_648 = arith.constant 511 : i32
    %dma_wait3A_649 = arith.constant 3 : i32
    %dma_wait3A_650 = arith.constant 3 : i32
    %dma_wait3A_651 = arith.constant 0 : i32
    %dma_wait3A_652 = arith.constant 0 : i32
    %dma_wait3A_653 = tpu.memref_slice %arg6[%dma_wait3A_649, %dma_wait3A_650, %dma_wait3A_651, %dma_wait3A_652] : memref<4x4x50x64xf32, #tpu.memory_space<vmem>> -> memref<1x1x50x64xf32, #tpu.memory_space<vmem>>
    %dma_wait3A_654 = tpu.memref_squeeze %dma_wait3A_653 : memref<1x1x50x64xf32, #tpu.memory_space<vmem>> -> memref<50x64xf32, #tpu.memory_space<vmem>>
    %dma_wait3A_655 = arith.constant 0 : i32
    %dma_wait3A_656 = tpu.memref_slice %arg5[%dma_wait3A_648, %dma_wait3A_655] : memref<512x50xi32, #tpu.memory_space<vmem>> -> memref<1x50xi32, #tpu.memory_space<vmem>>
    %dma_wait3A_657 = tpu.memref_squeeze %dma_wait3A_656 : memref<1x50xi32, #tpu.memory_space<vmem>> -> memref<50xi32, #tpu.memory_space<vmem>>
    %dma_wait3A_658 = arith.constant 0 : i32
    %dma_wait3A_659 = arith.constant 0 : i32
    %dma_wait3A_660 = tpu.memref_slice %arg3[%dma_wait3A_658, %dma_wait3A_659] : memref<100000x64xf32, #tpu.memory_space<hbm>> -> memref<100000x64xf32, #tpu.memory_space<hbm>>
    tpu.wait_indirect_dma semaphore(%arg10 : memref<!tpu.dma_semaphore, #tpu.memory_space<semaphore_mem>>) src(%dma_wait3A_660 : memref<100000x64xf32, #tpu.memory_space<hbm>>) dst(%dma_wait3A_654 : memref<50x64xf32, #tpu.memory_space<vmem>>)
    %add3A_661 = arith.constant 508 : i32
    %add3A_662 = arith.addi %mul3A_2, %add3A_661 : i32
    %add3A_663 = arith.constant 0 : i32
    %add3A_664 = arith.addi %add3A_662, %add3A_663 : i32
    %mul3A_665 = arith.constant 56 : i32
    %mul3A_666 = arith.muli %add3A_664, %mul3A_665 : i32
    %dma_start3A_667 = arith.constant 3 : i32
    %dma_start3A_668 = arith.constant 0 : i32
    %dma_start3A_669 = arith.constant 0 : i32
    %dma_start3A_670 = arith.constant 0 : i32
    %dma_start3A_671 = tpu.memref_slice %arg6[%dma_start3A_667, %dma_start3A_668, %dma_start3A_669, %dma_start3A_670] : memref<4x4x50x64xf32, #tpu.memory_space<vmem>> -> memref<1x1x50x64xf32, #tpu.memory_space<vmem>>
    %dma_start3A_672 = tpu.memref_squeeze %dma_start3A_671 : memref<1x1x50x64xf32, #tpu.memory_space<vmem>> -> memref<50x64xf32, #tpu.memory_space<vmem>>
    %dma_start3A_673 = arith.constant 0 : i32
    %dma_start3A_674 = tpu.memref_slice %arg4[%mul3A_666, %dma_start3A_673] : memref<917504x128xf32, #tpu.memory_space<hbm>> -> memref<50x64xf32, #tpu.memory_space<hbm>>
    %dma_start3A_675 = arith.constant 0 : i32
    %dma_start3A_676 = tpu.memref_slice %arg4[%mul3A_666, %dma_start3A_675] : memref<917504x128xf32, #tpu.memory_space<hbm>> -> memref<50x64xf32, #tpu.memory_space<hbm>>
    %dma_start3A_677 = arith.constant 0 : i32
    %dma_start3A_678 = arith.constant 0 : i32
    %dma_start3A_679 = tpu.memref_slice %arg6[%dma_start3A_667, %dma_start3A_668, %dma_start3A_677, %dma_start3A_678] : memref<4x4x50x64xf32, #tpu.memory_space<vmem>> -> memref<1x1x50x64xf32, #tpu.memory_space<vmem>>
    %dma_start3A_680 = tpu.memref_squeeze %dma_start3A_679 : memref<1x1x50x64xf32, #tpu.memory_space<vmem>> -> memref<50x64xf32, #tpu.memory_space<vmem>>
    tpu.enqueue_dma source(%dma_start3A_680 : memref<50x64xf32, #tpu.memory_space<vmem>>) target(%dma_start3A_676 : memref<50x64xf32, #tpu.memory_space<hbm>>) target_semaphore(%arg14 : memref<!tpu.dma_semaphore, #tpu.memory_space<semaphore_mem>>)
    %add3A_681 = arith.constant 508 : i32
    %add3A_682 = arith.addi %mul3A_2, %add3A_681 : i32
    %add3A_683 = arith.constant 1 : i32
    %add3A_684 = arith.addi %add3A_682, %add3A_683 : i32
    %mul3A_685 = arith.constant 56 : i32
    %mul3A_686 = arith.muli %add3A_684, %mul3A_685 : i32
    %dma_start3A_687 = arith.constant 3 : i32
    %dma_start3A_688 = arith.constant 1 : i32
    %dma_start3A_689 = arith.constant 0 : i32
    %dma_start3A_690 = arith.constant 0 : i32
    %dma_start3A_691 = tpu.memref_slice %arg6[%dma_start3A_687, %dma_start3A_688, %dma_start3A_689, %dma_start3A_690] : memref<4x4x50x64xf32, #tpu.memory_space<vmem>> -> memref<1x1x50x64xf32, #tpu.memory_space<vmem>>
    %dma_start3A_692 = tpu.memref_squeeze %dma_start3A_691 : memref<1x1x50x64xf32, #tpu.memory_space<vmem>> -> memref<50x64xf32, #tpu.memory_space<vmem>>
    %dma_start3A_693 = arith.constant 0 : i32
    %dma_start3A_694 = tpu.memref_slice %arg4[%mul3A_686, %dma_start3A_693] : memref<917504x128xf32, #tpu.memory_space<hbm>> -> memref<50x64xf32, #tpu.memory_space<hbm>>
    %dma_start3A_695 = arith.constant 0 : i32
    %dma_start3A_696 = tpu.memref_slice %arg4[%mul3A_686, %dma_start3A_695] : memref<917504x128xf32, #tpu.memory_space<hbm>> -> memref<50x64xf32, #tpu.memory_space<hbm>>
    %dma_start3A_697 = arith.constant 0 : i32
    %dma_start3A_698 = arith.constant 0 : i32
    %dma_start3A_699 = tpu.memref_slice %arg6[%dma_start3A_687, %dma_start3A_688, %dma_start3A_697, %dma_start3A_698] : memref<4x4x50x64xf32, #tpu.memory_space<vmem>> -> memref<1x1x50x64xf32, #tpu.memory_space<vmem>>
    %dma_start3A_700 = tpu.memref_squeeze %dma_start3A_699 : memref<1x1x50x64xf32, #tpu.memory_space<vmem>> -> memref<50x64xf32, #tpu.memory_space<vmem>>
    tpu.enqueue_dma source(%dma_start3A_700 : memref<50x64xf32, #tpu.memory_space<vmem>>) target(%dma_start3A_696 : memref<50x64xf32, #tpu.memory_space<hbm>>) target_semaphore(%arg14 : memref<!tpu.dma_semaphore, #tpu.memory_space<semaphore_mem>>)
    %add3A_701 = arith.constant 508 : i32
    %add3A_702 = arith.addi %mul3A_2, %add3A_701 : i32
    %add3A_703 = arith.constant 2 : i32
    %add3A_704 = arith.addi %add3A_702, %add3A_703 : i32
    %mul3A_705 = arith.constant 56 : i32
    %mul3A_706 = arith.muli %add3A_704, %mul3A_705 : i32
    %dma_start3A_707 = arith.constant 3 : i32
    %dma_start3A_708 = arith.constant 2 : i32
    %dma_start3A_709 = arith.constant 0 : i32
    %dma_start3A_710 = arith.constant 0 : i32
    %dma_start3A_711 = tpu.memref_slice %arg6[%dma_start3A_707, %dma_start3A_708, %dma_start3A_709, %dma_start3A_710] : memref<4x4x50x64xf32, #tpu.memory_space<vmem>> -> memref<1x1x50x64xf32, #tpu.memory_space<vmem>>
    %dma_start3A_712 = tpu.memref_squeeze %dma_start3A_711 : memref<1x1x50x64xf32, #tpu.memory_space<vmem>> -> memref<50x64xf32, #tpu.memory_space<vmem>>
    %dma_start3A_713 = arith.constant 0 : i32
    %dma_start3A_714 = tpu.memref_slice %arg4[%mul3A_706, %dma_start3A_713] : memref<917504x128xf32, #tpu.memory_space<hbm>> -> memref<50x64xf32, #tpu.memory_space<hbm>>
    %dma_start3A_715 = arith.constant 0 : i32
    %dma_start3A_716 = tpu.memref_slice %arg4[%mul3A_706, %dma_start3A_715] : memref<917504x128xf32, #tpu.memory_space<hbm>> -> memref<50x64xf32, #tpu.memory_space<hbm>>
    %dma_start3A_717 = arith.constant 0 : i32
    %dma_start3A_718 = arith.constant 0 : i32
    %dma_start3A_719 = tpu.memref_slice %arg6[%dma_start3A_707, %dma_start3A_708, %dma_start3A_717, %dma_start3A_718] : memref<4x4x50x64xf32, #tpu.memory_space<vmem>> -> memref<1x1x50x64xf32, #tpu.memory_space<vmem>>
    %dma_start3A_720 = tpu.memref_squeeze %dma_start3A_719 : memref<1x1x50x64xf32, #tpu.memory_space<vmem>> -> memref<50x64xf32, #tpu.memory_space<vmem>>
    tpu.enqueue_dma source(%dma_start3A_720 : memref<50x64xf32, #tpu.memory_space<vmem>>) target(%dma_start3A_716 : memref<50x64xf32, #tpu.memory_space<hbm>>) target_semaphore(%arg14 : memref<!tpu.dma_semaphore, #tpu.memory_space<semaphore_mem>>)
    %add3A_721 = arith.constant 508 : i32
    %add3A_722 = arith.addi %mul3A_2, %add3A_721 : i32
    %add3A_723 = arith.constant 3 : i32
    %add3A_724 = arith.addi %add3A_722, %add3A_723 : i32
    %mul3A_725 = arith.constant 56 : i32
    %mul3A_726 = arith.muli %add3A_724, %mul3A_725 : i32
    %dma_start3A_727 = arith.constant 3 : i32
    %dma_start3A_728 = arith.constant 3 : i32
    %dma_start3A_729 = arith.constant 0 : i32
    %dma_start3A_730 = arith.constant 0 : i32
    %dma_start3A_731 = tpu.memref_slice %arg6[%dma_start3A_727, %dma_start3A_728, %dma_start3A_729, %dma_start3A_730] : memref<4x4x50x64xf32, #tpu.memory_space<vmem>> -> memref<1x1x50x64xf32, #tpu.memory_space<vmem>>
    %dma_start3A_732 = tpu.memref_squeeze %dma_start3A_731 : memref<1x1x50x64xf32, #tpu.memory_space<vmem>> -> memref<50x64xf32, #tpu.memory_space<vmem>>
    %dma_start3A_733 = arith.constant 0 : i32
    %dma_start3A_734 = tpu.memref_slice %arg4[%mul3A_726, %dma_start3A_733] : memref<917504x128xf32, #tpu.memory_space<hbm>> -> memref<50x64xf32, #tpu.memory_space<hbm>>
    %dma_start3A_735 = arith.constant 0 : i32
    %dma_start3A_736 = tpu.memref_slice %arg4[%mul3A_726, %dma_start3A_735] : memref<917504x128xf32, #tpu.memory_space<hbm>> -> memref<50x64xf32, #tpu.memory_space<hbm>>
    %dma_start3A_737 = arith.constant 0 : i32
    %dma_start3A_738 = arith.constant 0 : i32
    %dma_start3A_739 = tpu.memref_slice %arg6[%dma_start3A_727, %dma_start3A_728, %dma_start3A_737, %dma_start3A_738] : memref<4x4x50x64xf32, #tpu.memory_space<vmem>> -> memref<1x1x50x64xf32, #tpu.memory_space<vmem>>
    %dma_start3A_740 = tpu.memref_squeeze %dma_start3A_739 : memref<1x1x50x64xf32, #tpu.memory_space<vmem>> -> memref<50x64xf32, #tpu.memory_space<vmem>>
    tpu.enqueue_dma source(%dma_start3A_740 : memref<50x64xf32, #tpu.memory_space<vmem>>) target(%dma_start3A_736 : memref<50x64xf32, #tpu.memory_space<hbm>>) target_semaphore(%arg14 : memref<!tpu.dma_semaphore, #tpu.memory_space<semaphore_mem>>)
    %add3A_741 = arith.constant 496 : i32
    %add3A_742 = arith.addi %mul3A_2, %add3A_741 : i32
    %add3A_743 = arith.constant 0 : i32
    %add3A_744 = arith.addi %add3A_742, %add3A_743 : i32
    %mul3A_745 = arith.constant 56 : i32
    %mul3A_746 = arith.muli %add3A_744, %mul3A_745 : i32
    %dma_wait3A_747 = arith.constant 0 : i32
    %dma_wait3A_748 = arith.constant 0 : i32
    %dma_wait3A_749 = arith.constant 0 : i32
    %dma_wait3A_750 = arith.constant 0 : i32
    %dma_wait3A_751 = tpu.memref_slice %arg6[%dma_wait3A_747, %dma_wait3A_748, %dma_wait3A_749, %dma_wait3A_750] : memref<4x4x50x64xf32, #tpu.memory_space<vmem>> -> memref<1x1x50x64xf32, #tpu.memory_space<vmem>>
    %dma_wait3A_752 = tpu.memref_squeeze %dma_wait3A_751 : memref<1x1x50x64xf32, #tpu.memory_space<vmem>> -> memref<50x64xf32, #tpu.memory_space<vmem>>
    %dma_wait3A_753 = arith.constant 0 : i32
    %dma_wait3A_754 = tpu.memref_slice %arg4[%mul3A_746, %dma_wait3A_753] : memref<917504x128xf32, #tpu.memory_space<hbm>> -> memref<50x64xf32, #tpu.memory_space<hbm>>
    %dma_wait3A_755 = arith.constant 0 : i32
    %dma_wait3A_756 = tpu.memref_slice %arg4[%mul3A_746, %dma_wait3A_755] : memref<917504x128xf32, #tpu.memory_space<hbm>> -> memref<50x64xf32, #tpu.memory_space<hbm>>
    %dma_wait3A_757 = arith.constant 0 : i32
    %dma_wait3A_758 = arith.constant 0 : i32
    %dma_wait3A_759 = tpu.memref_slice %arg6[%dma_wait3A_747, %dma_wait3A_748, %dma_wait3A_757, %dma_wait3A_758] : memref<4x4x50x64xf32, #tpu.memory_space<vmem>> -> memref<1x1x50x64xf32, #tpu.memory_space<vmem>>
    %dma_wait3A_760 = tpu.memref_squeeze %dma_wait3A_759 : memref<1x1x50x64xf32, #tpu.memory_space<vmem>> -> memref<50x64xf32, #tpu.memory_space<vmem>>
    tpu.wait_dma2 semaphore(%arg11 : memref<!tpu.dma_semaphore, #tpu.memory_space<semaphore_mem>>) src(%dma_wait3A_760 : memref<50x64xf32, #tpu.memory_space<vmem>>) dst(%dma_wait3A_756 : memref<50x64xf32, #tpu.memory_space<hbm>>)
    %add3A_761 = arith.constant 496 : i32
    %add3A_762 = arith.addi %mul3A_2, %add3A_761 : i32
    %add3A_763 = arith.constant 1 : i32
    %add3A_764 = arith.addi %add3A_762, %add3A_763 : i32
    %mul3A_765 = arith.constant 56 : i32
    %mul3A_766 = arith.muli %add3A_764, %mul3A_765 : i32
    %dma_wait3A_767 = arith.constant 0 : i32
    %dma_wait3A_768 = arith.constant 1 : i32
    %dma_wait3A_769 = arith.constant 0 : i32
    %dma_wait3A_770 = arith.constant 0 : i32
    %dma_wait3A_771 = tpu.memref_slice %arg6[%dma_wait3A_767, %dma_wait3A_768, %dma_wait3A_769, %dma_wait3A_770] : memref<4x4x50x64xf32, #tpu.memory_space<vmem>> -> memref<1x1x50x64xf32, #tpu.memory_space<vmem>>
    %dma_wait3A_772 = tpu.memref_squeeze %dma_wait3A_771 : memref<1x1x50x64xf32, #tpu.memory_space<vmem>> -> memref<50x64xf32, #tpu.memory_space<vmem>>
    %dma_wait3A_773 = arith.constant 0 : i32
    %dma_wait3A_774 = tpu.memref_slice %arg4[%mul3A_766, %dma_wait3A_773] : memref<917504x128xf32, #tpu.memory_space<hbm>> -> memref<50x64xf32, #tpu.memory_space<hbm>>
    %dma_wait3A_775 = arith.constant 0 : i32
    %dma_wait3A_776 = tpu.memref_slice %arg4[%mul3A_766, %dma_wait3A_775] : memref<917504x128xf32, #tpu.memory_space<hbm>> -> memref<50x64xf32, #tpu.memory_space<hbm>>
    %dma_wait3A_777 = arith.constant 0 : i32
    %dma_wait3A_778 = arith.constant 0 : i32
    %dma_wait3A_779 = tpu.memref_slice %arg6[%dma_wait3A_767, %dma_wait3A_768, %dma_wait3A_777, %dma_wait3A_778] : memref<4x4x50x64xf32, #tpu.memory_space<vmem>> -> memref<1x1x50x64xf32, #tpu.memory_space<vmem>>
    %dma_wait3A_780 = tpu.memref_squeeze %dma_wait3A_779 : memref<1x1x50x64xf32, #tpu.memory_space<vmem>> -> memref<50x64xf32, #tpu.memory_space<vmem>>
    tpu.wait_dma2 semaphore(%arg11 : memref<!tpu.dma_semaphore, #tpu.memory_space<semaphore_mem>>) src(%dma_wait3A_780 : memref<50x64xf32, #tpu.memory_space<vmem>>) dst(%dma_wait3A_776 : memref<50x64xf32, #tpu.memory_space<hbm>>)
    %add3A_781 = arith.constant 496 : i32
    %add3A_782 = arith.addi %mul3A_2, %add3A_781 : i32
    %add3A_783 = arith.constant 2 : i32
    %add3A_784 = arith.addi %add3A_782, %add3A_783 : i32
    %mul3A_785 = arith.constant 56 : i32
    %mul3A_786 = arith.muli %add3A_784, %mul3A_785 : i32
    %dma_wait3A_787 = arith.constant 0 : i32
    %dma_wait3A_788 = arith.constant 2 : i32
    %dma_wait3A_789 = arith.constant 0 : i32
    %dma_wait3A_790 = arith.constant 0 : i32
    %dma_wait3A_791 = tpu.memref_slice %arg6[%dma_wait3A_787, %dma_wait3A_788, %dma_wait3A_789, %dma_wait3A_790] : memref<4x4x50x64xf32, #tpu.memory_space<vmem>> -> memref<1x1x50x64xf32, #tpu.memory_space<vmem>>
    %dma_wait3A_792 = tpu.memref_squeeze %dma_wait3A_791 : memref<1x1x50x64xf32, #tpu.memory_space<vmem>> -> memref<50x64xf32, #tpu.memory_space<vmem>>
    %dma_wait3A_793 = arith.constant 0 : i32
    %dma_wait3A_794 = tpu.memref_slice %arg4[%mul3A_786, %dma_wait3A_793] : memref<917504x128xf32, #tpu.memory_space<hbm>> -> memref<50x64xf32, #tpu.memory_space<hbm>>
    %dma_wait3A_795 = arith.constant 0 : i32
    %dma_wait3A_796 = tpu.memref_slice %arg4[%mul3A_786, %dma_wait3A_795] : memref<917504x128xf32, #tpu.memory_space<hbm>> -> memref<50x64xf32, #tpu.memory_space<hbm>>
    %dma_wait3A_797 = arith.constant 0 : i32
    %dma_wait3A_798 = arith.constant 0 : i32
    %dma_wait3A_799 = tpu.memref_slice %arg6[%dma_wait3A_787, %dma_wait3A_788, %dma_wait3A_797, %dma_wait3A_798] : memref<4x4x50x64xf32, #tpu.memory_space<vmem>> -> memref<1x1x50x64xf32, #tpu.memory_space<vmem>>
    %dma_wait3A_800 = tpu.memref_squeeze %dma_wait3A_799 : memref<1x1x50x64xf32, #tpu.memory_space<vmem>> -> memref<50x64xf32, #tpu.memory_space<vmem>>
    tpu.wait_dma2 semaphore(%arg11 : memref<!tpu.dma_semaphore, #tpu.memory_space<semaphore_mem>>) src(%dma_wait3A_800 : memref<50x64xf32, #tpu.memory_space<vmem>>) dst(%dma_wait3A_796 : memref<50x64xf32, #tpu.memory_space<hbm>>)
    %add3A_801 = arith.constant 496 : i32
    %add3A_802 = arith.addi %mul3A_2, %add3A_801 : i32
    %add3A_803 = arith.constant 3 : i32
    %add3A_804 = arith.addi %add3A_802, %add3A_803 : i32
    %mul3A_805 = arith.constant 56 : i32
    %mul3A_806 = arith.muli %add3A_804, %mul3A_805 : i32
    %dma_wait3A_807 = arith.constant 0 : i32
    %dma_wait3A_808 = arith.constant 3 : i32
    %dma_wait3A_809 = arith.constant 0 : i32
    %dma_wait3A_810 = arith.constant 0 : i32
    %dma_wait3A_811 = tpu.memref_slice %arg6[%dma_wait3A_807, %dma_wait3A_808, %dma_wait3A_809, %dma_wait3A_810] : memref<4x4x50x64xf32, #tpu.memory_space<vmem>> -> memref<1x1x50x64xf32, #tpu.memory_space<vmem>>
    %dma_wait3A_812 = tpu.memref_squeeze %dma_wait3A_811 : memref<1x1x50x64xf32, #tpu.memory_space<vmem>> -> memref<50x64xf32, #tpu.memory_space<vmem>>
    %dma_wait3A_813 = arith.constant 0 : i32
    %dma_wait3A_814 = tpu.memref_slice %arg4[%mul3A_806, %dma_wait3A_813] : memref<917504x128xf32, #tpu.memory_space<hbm>> -> memref<50x64xf32, #tpu.memory_space<hbm>>
    %dma_wait3A_815 = arith.constant 0 : i32
    %dma_wait3A_816 = tpu.memref_slice %arg4[%mul3A_806, %dma_wait3A_815] : memref<917504x128xf32, #tpu.memory_space<hbm>> -> memref<50x64xf32, #tpu.memory_space<hbm>>
    %dma_wait3A_817 = arith.constant 0 : i32
    %dma_wait3A_818 = arith.constant 0 : i32
    %dma_wait3A_819 = tpu.memref_slice %arg6[%dma_wait3A_807, %dma_wait3A_808, %dma_wait3A_817, %dma_wait3A_818] : memref<4x4x50x64xf32, #tpu.memory_space<vmem>> -> memref<1x1x50x64xf32, #tpu.memory_space<vmem>>
    %dma_wait3A_820 = tpu.memref_squeeze %dma_wait3A_819 : memref<1x1x50x64xf32, #tpu.memory_space<vmem>> -> memref<50x64xf32, #tpu.memory_space<vmem>>
    tpu.wait_dma2 semaphore(%arg11 : memref<!tpu.dma_semaphore, #tpu.memory_space<semaphore_mem>>) src(%dma_wait3A_820 : memref<50x64xf32, #tpu.memory_space<vmem>>) dst(%dma_wait3A_816 : memref<50x64xf32, #tpu.memory_space<hbm>>)
    %add3A_821 = arith.constant 500 : i32
    %add3A_822 = arith.addi %mul3A_2, %add3A_821 : i32
    %add3A_823 = arith.constant 0 : i32
    %add3A_824 = arith.addi %add3A_822, %add3A_823 : i32
    %mul3A_825 = arith.constant 56 : i32
    %mul3A_826 = arith.muli %add3A_824, %mul3A_825 : i32
    %dma_wait3A_827 = arith.constant 1 : i32
    %dma_wait3A_828 = arith.constant 0 : i32
    %dma_wait3A_829 = arith.constant 0 : i32
    %dma_wait3A_830 = arith.constant 0 : i32
    %dma_wait3A_831 = tpu.memref_slice %arg6[%dma_wait3A_827, %dma_wait3A_828, %dma_wait3A_829, %dma_wait3A_830] : memref<4x4x50x64xf32, #tpu.memory_space<vmem>> -> memref<1x1x50x64xf32, #tpu.memory_space<vmem>>
    %dma_wait3A_832 = tpu.memref_squeeze %dma_wait3A_831 : memref<1x1x50x64xf32, #tpu.memory_space<vmem>> -> memref<50x64xf32, #tpu.memory_space<vmem>>
    %dma_wait3A_833 = arith.constant 0 : i32
    %dma_wait3A_834 = tpu.memref_slice %arg4[%mul3A_826, %dma_wait3A_833] : memref<917504x128xf32, #tpu.memory_space<hbm>> -> memref<50x64xf32, #tpu.memory_space<hbm>>
    %dma_wait3A_835 = arith.constant 0 : i32
    %dma_wait3A_836 = tpu.memref_slice %arg4[%mul3A_826, %dma_wait3A_835] : memref<917504x128xf32, #tpu.memory_space<hbm>> -> memref<50x64xf32, #tpu.memory_space<hbm>>
    %dma_wait3A_837 = arith.constant 0 : i32
    %dma_wait3A_838 = arith.constant 0 : i32
    %dma_wait3A_839 = tpu.memref_slice %arg6[%dma_wait3A_827, %dma_wait3A_828, %dma_wait3A_837, %dma_wait3A_838] : memref<4x4x50x64xf32, #tpu.memory_space<vmem>> -> memref<1x1x50x64xf32, #tpu.memory_space<vmem>>
    %dma_wait3A_840 = tpu.memref_squeeze %dma_wait3A_839 : memref<1x1x50x64xf32, #tpu.memory_space<vmem>> -> memref<50x64xf32, #tpu.memory_space<vmem>>
    tpu.wait_dma2 semaphore(%arg12 : memref<!tpu.dma_semaphore, #tpu.memory_space<semaphore_mem>>) src(%dma_wait3A_840 : memref<50x64xf32, #tpu.memory_space<vmem>>) dst(%dma_wait3A_836 : memref<50x64xf32, #tpu.memory_space<hbm>>)
    %add3A_841 = arith.constant 500 : i32
    %add3A_842 = arith.addi %mul3A_2, %add3A_841 : i32
    %add3A_843 = arith.constant 1 : i32
    %add3A_844 = arith.addi %add3A_842, %add3A_843 : i32
    %mul3A_845 = arith.constant 56 : i32
    %mul3A_846 = arith.muli %add3A_844, %mul3A_845 : i32
    %dma_wait3A_847 = arith.constant 1 : i32
    %dma_wait3A_848 = arith.constant 1 : i32
    %dma_wait3A_849 = arith.constant 0 : i32
    %dma_wait3A_850 = arith.constant 0 : i32
    %dma_wait3A_851 = tpu.memref_slice %arg6[%dma_wait3A_847, %dma_wait3A_848, %dma_wait3A_849, %dma_wait3A_850] : memref<4x4x50x64xf32, #tpu.memory_space<vmem>> -> memref<1x1x50x64xf32, #tpu.memory_space<vmem>>
    %dma_wait3A_852 = tpu.memref_squeeze %dma_wait3A_851 : memref<1x1x50x64xf32, #tpu.memory_space<vmem>> -> memref<50x64xf32, #tpu.memory_space<vmem>>
    %dma_wait3A_853 = arith.constant 0 : i32
    %dma_wait3A_854 = tpu.memref_slice %arg4[%mul3A_846, %dma_wait3A_853] : memref<917504x128xf32, #tpu.memory_space<hbm>> -> memref<50x64xf32, #tpu.memory_space<hbm>>
    %dma_wait3A_855 = arith.constant 0 : i32
    %dma_wait3A_856 = tpu.memref_slice %arg4[%mul3A_846, %dma_wait3A_855] : memref<917504x128xf32, #tpu.memory_space<hbm>> -> memref<50x64xf32, #tpu.memory_space<hbm>>
    %dma_wait3A_857 = arith.constant 0 : i32
    %dma_wait3A_858 = arith.constant 0 : i32
    %dma_wait3A_859 = tpu.memref_slice %arg6[%dma_wait3A_847, %dma_wait3A_848, %dma_wait3A_857, %dma_wait3A_858] : memref<4x4x50x64xf32, #tpu.memory_space<vmem>> -> memref<1x1x50x64xf32, #tpu.memory_space<vmem>>
    %dma_wait3A_860 = tpu.memref_squeeze %dma_wait3A_859 : memref<1x1x50x64xf32, #tpu.memory_space<vmem>> -> memref<50x64xf32, #tpu.memory_space<vmem>>
    tpu.wait_dma2 semaphore(%arg12 : memref<!tpu.dma_semaphore, #tpu.memory_space<semaphore_mem>>) src(%dma_wait3A_860 : memref<50x64xf32, #tpu.memory_space<vmem>>) dst(%dma_wait3A_856 : memref<50x64xf32, #tpu.memory_space<hbm>>)
    %add3A_861 = arith.constant 500 : i32
    %add3A_862 = arith.addi %mul3A_2, %add3A_861 : i32
    %add3A_863 = arith.constant 2 : i32
    %add3A_864 = arith.addi %add3A_862, %add3A_863 : i32
    %mul3A_865 = arith.constant 56 : i32
    %mul3A_866 = arith.muli %add3A_864, %mul3A_865 : i32
    %dma_wait3A_867 = arith.constant 1 : i32
    %dma_wait3A_868 = arith.constant 2 : i32
    %dma_wait3A_869 = arith.constant 0 : i32
    %dma_wait3A_870 = arith.constant 0 : i32
    %dma_wait3A_871 = tpu.memref_slice %arg6[%dma_wait3A_867, %dma_wait3A_868, %dma_wait3A_869, %dma_wait3A_870] : memref<4x4x50x64xf32, #tpu.memory_space<vmem>> -> memref<1x1x50x64xf32, #tpu.memory_space<vmem>>
    %dma_wait3A_872 = tpu.memref_squeeze %dma_wait3A_871 : memref<1x1x50x64xf32, #tpu.memory_space<vmem>> -> memref<50x64xf32, #tpu.memory_space<vmem>>
    %dma_wait3A_873 = arith.constant 0 : i32
    %dma_wait3A_874 = tpu.memref_slice %arg4[%mul3A_866, %dma_wait3A_873] : memref<917504x128xf32, #tpu.memory_space<hbm>> -> memref<50x64xf32, #tpu.memory_space<hbm>>
    %dma_wait3A_875 = arith.constant 0 : i32
    %dma_wait3A_876 = tpu.memref_slice %arg4[%mul3A_866, %dma_wait3A_875] : memref<917504x128xf32, #tpu.memory_space<hbm>> -> memref<50x64xf32, #tpu.memory_space<hbm>>
    %dma_wait3A_877 = arith.constant 0 : i32
    %dma_wait3A_878 = arith.constant 0 : i32
    %dma_wait3A_879 = tpu.memref_slice %arg6[%dma_wait3A_867, %dma_wait3A_868, %dma_wait3A_877, %dma_wait3A_878] : memref<4x4x50x64xf32, #tpu.memory_space<vmem>> -> memref<1x1x50x64xf32, #tpu.memory_space<vmem>>
    %dma_wait3A_880 = tpu.memref_squeeze %dma_wait3A_879 : memref<1x1x50x64xf32, #tpu.memory_space<vmem>> -> memref<50x64xf32, #tpu.memory_space<vmem>>
    tpu.wait_dma2 semaphore(%arg12 : memref<!tpu.dma_semaphore, #tpu.memory_space<semaphore_mem>>) src(%dma_wait3A_880 : memref<50x64xf32, #tpu.memory_space<vmem>>) dst(%dma_wait3A_876 : memref<50x64xf32, #tpu.memory_space<hbm>>)
    %add3A_881 = arith.constant 500 : i32
    %add3A_882 = arith.addi %mul3A_2, %add3A_881 : i32
    %add3A_883 = arith.constant 3 : i32
    %add3A_884 = arith.addi %add3A_882, %add3A_883 : i32
    %mul3A_885 = arith.constant 56 : i32
    %mul3A_886 = arith.muli %add3A_884, %mul3A_885 : i32
    %dma_wait3A_887 = arith.constant 1 : i32
    %dma_wait3A_888 = arith.constant 3 : i32
    %dma_wait3A_889 = arith.constant 0 : i32
    %dma_wait3A_890 = arith.constant 0 : i32
    %dma_wait3A_891 = tpu.memref_slice %arg6[%dma_wait3A_887, %dma_wait3A_888, %dma_wait3A_889, %dma_wait3A_890] : memref<4x4x50x64xf32, #tpu.memory_space<vmem>> -> memref<1x1x50x64xf32, #tpu.memory_space<vmem>>
    %dma_wait3A_892 = tpu.memref_squeeze %dma_wait3A_891 : memref<1x1x50x64xf32, #tpu.memory_space<vmem>> -> memref<50x64xf32, #tpu.memory_space<vmem>>
    %dma_wait3A_893 = arith.constant 0 : i32
    %dma_wait3A_894 = tpu.memref_slice %arg4[%mul3A_886, %dma_wait3A_893] : memref<917504x128xf32, #tpu.memory_space<hbm>> -> memref<50x64xf32, #tpu.memory_space<hbm>>
    %dma_wait3A_895 = arith.constant 0 : i32
    %dma_wait3A_896 = tpu.memref_slice %arg4[%mul3A_886, %dma_wait3A_895] : memref<917504x128xf32, #tpu.memory_space<hbm>> -> memref<50x64xf32, #tpu.memory_space<hbm>>
    %dma_wait3A_897 = arith.constant 0 : i32
    %dma_wait3A_898 = arith.constant 0 : i32
    %dma_wait3A_899 = tpu.memref_slice %arg6[%dma_wait3A_887, %dma_wait3A_888, %dma_wait3A_897, %dma_wait3A_898] : memref<4x4x50x64xf32, #tpu.memory_space<vmem>> -> memref<1x1x50x64xf32, #tpu.memory_space<vmem>>
    %dma_wait3A_900 = tpu.memref_squeeze %dma_wait3A_899 : memref<1x1x50x64xf32, #tpu.memory_space<vmem>> -> memref<50x64xf32, #tpu.memory_space<vmem>>
    tpu.wait_dma2 semaphore(%arg12 : memref<!tpu.dma_semaphore, #tpu.memory_space<semaphore_mem>>) src(%dma_wait3A_900 : memref<50x64xf32, #tpu.memory_space<vmem>>) dst(%dma_wait3A_896 : memref<50x64xf32, #tpu.memory_space<hbm>>)
    %add3A_901 = arith.constant 504 : i32
    %add3A_902 = arith.addi %mul3A_2, %add3A_901 : i32
    %add3A_903 = arith.constant 0 : i32
    %add3A_904 = arith.addi %add3A_902, %add3A_903 : i32
    %mul3A_905 = arith.constant 56 : i32
    %mul3A_906 = arith.muli %add3A_904, %mul3A_905 : i32
    %dma_wait3A_907 = arith.constant 2 : i32
    %dma_wait3A_908 = arith.constant 0 : i32
    %dma_wait3A_909 = arith.constant 0 : i32
    %dma_wait3A_910 = arith.constant 0 : i32
    %dma_wait3A_911 = tpu.memref_slice %arg6[%dma_wait3A_907, %dma_wait3A_908, %dma_wait3A_909, %dma_wait3A_910] : memref<4x4x50x64xf32, #tpu.memory_space<vmem>> -> memref<1x1x50x64xf32, #tpu.memory_space<vmem>>
    %dma_wait3A_912 = tpu.memref_squeeze %dma_wait3A_911 : memref<1x1x50x64xf32, #tpu.memory_space<vmem>> -> memref<50x64xf32, #tpu.memory_space<vmem>>
    %dma_wait3A_913 = arith.constant 0 : i32
    %dma_wait3A_914 = tpu.memref_slice %arg4[%mul3A_906, %dma_wait3A_913] : memref<917504x128xf32, #tpu.memory_space<hbm>> -> memref<50x64xf32, #tpu.memory_space<hbm>>
    %dma_wait3A_915 = arith.constant 0 : i32
    %dma_wait3A_916 = tpu.memref_slice %arg4[%mul3A_906, %dma_wait3A_915] : memref<917504x128xf32, #tpu.memory_space<hbm>> -> memref<50x64xf32, #tpu.memory_space<hbm>>
    %dma_wait3A_917 = arith.constant 0 : i32
    %dma_wait3A_918 = arith.constant 0 : i32
    %dma_wait3A_919 = tpu.memref_slice %arg6[%dma_wait3A_907, %dma_wait3A_908, %dma_wait3A_917, %dma_wait3A_918] : memref<4x4x50x64xf32, #tpu.memory_space<vmem>> -> memref<1x1x50x64xf32, #tpu.memory_space<vmem>>
    %dma_wait3A_920 = tpu.memref_squeeze %dma_wait3A_919 : memref<1x1x50x64xf32, #tpu.memory_space<vmem>> -> memref<50x64xf32, #tpu.memory_space<vmem>>
    tpu.wait_dma2 semaphore(%arg13 : memref<!tpu.dma_semaphore, #tpu.memory_space<semaphore_mem>>) src(%dma_wait3A_920 : memref<50x64xf32, #tpu.memory_space<vmem>>) dst(%dma_wait3A_916 : memref<50x64xf32, #tpu.memory_space<hbm>>)
    %add3A_921 = arith.constant 504 : i32
    %add3A_922 = arith.addi %mul3A_2, %add3A_921 : i32
    %add3A_923 = arith.constant 1 : i32
    %add3A_924 = arith.addi %add3A_922, %add3A_923 : i32
    %mul3A_925 = arith.constant 56 : i32
    %mul3A_926 = arith.muli %add3A_924, %mul3A_925 : i32
    %dma_wait3A_927 = arith.constant 2 : i32
    %dma_wait3A_928 = arith.constant 1 : i32
    %dma_wait3A_929 = arith.constant 0 : i32
    %dma_wait3A_930 = arith.constant 0 : i32
    %dma_wait3A_931 = tpu.memref_slice %arg6[%dma_wait3A_927, %dma_wait3A_928, %dma_wait3A_929, %dma_wait3A_930] : memref<4x4x50x64xf32, #tpu.memory_space<vmem>> -> memref<1x1x50x64xf32, #tpu.memory_space<vmem>>
    %dma_wait3A_932 = tpu.memref_squeeze %dma_wait3A_931 : memref<1x1x50x64xf32, #tpu.memory_space<vmem>> -> memref<50x64xf32, #tpu.memory_space<vmem>>
    %dma_wait3A_933 = arith.constant 0 : i32
    %dma_wait3A_934 = tpu.memref_slice %arg4[%mul3A_926, %dma_wait3A_933] : memref<917504x128xf32, #tpu.memory_space<hbm>> -> memref<50x64xf32, #tpu.memory_space<hbm>>
    %dma_wait3A_935 = arith.constant 0 : i32
    %dma_wait3A_936 = tpu.memref_slice %arg4[%mul3A_926, %dma_wait3A_935] : memref<917504x128xf32, #tpu.memory_space<hbm>> -> memref<50x64xf32, #tpu.memory_space<hbm>>
    %dma_wait3A_937 = arith.constant 0 : i32
    %dma_wait3A_938 = arith.constant 0 : i32
    %dma_wait3A_939 = tpu.memref_slice %arg6[%dma_wait3A_927, %dma_wait3A_928, %dma_wait3A_937, %dma_wait3A_938] : memref<4x4x50x64xf32, #tpu.memory_space<vmem>> -> memref<1x1x50x64xf32, #tpu.memory_space<vmem>>
    %dma_wait3A_940 = tpu.memref_squeeze %dma_wait3A_939 : memref<1x1x50x64xf32, #tpu.memory_space<vmem>> -> memref<50x64xf32, #tpu.memory_space<vmem>>
    tpu.wait_dma2 semaphore(%arg13 : memref<!tpu.dma_semaphore, #tpu.memory_space<semaphore_mem>>) src(%dma_wait3A_940 : memref<50x64xf32, #tpu.memory_space<vmem>>) dst(%dma_wait3A_936 : memref<50x64xf32, #tpu.memory_space<hbm>>)
    %add3A_941 = arith.constant 504 : i32
    %add3A_942 = arith.addi %mul3A_2, %add3A_941 : i32
    %add3A_943 = arith.constant 2 : i32
    %add3A_944 = arith.addi %add3A_942, %add3A_943 : i32
    %mul3A_945 = arith.constant 56 : i32
    %mul3A_946 = arith.muli %add3A_944, %mul3A_945 : i32
    %dma_wait3A_947 = arith.constant 2 : i32
    %dma_wait3A_948 = arith.constant 2 : i32
    %dma_wait3A_949 = arith.constant 0 : i32
    %dma_wait3A_950 = arith.constant 0 : i32
    %dma_wait3A_951 = tpu.memref_slice %arg6[%dma_wait3A_947, %dma_wait3A_948, %dma_wait3A_949, %dma_wait3A_950] : memref<4x4x50x64xf32, #tpu.memory_space<vmem>> -> memref<1x1x50x64xf32, #tpu.memory_space<vmem>>
    %dma_wait3A_952 = tpu.memref_squeeze %dma_wait3A_951 : memref<1x1x50x64xf32, #tpu.memory_space<vmem>> -> memref<50x64xf32, #tpu.memory_space<vmem>>
    %dma_wait3A_953 = arith.constant 0 : i32
    %dma_wait3A_954 = tpu.memref_slice %arg4[%mul3A_946, %dma_wait3A_953] : memref<917504x128xf32, #tpu.memory_space<hbm>> -> memref<50x64xf32, #tpu.memory_space<hbm>>
    %dma_wait3A_955 = arith.constant 0 : i32
    %dma_wait3A_956 = tpu.memref_slice %arg4[%mul3A_946, %dma_wait3A_955] : memref<917504x128xf32, #tpu.memory_space<hbm>> -> memref<50x64xf32, #tpu.memory_space<hbm>>
    %dma_wait3A_957 = arith.constant 0 : i32
    %dma_wait3A_958 = arith.constant 0 : i32
    %dma_wait3A_959 = tpu.memref_slice %arg6[%dma_wait3A_947, %dma_wait3A_948, %dma_wait3A_957, %dma_wait3A_958] : memref<4x4x50x64xf32, #tpu.memory_space<vmem>> -> memref<1x1x50x64xf32, #tpu.memory_space<vmem>>
    %dma_wait3A_960 = tpu.memref_squeeze %dma_wait3A_959 : memref<1x1x50x64xf32, #tpu.memory_space<vmem>> -> memref<50x64xf32, #tpu.memory_space<vmem>>
    tpu.wait_dma2 semaphore(%arg13 : memref<!tpu.dma_semaphore, #tpu.memory_space<semaphore_mem>>) src(%dma_wait3A_960 : memref<50x64xf32, #tpu.memory_space<vmem>>) dst(%dma_wait3A_956 : memref<50x64xf32, #tpu.memory_space<hbm>>)
    %add3A_961 = arith.constant 504 : i32
    %add3A_962 = arith.addi %mul3A_2, %add3A_961 : i32
    %add3A_963 = arith.constant 3 : i32
    %add3A_964 = arith.addi %add3A_962, %add3A_963 : i32
    %mul3A_965 = arith.constant 56 : i32
    %mul3A_966 = arith.muli %add3A_964, %mul3A_965 : i32
    %dma_wait3A_967 = arith.constant 2 : i32
    %dma_wait3A_968 = arith.constant 3 : i32
    %dma_wait3A_969 = arith.constant 0 : i32
    %dma_wait3A_970 = arith.constant 0 : i32
    %dma_wait3A_971 = tpu.memref_slice %arg6[%dma_wait3A_967, %dma_wait3A_968, %dma_wait3A_969, %dma_wait3A_970] : memref<4x4x50x64xf32, #tpu.memory_space<vmem>> -> memref<1x1x50x64xf32, #tpu.memory_space<vmem>>
    %dma_wait3A_972 = tpu.memref_squeeze %dma_wait3A_971 : memref<1x1x50x64xf32, #tpu.memory_space<vmem>> -> memref<50x64xf32, #tpu.memory_space<vmem>>
    %dma_wait3A_973 = arith.constant 0 : i32
    %dma_wait3A_974 = tpu.memref_slice %arg4[%mul3A_966, %dma_wait3A_973] : memref<917504x128xf32, #tpu.memory_space<hbm>> -> memref<50x64xf32, #tpu.memory_space<hbm>>
    %dma_wait3A_975 = arith.constant 0 : i32
    %dma_wait3A_976 = tpu.memref_slice %arg4[%mul3A_966, %dma_wait3A_975] : memref<917504x128xf32, #tpu.memory_space<hbm>> -> memref<50x64xf32, #tpu.memory_space<hbm>>
    %dma_wait3A_977 = arith.constant 0 : i32
    %dma_wait3A_978 = arith.constant 0 : i32
    %dma_wait3A_979 = tpu.memref_slice %arg6[%dma_wait3A_967, %dma_wait3A_968, %dma_wait3A_977, %dma_wait3A_978] : memref<4x4x50x64xf32, #tpu.memory_space<vmem>> -> memref<1x1x50x64xf32, #tpu.memory_space<vmem>>
    %dma_wait3A_980 = tpu.memref_squeeze %dma_wait3A_979 : memref<1x1x50x64xf32, #tpu.memory_space<vmem>> -> memref<50x64xf32, #tpu.memory_space<vmem>>
    tpu.wait_dma2 semaphore(%arg13 : memref<!tpu.dma_semaphore, #tpu.memory_space<semaphore_mem>>) src(%dma_wait3A_980 : memref<50x64xf32, #tpu.memory_space<vmem>>) dst(%dma_wait3A_976 : memref<50x64xf32, #tpu.memory_space<hbm>>)
    %add3A_981 = arith.constant 508 : i32
    %add3A_982 = arith.addi %mul3A_2, %add3A_981 : i32
    %add3A_983 = arith.constant 0 : i32
    %add3A_984 = arith.addi %add3A_982, %add3A_983 : i32
    %mul3A_985 = arith.constant 56 : i32
    %mul3A_986 = arith.muli %add3A_984, %mul3A_985 : i32
    %dma_wait3A_987 = arith.constant 3 : i32
    %dma_wait3A_988 = arith.constant 0 : i32
    %dma_wait3A_989 = arith.constant 0 : i32
    %dma_wait3A_990 = arith.constant 0 : i32
    %dma_wait3A_991 = tpu.memref_slice %arg6[%dma_wait3A_987, %dma_wait3A_988, %dma_wait3A_989, %dma_wait3A_990] : memref<4x4x50x64xf32, #tpu.memory_space<vmem>> -> memref<1x1x50x64xf32, #tpu.memory_space<vmem>>
    %dma_wait3A_992 = tpu.memref_squeeze %dma_wait3A_991 : memref<1x1x50x64xf32, #tpu.memory_space<vmem>> -> memref<50x64xf32, #tpu.memory_space<vmem>>
    %dma_wait3A_993 = arith.constant 0 : i32
    %dma_wait3A_994 = tpu.memref_slice %arg4[%mul3A_986, %dma_wait3A_993] : memref<917504x128xf32, #tpu.memory_space<hbm>> -> memref<50x64xf32, #tpu.memory_space<hbm>>
    %dma_wait3A_995 = arith.constant 0 : i32
    %dma_wait3A_996 = tpu.memref_slice %arg4[%mul3A_986, %dma_wait3A_995] : memref<917504x128xf32, #tpu.memory_space<hbm>> -> memref<50x64xf32, #tpu.memory_space<hbm>>
    %dma_wait3A_997 = arith.constant 0 : i32
    %dma_wait3A_998 = arith.constant 0 : i32
    %dma_wait3A_999 = tpu.memref_slice %arg6[%dma_wait3A_987, %dma_wait3A_988, %dma_wait3A_997, %dma_wait3A_998] : memref<4x4x50x64xf32, #tpu.memory_space<vmem>> -> memref<1x1x50x64xf32, #tpu.memory_space<vmem>>
    %dma_wait3A_1000 = tpu.memref_squeeze %dma_wait3A_999 : memref<1x1x50x64xf32, #tpu.memory_space<vmem>> -> memref<50x64xf32, #tpu.memory_space<vmem>>
    tpu.wait_dma2 semaphore(%arg14 : memref<!tpu.dma_semaphore, #tpu.memory_space<semaphore_mem>>) src(%dma_wait3A_1000 : memref<50x64xf32, #tpu.memory_space<vmem>>) dst(%dma_wait3A_996 : memref<50x64xf32, #tpu.memory_space<hbm>>)
    %add3A_1001 = arith.constant 508 : i32
    %add3A_1002 = arith.addi %mul3A_2, %add3A_1001 : i32
    %add3A_1003 = arith.constant 1 : i32
    %add3A_1004 = arith.addi %add3A_1002, %add3A_1003 : i32
    %mul3A_1005 = arith.constant 56 : i32
    %mul3A_1006 = arith.muli %add3A_1004, %mul3A_1005 : i32
    %dma_wait3A_1007 = arith.constant 3 : i32
    %dma_wait3A_1008 = arith.constant 1 : i32
    %dma_wait3A_1009 = arith.constant 0 : i32
    %dma_wait3A_1010 = arith.constant 0 : i32
    %dma_wait3A_1011 = tpu.memref_slice %arg6[%dma_wait3A_1007, %dma_wait3A_1008, %dma_wait3A_1009, %dma_wait3A_1010] : memref<4x4x50x64xf32, #tpu.memory_space<vmem>> -> memref<1x1x50x64xf32, #tpu.memory_space<vmem>>
    %dma_wait3A_1012 = tpu.memref_squeeze %dma_wait3A_1011 : memref<1x1x50x64xf32, #tpu.memory_space<vmem>> -> memref<50x64xf32, #tpu.memory_space<vmem>>
    %dma_wait3A_1013 = arith.constant 0 : i32
    %dma_wait3A_1014 = tpu.memref_slice %arg4[%mul3A_1006, %dma_wait3A_1013] : memref<917504x128xf32, #tpu.memory_space<hbm>> -> memref<50x64xf32, #tpu.memory_space<hbm>>
    %dma_wait3A_1015 = arith.constant 0 : i32
    %dma_wait3A_1016 = tpu.memref_slice %arg4[%mul3A_1006, %dma_wait3A_1015] : memref<917504x128xf32, #tpu.memory_space<hbm>> -> memref<50x64xf32, #tpu.memory_space<hbm>>
    %dma_wait3A_1017 = arith.constant 0 : i32
    %dma_wait3A_1018 = arith.constant 0 : i32
    %dma_wait3A_1019 = tpu.memref_slice %arg6[%dma_wait3A_1007, %dma_wait3A_1008, %dma_wait3A_1017, %dma_wait3A_1018] : memref<4x4x50x64xf32, #tpu.memory_space<vmem>> -> memref<1x1x50x64xf32, #tpu.memory_space<vmem>>
    %dma_wait3A_1020 = tpu.memref_squeeze %dma_wait3A_1019 : memref<1x1x50x64xf32, #tpu.memory_space<vmem>> -> memref<50x64xf32, #tpu.memory_space<vmem>>
    tpu.wait_dma2 semaphore(%arg14 : memref<!tpu.dma_semaphore, #tpu.memory_space<semaphore_mem>>) src(%dma_wait3A_1020 : memref<50x64xf32, #tpu.memory_space<vmem>>) dst(%dma_wait3A_1016 : memref<50x64xf32, #tpu.memory_space<hbm>>)
    %add3A_1021 = arith.constant 508 : i32
    %add3A_1022 = arith.addi %mul3A_2, %add3A_1021 : i32
    %add3A_1023 = arith.constant 2 : i32
    %add3A_1024 = arith.addi %add3A_1022, %add3A_1023 : i32
    %mul3A_1025 = arith.constant 56 : i32
    %mul3A_1026 = arith.muli %add3A_1024, %mul3A_1025 : i32
    %dma_wait3A_1027 = arith.constant 3 : i32
    %dma_wait3A_1028 = arith.constant 2 : i32
    %dma_wait3A_1029 = arith.constant 0 : i32
    %dma_wait3A_1030 = arith.constant 0 : i32
    %dma_wait3A_1031 = tpu.memref_slice %arg6[%dma_wait3A_1027, %dma_wait3A_1028, %dma_wait3A_1029, %dma_wait3A_1030] : memref<4x4x50x64xf32, #tpu.memory_space<vmem>> -> memref<1x1x50x64xf32, #tpu.memory_space<vmem>>
    %dma_wait3A_1032 = tpu.memref_squeeze %dma_wait3A_1031 : memref<1x1x50x64xf32, #tpu.memory_space<vmem>> -> memref<50x64xf32, #tpu.memory_space<vmem>>
    %dma_wait3A_1033 = arith.constant 0 : i32
    %dma_wait3A_1034 = tpu.memref_slice %arg4[%mul3A_1026, %dma_wait3A_1033] : memref<917504x128xf32, #tpu.memory_space<hbm>> -> memref<50x64xf32, #tpu.memory_space<hbm>>
    %dma_wait3A_1035 = arith.constant 0 : i32
    %dma_wait3A_1036 = tpu.memref_slice %arg4[%mul3A_1026, %dma_wait3A_1035] : memref<917504x128xf32, #tpu.memory_space<hbm>> -> memref<50x64xf32, #tpu.memory_space<hbm>>
    %dma_wait3A_1037 = arith.constant 0 : i32
    %dma_wait3A_1038 = arith.constant 0 : i32
    %dma_wait3A_1039 = tpu.memref_slice %arg6[%dma_wait3A_1027, %dma_wait3A_1028, %dma_wait3A_1037, %dma_wait3A_1038] : memref<4x4x50x64xf32, #tpu.memory_space<vmem>> -> memref<1x1x50x64xf32, #tpu.memory_space<vmem>>
    %dma_wait3A_1040 = tpu.memref_squeeze %dma_wait3A_1039 : memref<1x1x50x64xf32, #tpu.memory_space<vmem>> -> memref<50x64xf32, #tpu.memory_space<vmem>>
    tpu.wait_dma2 semaphore(%arg14 : memref<!tpu.dma_semaphore, #tpu.memory_space<semaphore_mem>>) src(%dma_wait3A_1040 : memref<50x64xf32, #tpu.memory_space<vmem>>) dst(%dma_wait3A_1036 : memref<50x64xf32, #tpu.memory_space<hbm>>)
    %add3A_1041 = arith.constant 508 : i32
    %add3A_1042 = arith.addi %mul3A_2, %add3A_1041 : i32
    %add3A_1043 = arith.constant 3 : i32
    %add3A_1044 = arith.addi %add3A_1042, %add3A_1043 : i32
    %mul3A_1045 = arith.constant 56 : i32
    %mul3A_1046 = arith.muli %add3A_1044, %mul3A_1045 : i32
    %dma_wait3A_1047 = arith.constant 3 : i32
    %dma_wait3A_1048 = arith.constant 3 : i32
    %dma_wait3A_1049 = arith.constant 0 : i32
    %dma_wait3A_1050 = arith.constant 0 : i32
    %dma_wait3A_1051 = tpu.memref_slice %arg6[%dma_wait3A_1047, %dma_wait3A_1048, %dma_wait3A_1049, %dma_wait3A_1050] : memref<4x4x50x64xf32, #tpu.memory_space<vmem>> -> memref<1x1x50x64xf32, #tpu.memory_space<vmem>>
    %dma_wait3A_1052 = tpu.memref_squeeze %dma_wait3A_1051 : memref<1x1x50x64xf32, #tpu.memory_space<vmem>> -> memref<50x64xf32, #tpu.memory_space<vmem>>
    %dma_wait3A_1053 = arith.constant 0 : i32
    %dma_wait3A_1054 = tpu.memref_slice %arg4[%mul3A_1046, %dma_wait3A_1053] : memref<917504x128xf32, #tpu.memory_space<hbm>> -> memref<50x64xf32, #tpu.memory_space<hbm>>
    %dma_wait3A_1055 = arith.constant 0 : i32
    %dma_wait3A_1056 = tpu.memref_slice %arg4[%mul3A_1046, %dma_wait3A_1055] : memref<917504x128xf32, #tpu.memory_space<hbm>> -> memref<50x64xf32, #tpu.memory_space<hbm>>
    %dma_wait3A_1057 = arith.constant 0 : i32
    %dma_wait3A_1058 = arith.constant 0 : i32
    %dma_wait3A_1059 = tpu.memref_slice %arg6[%dma_wait3A_1047, %dma_wait3A_1048, %dma_wait3A_1057, %dma_wait3A_1058] : memref<4x4x50x64xf32, #tpu.memory_space<vmem>> -> memref<1x1x50x64xf32, #tpu.memory_space<vmem>>
    %dma_wait3A_1060 = tpu.memref_squeeze %dma_wait3A_1059 : memref<1x1x50x64xf32, #tpu.memory_space<vmem>> -> memref<50x64xf32, #tpu.memory_space<vmem>>
    tpu.wait_dma2 semaphore(%arg14 : memref<!tpu.dma_semaphore, #tpu.memory_space<semaphore_mem>>) src(%dma_wait3A_1060 : memref<50x64xf32, #tpu.memory_space<vmem>>) dst(%dma_wait3A_1056 : memref<50x64xf32, #tpu.memory_space<hbm>>)
    return
  }
}

</mosaic_0001>

<sc_bundles>
// kernel: kernel.3.cloned.1.call-start
scs
__scs_entry_jumppad:
0x0: {  	(pc) =	sbr.rel $0x88, $3  }
0x1: {  	(tag) =	ssettag $0x0;
	lr =	simm.s32 $0x1  }
0x2: {  	[smem:$0x3F9F] =	sst lr;
	_ =	strace $0xD0000000  }
0x3: {  	_ = 	snop  }
0x4: {  	_ = 	snop  }
0x5: {  	_ = 	snop  }
0x6: {  	_ = 	snop  }
0x7: {  	_ = 	snop  }
__scs_overlays_trampoline_lowered:
0x8: {  	[smem:$0x3FAE] =	sst s0  }
0x9: {  	[smem:$0x3FAF] =	sst s1  }
0xa: {  	[smem:$0x3FB0] =	sst s2  }
0xb: {  	[smem:$0x3FB1] =	sst s3  }
0xc: {  	[smem:$0x3FB2] =	sst s4  }
0xd: {  	[smem:$0x3FB3] =	sst s5  }
0xe: {  	[smem:$0x3FB4] =	sst s6  }
0xf: {  	[smem:$0x3FB5] =	sst s7  }
0x10: {  	[smem:$0x3FB6] =	sst s8  }
0x11: {  	[smem:$0x3FB7] =	sst s9;
	s0 =	simm.s32 @!p0 $0x0  }
0x12: {  	s1 =	sld [smem:$0x3F9D];
	s0 =	simm.s32 @p0 $0x1  }
0x13: {  	[smem:$0x3FB8] =	sst s0;
	s0 =	simm.s32 @!p1 $0x0  }
0x14: {  	s2 =	sld [smem:$0x3F9C];
	s0 =	simm.s32 @p1 $0x1  }
0x15: {  	[smem:$0x3FB9] =	sst s0;
	s0 =	simm.s32 @!p2 $0x0  }
0x16: {  	s3 =	sld [smem:$0x3FDB];
	s0 =	simm.s32 @p2 $0x1  }
0x17: {  	s4 =	simm.s32 $0x1BF5;
	[smem:$0x3FBB] =	sst s0  }
0x18: {  	s0 =	sld [smem:$0x3F9E];
	_ =	swait.ge [sflag:s4], $0x0  }
0x19: {  	s7 =	sld [smem:$0x3F9F]  }
0x1a: {  	s8 =	sadd.s32 $0xFFFFE003, lr  }
0x1b: {  	s9 =	sadd.s32 $0xFFFFFEF7, lr;
	s5 =	simm.s32 $0xFFFFFFFF;
	p2 =	slt.u32 s8, $0xFFFFF086  }
0x1c: {  	p1 =	slt.u32 s9, $0xF7A;
	s5 =	simm.s32 @!p2 $0x0  }
0x1d: {  	s5 =	simm.s32 @p1 $0x1;
	p0 =	seq.s32 s7, s2  }
0x1e: {  	s7 =	smul.u32 @!p0 $0xF7A, s2;
	p2 =	seq.s32 @!p0 s5, $0x0  }
0x1f: {  	s9 =	smul.u32 $0xF7A, s1;
	s8 =	simm.s32 @!p0 $0x1BF5;
	p2 =	por !p2, p0  }
0x20: {  	[sflag:s8] =	ssyncset.s32 @!p0 $0xFFFFF086;
	s6 =	sadd.s32 @!p0 s3, s7;
	s7 =	simm.s32 @!p0 $0x108  }
0x21: {  	s3 =	sadd.s32 s3, s9;
	s6 =	sadd.s32 @!p0 $0x88, s6;
	s7 =	simm.s32 @p2 $0x1082  }
0x22: {  	[simem:s7], [sflag:s8] =	dma.local @!p0 [hbm:s6], $0xF7A  }
0x23: {  	s9 =	sor.u32 $0xD0000000, s2;
	s6 =	simm.s32 $0x108;
	_ =	swait.ge @!p0 [sflag:s8], $0x0  }
0x24: {  	s3 =	sadd.s32 $0x88, s3;
	s6 =	simm.s32 @!p1 $0x1082;
	[sflag:s4] =	ssyncset.s32 $0xFFFFF086  }
0x25: {  	[simem:s6], [sflag:s4] =	dma.local [hbm:s3], $0xF7A  }
0x26: {  	[smem:$0x3F9F] =	sst s1;
	(tag) =	ssettag s2;
	_ =	strace s9  }
0x27: {  	s1 =	sld [smem:$0x3FAF]  }
0x28: {  	s2 =	sld [smem:$0x3FB0]  }
0x29: {  	s4 =	sld [smem:$0x3FB2]  }
0x2a: {  	p0 =	seq.s32 s5, $0x0;
	s5 =	sld [smem:$0x3FB3]  }
0x2b: {  	s6 =	sld [smem:$0x3FB4]  }
0x2c: {  	s7 =	sld [smem:$0x3FB5]  }
0x2d: {  	s3 =	simm.s32 $0x108;
	s8 =	sld [smem:$0x3FB6]  }
0x2e: {  	s3 =	simm.s32 @!p0 $0x1082;
	s9 =	sld [smem:$0x3FB7]  }
0x2f: {  	lr =	sadd.s32 s0, s3;
	s0 =	sld [smem:$0x3FAE]  }
0x30: {  	s3 =	sld [smem:$0x3FB1]  }
0x31: {  	[smem:$0x3FBA] =	sst s10  }
0x32: {  	s10 =	sld [smem:$0x3FB8];
	_ =	sdelay $0x3  }
0x33: {  	p0 =	seq.s32 s10, $0x1;
	s10 =	sld [smem:$0x3FBA];
	_ =	sdelay $0x3  }
0x34: {  	[smem:$0x3FBA] =	sst s10  }
0x35: {  	s10 =	sld [smem:$0x3FB9];
	_ =	sdelay $0x3  }
0x36: {  	p1 =	seq.s32 s10, $0x1;
	s10 =	sld [smem:$0x3FBA];
	_ =	sdelay $0x3  }
0x37: {  	[smem:$0x3FBA] =	sst s10  }
0x38: {  	s10 =	sld [smem:$0x3FBB]  }
0x39: {  	_ = 	snop;
	(pc) =	sbr.ind lr, $3  }
0x3a: {  	_ = 	snop  }
0x3b: {  	_ = 	snop  }
0x3c: {  	p2 =	seq.s32 s10, $0x1;
	s10 =	sld [smem:$0x3FBA]  }
0x3d: {  	_ =	shalt  }
0x3e: {  	_ =	shalt  }
0x3f: {  	_ =	shalt  }
0x40: {  	_ =	shalt  }
0x41: {  	_ =	shalt  }
0x42: {  	_ =	shalt  }
0x43: {  	_ =	shalt  }
0x44: {  	_ =	shalt  }
0x45: {  	_ =	shalt  }
0x46: {  	_ =	shalt  }
0x47: {  	_ =	shalt  }
0x48: {  	_ =	shalt  }
0x49: {  	_ =	shalt  }
0x4a: {  	_ =	shalt  }
0x4b: {  	_ =	shalt  }
0x4c: {  	_ =	shalt  }
0x4d: {  	_ =	shalt  }
0x4e: {  	_ =	shalt  }
0x4f: {  	_ =	shalt  }
0x50: {  	_ =	shalt  }
0x51: {  	_ =	shalt  }
0x52: {  	_ =	shalt  }
0x53: {  	_ =	shalt  }
0x54: {  	_ =	shalt  }
0x55: {  	_ =	shalt  }
0x56: {  	_ =	shalt  }
0x57: {  	_ =	shalt  }
0x58: {  	_ =	shalt  }
0x59: {  	_ =	shalt  }
0x5a: {  	_ =	shalt  }
0x5b: {  	_ =	shalt  }
0x5c: {  	_ =	shalt  }
0x5d: {  	_ =	shalt  }
0x5e: {  	_ =	shalt  }
0x5f: {  	_ =	shalt  }
0x60: {  	_ =	shalt  }
0x61: {  	_ =	shalt  }
0x62: {  	_ =	shalt  }
0x63: {  	_ =	shalt  }
0x64: {  	_ =	shalt  }
0x65: {  	_ =	shalt  }
0x66: {  	_ =	shalt  }
0x67: {  	_ =	shalt  }
0x68: {  	_ =	shalt  }
0x69: {  	_ =	shalt  }
0x6a: {  	_ =	shalt  }
0x6b: {  	_ =	shalt  }
0x6c: {  	_ =	shalt  }
0x6d: {  	_ =	shalt  }
0x6e: {  	_ =	shalt  }
0x6f: {  	_ =	shalt  }
0x70: {  	_ =	shalt  }
0x71: {  	_ =	shalt  }
0x72: {  	_ =	shalt  }
0x73: {  	_ =	shalt  }
0x74: {  	_ =	shalt  }
0x75: {  	_ =	shalt  }
0x76: {  	_ =	shalt  }
0x77: {  	_ =	shalt  }
0x78: {  	_ =	shalt  }
0x79: {  	_ =	shalt  }
0x7a: {  	_ =	shalt  }
0x7b: {  	_ =	shalt  }
0x7c: {  	_ =	shalt  }
0x7d: {  	_ =	shalt  }
0x7e: {  	_ =	shalt  }
0x7f: {  	_ =	shalt  }
0x80: {  	_ =	shalt  }
0x81: {  	_ =	shalt  }
0x82: {  	_ =	shalt  }
0x83: {  	_ =	shalt  }
0x84: {  	_ =	shalt  }
0x85: {  	_ =	shalt  }
0x86: {  	_ =	shalt  }
0x87: {  	_ =	shalt  }
.Lfunc_end0:
.L_simem_size_0:
called_computation.1_lowered:
.L_overlay_start_0:
0x88: {  	s2 =	sld [smem:$0x3FD9]  }
0x89: {  	s3 =	sld [smem:$0x3FFE];
	_ =	sdelay $0x1  }
0x8a: {  	s1 =	srdreg.scid  }
0x8b: {  	s0 =	sand.u32 $0x1, s1  }
0x8c: {  	s16 =	sshll.u32 s0, $0xA;
	s2 =	sadd.s32 s3, s2  }
0x8d: {  	s2 =	sadd.s32 s2, s16  }
0x8e: {  	[smem:$0x3FC6] =	sst s2  }
0x8f: {  	_ = 	snop  }
0x90: {  	(tm) =	ssettm $0x1  }
0x91: {  	s17 =	sld [smem:$0x3FFB];
	_ =	sdelay $0x3  }
0x92: {  	_ =	strace s17  }
0x93: {  	s2 =	sld [smem:$0x3FFC];
	_ =	sdelay $0x3  }
0x94: {  	_ =	strace s2  }
0x95: {  	s2 =	sld [smem:$0x3FFD];
	_ =	sdelay $0x3  }
0x96: {  	_ =	strace s2  }
0x97: {  	_ =	strace $0x8FFFFFFF  }
0x98: {  	s18 =	sld [smem:$0x3FDB];
	_ =	sdelay $0x1  }
0x99: {  	s19 =	simm.s32 $_scs_section_size  }
0x9a: {  	s4 =	simm.s32 $_size__tile_overlayer_lowered;
	s5 =	simm.s32 $_tile_overlayer_lowered  }
0x9b: {  	s22 =	simm.s32 $0x1BFF;
	s21 =	sshll.u32 s5, $0x1;
	s2 =	sadd.s32 s19, s18  }
0x9c: {  	s6 =	simm.s32 $0x0;
	s20 =	sshll.u32 s4, $0x1;
	s4 =	sadd.s32 s21, s2  }
0x9d: {  	[timem:s6], [sflag:s22] =	dma.local [hbm:s4], s20  }
0x9e: {  	_ =	swait.ge [sflag:s22], s20  }
0x9f: {  	s3 =	ssub.s32 $0x0, s20;
	[sflag:s22] =	ssyncset.done $0x0  }
0xa0: {  	[sflag:s22] =	ssyncadd.s32 s3;
	_ =	sdelay $0x1  }
0xa1: {  	s23 =	simm.s32 $0x1B8B  }
0xa2: {  	_ =	swait.ge [sflag:s23], $0x1  }
0xa3: {  	[sflag:s23] =	ssyncset.done $0x0  }
0xa4: {  	s25 =	simm.s32 $0x1B8E;
	s24 =	sld [smem:$0x3FFE];
	[sflag:s23] =	ssyncadd.s32 $0xFFFFFFFF  }
0xa5: {  	s26 =	simm.s32 $execute0_lowered;
	[smem:$0x3FD2] =	sst s25  }
0xa6: {  	s4 =	sshll.u32 s26, $0x1;
	_ =	strace $0x80000046;
	[dreg:$0x1] =	wrdreg $0xFFFFFFFF  }
0xa7: {  	s28 =	simm.s32 $_size_execute0_lowered;
	s2 =	sadd.s32 s2, s4;
	[dreg:$0x0] =	wrdreg $0x0  }
0xa8: {  	s4 =	sshll.u32 s28, $0x1;
	[dreg:$0x2] =	wrdreg s2  }
0xa9: {  	[dreg:$0x3] =	wrdreg s4  }
0xaa: {  	[dreg:$0x4] =	wrdreg $0xC0  }
0xab: {  	_ =	task [dreg:s6], $0x5FFFF  }
0xac: {  	[dreg:$0x1] =	wrdreg $0xFFFFFFFF  }
0xad: {  	[dreg:$0x0] =	wrdreg $0x60  }
0xae: {  	[dreg:$0x2] =	wrdreg s24  }
0xaf: {  	[dreg:$0x3] =	wrdreg $0x9  }
0xb0: {  	_ =	task.clear_ibuf [dreg:s6], $0x4FFFF;
	_ =	strace $0x90000046  }
0xb1: {  	s29 =	simm.s32 $0x9;
	_ =	strace $0x80000048  }
0xb2: {  	_ =	swait.ge [sflag:s29], $0x1  }
0xb3: {  	[sflag:s29] =	ssyncadd.s32 $0xFFFFFFFF  }
0xb4: {  	_ =	strace $0x90000048  }
0xb5: {  	_ =	sfence  }
0xb6: {  	s30 =	sld [smem:$0x0];
	_ =	sdelay $0x2  }
0xb7: {  	s31 =	sshll.u32 s1, $0xD;
	s1 =	sshrl.u32 s1, $0x2  }
0xb8: {  	s3 =	sand.u32 $0x4000, s31;
	s1 =	sadd.s32 s1, s30  }
0xb9: {  	s0 =	sor.u32 s3, s0;
	s1 =	sshll.u32 s1, $0x11  }
0xba: {  	s0 =	sor.u32 s1, s0  }
0xbb: {  	s0 =	sadd.s32 $0x8F2B, s0  }
0xbc: {  	[sflag:s0] =	ssyncadd.remote.s32 $0x1  }
0xbd: {  	_ =	sfence.sel $0xFFFF  }
0xbe: {  	[dreg:$0x0] =	wrdreg $0xFFFFFFFF;
	(pc) =	sbr.abs _section_cstart, $3  }
0xbf: {  	[dreg:$0x1] =	wrdreg $0xFFFFFFFF  }
0xc0: {  	_ =	task.clear_ibuf [dreg:s6], $0x2FFFF;
	_ =	strace $0x9FFFFFFF  }
0xc1: {  	(tm) =	ssettm $0x7FFFFFFF  }
tec
execute0_lowered:
.L_overlay_start_1:
0x0: {  	(tag) =	ssettag $0x1  }
0x1: {  	s7 =	stileid.u32  }
0x2: {  	s0 =	srdreg.scid;
	s22 =	smul.u32 $0x700000, s7  }
0x3: {  	s0 =	sand.u32 $0x1, s0;
	s1 =	sshll.u32 s7, $0xA;
	s7 =	smul.u32 $0xE0000, s7  }
0x4: {  	s2 =	sshll.u32 s0, $0x9;
	s25 =	smul.u32 $0x380000, s0  }
0x5: {  	s5 =	ssub.s32 $0x2, s0;
	s0 =	smul.u32 $0x70000, s0;
	s1 =	sor.u32 s2, s1  }
0x6: {  	s3 =	rddreg [dreg:$0x0];
	s4 =	simm.s32 $0x0;
	s2 =	smul.u32 $0x7, s1  }
0x7: {  	[smem:$0x7FF] =	sst s4;
	s8 =	sadd.s32 $0xDFE00, s3;
	s1 =	smul.u32 $0x1C00, s1  }
0x8: {  	_ =	strace $0x80000047;
	[dreg:$0xc] =	wrdreg s8  }
0x9: {  	s0 =	sadd.s32 s0, s7;
	s2 =	sadd.s32 s2, s3;
	s1 =	sshrl.u32 s1, $0x3  }
0xa: {  	[dreg:$0x5] =	wrdreg s0;
	s1 =	sadd.s32 s8, s1;
	s2 =	sadd.s32 $0x800, s2  }
0xb: {  	[dreg:$0xd] =	wrdreg s2;
	s21 =	sadd.s32 $0x6C800, s1  }
0xc: {  	s23 =	sadd.s32 $0x6CB80, s1;
	[dreg:$0xe] =	wrdreg s21  }
0xd: {  	s24 =	sadd.s32 $0x6CF00, s1;
	[dreg:$0xf] =	wrdreg s23  }
0xe: {  	s26 =	sadd.s32 $0x6D280, s1;
	[dreg:$0x10] =	wrdreg s24  }
0xf: {  	s28 =	sadd.s32 $0x6D600, s1;
	[dreg:$0x11] =	wrdreg s26  }
0x10: {  	s29 =	sadd.s32 $0x6D980, s1;
	[dreg:$0x12] =	wrdreg s28  }
0x11: {  	s4 =	sadd.s32 $0x1C800, s3;
	s30 =	sadd.s32 $0x6DD00, s1;
	[dreg:$0x13] =	wrdreg s29  }
0x12: {  	s6 =	sshrl.u32 s5, $0x1;
	s31 =	sadd.s32 $0x6E080, s1;
	[dreg:$0x14] =	wrdreg s30  }
0x13: {  	s3 =	ssub.s32 s5, s6;
	s6 =	sadd.s32 $0x6E400, s1;
	[dreg:$0x15] =	wrdreg s31  }
0x14: {  	s8 =	sadd.s32 $0x6E780, s1;
	[dreg:$0x16] =	wrdreg s6  }
0x15: {  	s10 =	sadd.s32 $0x6EB00, s1;
	[dreg:$0x17] =	wrdreg s8  }
0x16: {  	s11 =	sadd.s32 $0x6EE80, s1;
	[dreg:$0x18] =	wrdreg s10  }
0x17: {  	s0 =	simm.s32 $0x0;
	s12 =	sadd.s32 $0x6F200, s1;
	[dreg:$0x19] =	wrdreg s11  }
0x18: {  	s2 =	sadd.s32 s25, s22;
	s16 =	sadd.s32 $0x6F580, s1;
	[dreg:$0x1a] =	wrdreg s12  }
0x19: {  	s17 =	sadd.s32 $0x6F900, s1;
	s1 =	sadd.s32 $0x6FC80, s1;
	[dreg:$0x1b] =	wrdreg s16  }
0x1a: {  	s9 =	sor.u32 $0x1A400, s2;
	s13 =	sor.u32 $0x18800, s2;
	[dreg:$0x1c] =	wrdreg s17  }
0x1b: {  	s14 =	sor.u32 $0x16C00, s2;
	[dreg:$0x1d] =	wrdreg s1;
	s18 =	sor.u32 $0x13400, s2  }
0x1c: {  	s20 =	sor.u32 $0x11800, s2;
	s22 =	sor.u32 $0xC400, s2;
	s24 =	sor.u32 $0xA800, s2  }
0x1d: {  	s26 =	sor.u32 $0x8C00, s2;
	s29 =	sor.u32 $0x5400, s2;
	s30 =	smax.u32 s3, $0x1  }
0x1e: {  	s12 =	simm.s32 $0x1;
	s5 =	sshrl.u32 s9, $0x3;
	[dreg:$0x1e] =	wrdreg s30  }
0x1f: {  	s16 =	simm.s32 $0x3;
	s15 =	sshrl.u32 s14, $0x3;
	[dreg:$0x2] =	wrdreg s5  }
0x20: {  	s17 =	simm.s32 $0x4;
	s19 =	sshrl.u32 s18, $0x3;
	[dreg:$0x4] =	wrdreg s15  }
0x21: {  	s21 =	sshrl.u32 s20, $0x3;
	s23 =	sshrl.u32 s22, $0x3;
	[dreg:$0x6] =	wrdreg s19  }
0x22: {  	s25 =	sshrl.u32 s24, $0x3;
	s28 =	sshrl.u32 s26, $0x3;
	[dreg:$0x7] =	wrdreg s21  }
0x23: {  	s31 =	sshrl.u32 s29, $0x3;
	s24 =	simm.s32 $0x32;
	[dreg:$0x8] =	wrdreg s23  }
0x24: {  	s14 =	simm.s32 $0x80;
	s18 =	simm.s32 $0x5;
	[dreg:$0x9] =	wrdreg s25  }
0x25: {  	s20 =	simm.s32 $0x7;
	s5 =	sshrl.u32 s13, $0x3;
	[dreg:$0xa] =	wrdreg s28  }
0x26: {  	[dreg:$0xb] =	wrdreg s31;
	s13 =	simm.s32 $0x40;
	s15 =	simm.s32 $0x2  }
0x27: {  	s19 =	simm.s32 $0x6;
	s21 =	simm.s32 $0x8;
	[dreg:$0x3] =	wrdreg s5  }
.LBB2_1:
0x28: {  	[dreg:$0x1f] =	wrdreg s0  }
0x29: {  	s1 =	simm.s32 $0x0;
	s3 =	rddreg [dreg:$0xd];
	s6 =	simm.s32 $0x9  }
0x2a: {  	[tilespmem:s1], [sflag:$0x9] =	stream.linear.gather [hbm4b:s3+s1], $0x7000, $0x38;
	[tilespmem:$0x13800] =	vst v63  }
0x2b: {  	_ =	swait.ge [sflag:s6], $0x7000  }
0x2c: {  	[sflag:s6] =	ssyncset.done $0x0  }
0x2d: {  	s25 =	simm.s32 $0x7000;
	[sflag:s6] =	ssyncadd.s32 $0xFFFF9000  }
0x2e: {  	[tilespmem:s25], [sflag:$0x1] =	stream.indirect.gather [hbm4b:s4+s24], $0x40, s1, s24, $0xb8;
	[tilespmem:$0x13800] =	vst v63  }
0x2f: {  	s7 =	simm.s32 $0x38;
	s26 =	simm.s32 $0x7C80  }
0x30: {  	[tilespmem:s26], [sflag:$0x1] =	stream.indirect.gather [hbm4b:s4+s24], $0x40, s7, s24, $0xb8;
	[tilespmem:$0x13800] =	vst v63  }
0x31: {  	s8 =	simm.s32 $0x70;
	s28 =	simm.s32 $0x8900  }
0x32: {  	[tilespmem:s28], [sflag:$0x1] =	stream.indirect.gather [hbm4b:s4+s24], $0x40, s8, s24, $0xb8;
	[tilespmem:$0x13800] =	vst v63  }
0x33: {  	s9 =	simm.s32 $0xA8;
	s0 =	simm.s32 $0x9580  }
0x34: {  	[tilespmem:s0], [sflag:$0x1] =	stream.indirect.gather [hbm4b:s4+s24], $0x40, s9, s24, $0xb8;
	[tilespmem:$0x13800] =	vst v63  }
0x35: {  	s10 =	simm.s32 $0xE0;
	s5 =	simm.s32 $0xA200  }
0x36: {  	[tilespmem:s5], [sflag:$0x2] =	stream.indirect.gather [hbm4b:s4+s24], $0x40, s10, s24, $0xb8;
	[tilespmem:$0x13800] =	vst v63  }
0x37: {  	s11 =	simm.s32 $0x118;
	s6 =	simm.s32 $0xAE80  }
0x38: {  	[tilespmem:s6], [sflag:$0x2] =	stream.indirect.gather [hbm4b:s4+s24], $0x40, s11, s24, $0xb8;
	[tilespmem:$0x13800] =	vst v63  }
0x39: {  	s22 =	simm.s32 $0x150;
	s7 =	simm.s32 $0xBB00  }
0x3a: {  	[tilespmem:s7], [sflag:$0x2] =	stream.indirect.gather [hbm4b:s4+s24], $0x40, s22, s24, $0xb8;
	[tilespmem:$0x13800] =	vst v63  }
0x3b: {  	s23 =	simm.s32 $0x188;
	s8 =	simm.s32 $0xC780  }
0x3c: {  	[tilespmem:s8], [sflag:$0x2] =	stream.indirect.gather [hbm4b:s4+s24], $0x40, s23, s24, $0xb8;
	[tilespmem:$0x13800] =	vst v63  }
0x3d: {  	s29 =	simm.s32 $0x1C0;
	s9 =	simm.s32 $0xD400  }
0x3e: {  	[tilespmem:s9], [sflag:$0x3] =	stream.indirect.gather [hbm4b:s4+s24], $0x40, s29, s24, $0xb8;
	[tilespmem:$0x13800] =	vst v63  }
0x3f: {  	s30 =	simm.s32 $0x1F8;
	s10 =	simm.s32 $0xE080  }
0x40: {  	[tilespmem:s10], [sflag:$0x3] =	stream.indirect.gather [hbm4b:s4+s24], $0x40, s30, s24, $0xb8;
	[tilespmem:$0x13800] =	vst v63  }
0x41: {  	s31 =	simm.s32 $0x230;
	s11 =	simm.s32 $0xED00  }
0x42: {  	[tilespmem:s11], [sflag:$0x3] =	stream.indirect.gather [hbm4b:s4+s24], $0x40, s31, s24, $0xb8;
	[tilespmem:$0x13800] =	vst v63  }
0x43: {  	s2 =	simm.s32 $0x268;
	s29 =	simm.s32 $0xF980  }
0x44: {  	[tilespmem:s29], [sflag:$0x3] =	stream.indirect.gather [hbm4b:s4+s24], $0x40, s2, s24, $0xb8;
	[tilespmem:$0x13800] =	vst v63  }
0x45: {  	s3 =	simm.s32 $0x2A0;
	s30 =	simm.s32 $0x10600  }
0x46: {  	[tilespmem:s30], [sflag:$0x4] =	stream.indirect.gather [hbm4b:s4+s24], $0x40, s3, s24, $0xb8;
	[tilespmem:$0x13800] =	vst v63  }
0x47: {  	s22 =	simm.s32 $0x2D8;
	s31 =	simm.s32 $0x11280  }
0x48: {  	[tilespmem:s31], [sflag:$0x4] =	stream.indirect.gather [hbm4b:s4+s24], $0x40, s22, s24, $0xb8;
	[tilespmem:$0x13800] =	vst v63  }
0x49: {  	s23 =	simm.s32 $0x310;
	s2 =	simm.s32 $0x11F00  }
0x4a: {  	[tilespmem:s2], [sflag:$0x4] =	stream.indirect.gather [hbm4b:s4+s24], $0x40, s23, s24, $0xb8;
	[tilespmem:$0x13800] =	vst v63  }
0x4b: {  	s3 =	simm.s32 $0x348;
	s2 =	simm.s32 $0x12B80  }
0x4c: {  	[tilespmem:s2], [sflag:$0x4] =	stream.indirect.gather [hbm4b:s4+s24], $0x40, s3, s24, $0xb8;
	[tilespmem:$0x13800] =	vst v63  }
0x4d: {  	_ =	swait.ge [sflag:s12], $0xC80  }
0x4e: {  	[sflag:s12] =	ssyncset.done $0x0  }
0x4f: {  	[sflag:s12] =	ssyncadd.s32 $0xFFFFF380  }
0x50: {  	_ =	swait.ge [sflag:s12], $0xC80  }
0x51: {  	[sflag:s12] =	ssyncset.done $0x0  }
0x52: {  	[sflag:s12] =	ssyncadd.s32 $0xFFFFF380  }
0x53: {  	_ =	swait.ge [sflag:s12], $0xC80  }
0x54: {  	[sflag:s12] =	ssyncset.done $0x0  }
0x55: {  	[sflag:s12] =	ssyncadd.s32 $0xFFFFF380  }
0x56: {  	_ =	swait.ge [sflag:s12], $0xC80  }
0x57: {  	s22 =	rddreg [dreg:$0x5]  }
0x58: {  	[sflag:s12] =	ssyncset.done $0x0;
	s1 =	rddreg [dreg:$0xc]  }
0x59: {  	[sflag:s12] =	ssyncadd.s32 $0xFFFFF380;
	s3 =	sadd.s32 s1, s22  }
0x5a: {  	[hbm4b:s3+s13] =	stream.strided.scatter [tilespmem:s25], [sflag:$0x5], $0xC80, s14, s13, $0x38;
	[tilespmem:$0x13800] =	vst v63  }
0x5b: {  	s22 =	sadd.s32 $0x380, s3  }
0x5c: {  	[hbm4b:s22+s13] =	stream.strided.scatter [tilespmem:s26], [sflag:$0x5], $0xC80, s14, s13, $0x38;
	[tilespmem:$0x13800] =	vst v63  }
0x5d: {  	s23 =	rddreg [dreg:$0xb];
	s22 =	sadd.s32 $0x700, s3  }
0x5e: {  	[hbm4b:s22+s13] =	stream.strided.scatter [tilespmem:s28], [sflag:$0x5], $0xC80, s14, s13, $0x38;
	[tilespmem:$0x13800] =	vst v63  }
0x5f: {  	s23 =	sadd.s32 s1, s23  }
0x60: {  	[hbm4b:s23+s13] =	stream.strided.scatter [tilespmem:s0], [sflag:$0x5], $0xC80, s14, s13, $0x38;
	[tilespmem:$0x13800] =	vst v63  }
0x61: {  	_ =	swait.ge [sflag:s15], $0xC80  }
0x62: {  	[sflag:s15] =	ssyncset.done $0x0  }
0x63: {  	[sflag:s15] =	ssyncadd.s32 $0xFFFFF380  }
0x64: {  	_ =	swait.ge [sflag:s15], $0xC80  }
0x65: {  	[sflag:s15] =	ssyncset.done $0x0  }
0x66: {  	[sflag:s15] =	ssyncadd.s32 $0xFFFFF380  }
0x67: {  	_ =	swait.ge [sflag:s15], $0xC80  }
0x68: {  	[sflag:s15] =	ssyncset.done $0x0  }
0x69: {  	[sflag:s15] =	ssyncadd.s32 $0xFFFFF380  }
0x6a: {  	_ =	swait.ge [sflag:s15], $0xC80  }
0x6b: {  	[sflag:s15] =	ssyncset.done $0x0  }
0x6c: {  	s23 =	sadd.s32 $0xE00, s3;
	s22 =	rddreg [dreg:$0xa];
	[sflag:s15] =	ssyncadd.s32 $0xFFFFF380  }
0x6d: {  	[hbm4b:s23+s13] =	stream.strided.scatter [tilespmem:s5], [sflag:$0x6], $0xC80, s14, s13, $0x38;
	[tilespmem:$0x13800] =	vst v63  }
0x6e: {  	s22 =	sadd.s32 s1, s22;
	s23 =	rddreg [dreg:$0x9]  }
0x6f: {  	[hbm4b:s22+s13] =	stream.strided.scatter [tilespmem:s6], [sflag:$0x6], $0xC80, s14, s13, $0x38;
	[tilespmem:$0x13800] =	vst v63  }
0x70: {  	s23 =	sadd.s32 s1, s23;
	s22 =	rddreg [dreg:$0x8]  }
0x71: {  	[hbm4b:s23+s13] =	stream.strided.scatter [tilespmem:s7], [sflag:$0x6], $0xC80, s14, s13, $0x38;
	[tilespmem:$0x13800] =	vst v63  }
0x72: {  	s22 =	sadd.s32 s1, s22  }
0x73: {  	[hbm4b:s22+s13] =	stream.strided.scatter [tilespmem:s8], [sflag:$0x6], $0xC80, s14, s13, $0x38;
	[tilespmem:$0x13800] =	vst v63  }
0x74: {  	_ =	swait.ge [sflag:s16], $0xC80  }
0x75: {  	[sflag:s16] =	ssyncset.done $0x0  }
0x76: {  	[sflag:s16] =	ssyncadd.s32 $0xFFFFF380  }
0x77: {  	_ =	swait.ge [sflag:s16], $0xC80  }
0x78: {  	[sflag:s16] =	ssyncset.done $0x0  }
0x79: {  	[sflag:s16] =	ssyncadd.s32 $0xFFFFF380  }
0x7a: {  	_ =	swait.ge [sflag:s16], $0xC80  }
0x7b: {  	[sflag:s16] =	ssyncset.done $0x0  }
0x7c: {  	[sflag:s16] =	ssyncadd.s32 $0xFFFFF380  }
0x7d: {  	_ =	swait.ge [sflag:s16], $0xC80  }
0x7e: {  	[sflag:s16] =	ssyncset.done $0x0  }
0x7f: {  	s23 =	sadd.s32 $0x1C00, s3;
	[sflag:s16] =	ssyncadd.s32 $0xFFFFF380  }
0x80: {  	[hbm4b:s23+s13] =	stream.strided.scatter [tilespmem:s9], [sflag:$0x7], $0xC80, s14, s13, $0x38;
	[tilespmem:$0x13800] =	vst v63  }
0x81: {  	s22 =	rddreg [dreg:$0x7];
	s23 =	sadd.s32 $0x1F80, s3  }
0x82: {  	[hbm4b:s23+s13] =	stream.strided.scatter [tilespmem:s10], [sflag:$0x7], $0xC80, s14, s13, $0x38;
	[tilespmem:$0x13800] =	vst v63  }
0x83: {  	s22 =	sadd.s32 s1, s22;
	s23 =	rddreg [dreg:$0x6]  }
0x84: {  	[hbm4b:s22+s13] =	stream.strided.scatter [tilespmem:s11], [sflag:$0x7], $0xC80, s14, s13, $0x38;
	[tilespmem:$0x13800] =	vst v63  }
0x85: {  	s23 =	sadd.s32 s1, s23  }
0x86: {  	[hbm4b:s23+s13] =	stream.strided.scatter [tilespmem:s29], [sflag:$0x7], $0xC80, s14, s13, $0x38;
	[tilespmem:$0x13800] =	vst v63  }
0x87: {  	_ =	swait.ge [sflag:s17], $0xC80  }
0x88: {  	[sflag:s17] =	ssyncset.done $0x0  }
0x89: {  	[sflag:s17] =	ssyncadd.s32 $0xFFFFF380  }
0x8a: {  	_ =	swait.ge [sflag:s17], $0xC80  }
0x8b: {  	[sflag:s17] =	ssyncset.done $0x0  }
0x8c: {  	[sflag:s17] =	ssyncadd.s32 $0xFFFFF380  }
0x8d: {  	_ =	swait.ge [sflag:s17], $0xC80  }
0x8e: {  	[sflag:s17] =	ssyncset.done $0x0  }
0x8f: {  	[sflag:s17] =	ssyncadd.s32 $0xFFFFF380  }
0x90: {  	_ =	swait.ge [sflag:s17], $0xC80  }
0x91: {  	[sflag:s17] =	ssyncset.done $0x0  }
0x92: {  	s3 =	sadd.s32 $0x2A00, s3;
	s22 =	rddreg [dreg:$0x4];
	[sflag:s17] =	ssyncadd.s32 $0xFFFFF380  }
0x93: {  	[hbm4b:s3+s13] =	stream.strided.scatter [tilespmem:s30], [sflag:$0x8], $0xC80, s14, s13, $0x38;
	[tilespmem:$0x13800] =	vst v63  }
0x94: {  	s23 =	rddreg [dreg:$0x3];
	s3 =	sadd.s32 s1, s22  }
0x95: {  	[hbm4b:s3+s13] =	stream.strided.scatter [tilespmem:s31], [sflag:$0x8], $0xC80, s14, s13, $0x38;
	[tilespmem:$0x13800] =	vst v63  }
0x96: {  	s22 =	rddreg [dreg:$0x2];
	s3 =	sadd.s32 s1, s23;
	s23 =	simm.s32 $0x11F00  }
0x97: {  	[hbm4b:s3+s13] =	stream.strided.scatter [tilespmem:s23], [sflag:$0x8], $0xC80, s14, s13, $0x38;
	[tilespmem:$0x13800] =	vst v63  }
0x98: {  	s22 =	sadd.s32 s1, s22  }
0x99: {  	[hbm4b:s22+s13] =	stream.strided.scatter [tilespmem:s2], [sflag:$0x8], $0xC80, s14, s13, $0x38;
	[tilespmem:$0x13800] =	vst v63  }
0x9a: {  	_ =	swait.ge [sflag:s18], $0xC80  }
0x9b: {  	[sflag:s18] =	ssyncset.done $0x0  }
0x9c: {  	[sflag:s18] =	ssyncadd.s32 $0xFFFFF380  }
0x9d: {  	_ =	swait.ge [sflag:s18], $0xC80  }
0x9e: {  	[sflag:s18] =	ssyncset.done $0x0  }
0x9f: {  	[sflag:s18] =	ssyncadd.s32 $0xFFFFF380  }
0xa0: {  	_ =	swait.ge [sflag:s18], $0xC80  }
0xa1: {  	[sflag:s18] =	ssyncset.done $0x0  }
0xa2: {  	[sflag:s18] =	ssyncadd.s32 $0xFFFFF380  }
0xa3: {  	_ =	swait.ge [sflag:s18], $0xC80  }
0xa4: {  	[sflag:s18] =	ssyncset.done $0x0  }
0xa5: {  	s22 =	simm.s32 $0x380;
	[sflag:s18] =	ssyncadd.s32 $0xFFFFF380  }
0xa6: {  	[tilespmem:s25], [sflag:$0x1] =	stream.indirect.gather [hbm4b:s4+s24], $0x40, s22, s24, $0xb8;
	[tilespmem:$0x13800] =	vst v63  }
0xa7: {  	s25 =	simm.s32 $0x3B8  }
0xa8: {  	[tilespmem:s26], [sflag:$0x1] =	stream.indirect.gather [hbm4b:s4+s24], $0x40, s25, s24, $0xb8;
	[tilespmem:$0x13800] =	vst v63  }
0xa9: {  	s26 =	simm.s32 $0x3F0  }
0xaa: {  	[tilespmem:s28], [sflag:$0x1] =	stream.indirect.gather [hbm4b:s4+s24], $0x40, s26, s24, $0xb8;
	[tilespmem:$0x13800] =	vst v63  }
0xab: {  	s28 =	simm.s32 $0x428  }
0xac: {  	[tilespmem:s0], [sflag:$0x1] =	stream.indirect.gather [hbm4b:s4+s24], $0x40, s28, s24, $0xb8;
	[tilespmem:$0x13800] =	vst v63  }
0xad: {  	_ =	swait.ge [sflag:s19], $0xC80  }
0xae: {  	[sflag:s19] =	ssyncset.done $0x0  }
0xaf: {  	[sflag:s19] =	ssyncadd.s32 $0xFFFFF380  }
0xb0: {  	_ =	swait.ge [sflag:s19], $0xC80  }
0xb1: {  	[sflag:s19] =	ssyncset.done $0x0  }
0xb2: {  	[sflag:s19] =	ssyncadd.s32 $0xFFFFF380  }
0xb3: {  	_ =	swait.ge [sflag:s19], $0xC80  }
0xb4: {  	[sflag:s19] =	ssyncset.done $0x0  }
0xb5: {  	[sflag:s19] =	ssyncadd.s32 $0xFFFFF380  }
0xb6: {  	_ =	swait.ge [sflag:s19], $0xC80  }
0xb7: {  	[sflag:s19] =	ssyncset.done $0x0  }
0xb8: {  	s2 =	simm.s32 $0x460;
	[sflag:s19] =	ssyncadd.s32 $0xFFFFF380  }
0xb9: {  	[tilespmem:s5], [sflag:$0x2] =	stream.indirect.gather [hbm4b:s4+s24], $0x40, s2, s24, $0xb8;
	[tilespmem:$0x13800] =	vst v63  }
0xba: {  	s5 =	simm.s32 $0x498  }
0xbb: {  	[tilespmem:s6], [sflag:$0x2] =	stream.indirect.gather [hbm4b:s4+s24], $0x40, s5, s24, $0xb8;
	[tilespmem:$0x13800] =	vst v63  }
0xbc: {  	s6 =	simm.s32 $0x4D0  }
0xbd: {  	[tilespmem:s7], [sflag:$0x2] =	stream.indirect.gather [hbm4b:s4+s24], $0x40, s6, s24, $0xb8;
	[tilespmem:$0x13800] =	vst v63  }
0xbe: {  	s7 =	simm.s32 $0x508  }
0xbf: {  	[tilespmem:s8], [sflag:$0x2] =	stream.indirect.gather [hbm4b:s4+s24], $0x40, s7, s24, $0xb8;
	[tilespmem:$0x13800] =	vst v63  }
0xc0: {  	_ =	swait.ge [sflag:s20], $0xC80  }
0xc1: {  	[sflag:s20] =	ssyncset.done $0x0  }
0xc2: {  	[sflag:s20] =	ssyncadd.s32 $0xFFFFF380  }
0xc3: {  	_ =	swait.ge [sflag:s20], $0xC80  }
0xc4: {  	[sflag:s20] =	ssyncset.done $0x0  }
0xc5: {  	[sflag:s20] =	ssyncadd.s32 $0xFFFFF380  }
0xc6: {  	_ =	swait.ge [sflag:s20], $0xC80  }
0xc7: {  	[sflag:s20] =	ssyncset.done $0x0  }
0xc8: {  	[sflag:s20] =	ssyncadd.s32 $0xFFFFF380  }
0xc9: {  	_ =	swait.ge [sflag:s20], $0xC80  }
0xca: {  	[sflag:s20] =	ssyncset.done $0x0  }
0xcb: {  	s22 =	simm.s32 $0x540;
	[sflag:s20] =	ssyncadd.s32 $0xFFFFF380  }
0xcc: {  	[tilespmem:s9], [sflag:$0x3] =	stream.indirect.gather [hbm4b:s4+s24], $0x40, s22, s24, $0xb8;
	[tilespmem:$0x13800] =	vst v63  }
0xcd: {  	s25 =	simm.s32 $0x578  }
0xce: {  	[tilespmem:s10], [sflag:$0x3] =	stream.indirect.gather [hbm4b:s4+s24], $0x40, s25, s24, $0xb8;
	[tilespmem:$0x13800] =	vst v63  }
0xcf: {  	s26 =	simm.s32 $0x5B0  }
0xd0: {  	[tilespmem:s11], [sflag:$0x3] =	stream.indirect.gather [hbm4b:s4+s24], $0x40, s26, s24, $0xb8;
	[tilespmem:$0x13800] =	vst v63  }
0xd1: {  	s28 =	simm.s32 $0x5E8  }
0xd2: {  	[tilespmem:s29], [sflag:$0x3] =	stream.indirect.gather [hbm4b:s4+s24], $0x40, s28, s24, $0xb8;
	[tilespmem:$0x13800] =	vst v63  }
0xd3: {  	_ =	swait.ge [sflag:s21], $0xC80  }
0xd4: {  	[sflag:s21] =	ssyncset.done $0x0  }
0xd5: {  	[sflag:s21] =	ssyncadd.s32 $0xFFFFF380  }
0xd6: {  	_ =	swait.ge [sflag:s21], $0xC80  }
0xd7: {  	[sflag:s21] =	ssyncset.done $0x0  }
0xd8: {  	[sflag:s21] =	ssyncadd.s32 $0xFFFFF380  }
0xd9: {  	_ =	swait.ge [sflag:s21], $0xC80  }
0xda: {  	[sflag:s21] =	ssyncset.done $0x0  }
0xdb: {  	[sflag:s21] =	ssyncadd.s32 $0xFFFFF380  }
0xdc: {  	_ =	swait.ge [sflag:s21], $0xC80  }
0xdd: {  	[sflag:s21] =	ssyncset.done $0x0  }
0xde: {  	s29 =	simm.s32 $0x620;
	[sflag:s21] =	ssyncadd.s32 $0xFFFFF380  }
0xdf: {  	[tilespmem:s30], [sflag:$0x4] =	stream.indirect.gather [hbm4b:s4+s24], $0x40, s29, s24, $0xb8;
	[tilespmem:$0x13800] =	vst v63  }
0xe0: {  	s30 =	simm.s32 $0x658  }
0xe1: {  	[tilespmem:s31], [sflag:$0x4] =	stream.indirect.gather [hbm4b:s4+s24], $0x40, s30, s24, $0xb8;
	[tilespmem:$0x13800] =	vst v63  }
0xe2: {  	s31 =	simm.s32 $0x690  }
0xe3: {  	[tilespmem:s23], [sflag:$0x4] =	stream.indirect.gather [hbm4b:s4+s24], $0x40, s31, s24, $0xb8;
	[tilespmem:$0x13800] =	vst v63  }
0xe4: {  	s3 =	simm.s32 $0x6C8;
	s22 =	sadd.s32 $0x3800, s1;
	s23 =	simm.s32 $0xE00  }
.LBB2_2:
0xe5: {  	s0 =	simm.s32 $0x12B80  }
0xe6: {  	[tilespmem:s0], [sflag:$0x4] =	stream.indirect.gather [hbm4b:s4+s24], $0x40, s3, s24, $0xb8;
	[tilespmem:$0x13800] =	vst v63  }
0xe7: {  	_ =	swait.ge [sflag:s12], $0xC80  }
0xe8: {  	[sflag:s12] =	ssyncset.done $0x0  }
0xe9: {  	[sflag:s12] =	ssyncadd.s32 $0xFFFFF380  }
0xea: {  	_ =	swait.ge [sflag:s12], $0xC80  }
0xeb: {  	[sflag:s12] =	ssyncset.done $0x0  }
0xec: {  	[sflag:s12] =	ssyncadd.s32 $0xFFFFF380  }
0xed: {  	_ =	swait.ge [sflag:s12], $0xC80  }
0xee: {  	[sflag:s12] =	ssyncset.done $0x0  }
0xef: {  	[sflag:s12] =	ssyncadd.s32 $0xFFFFF380  }
0xf0: {  	_ =	swait.ge [sflag:s12], $0xC80  }
0xf1: {  	s25 =	rddreg [dreg:$0x5];
	[sflag:s12] =	ssyncset.done $0x0  }
0xf2: {  	s26 =	simm.s32 $0x7000;
	[sflag:s12] =	ssyncadd.s32 $0xFFFFF380;
	s25 =	sadd.s32 s22, s25  }
0xf3: {  	[hbm4b:s25+s13] =	stream.strided.scatter [tilespmem:s26], [sflag:$0x5], $0xC80, s14, s13, $0x38;
	[tilespmem:$0x13800] =	vst v63  }
0xf4: {  	s7 =	simm.s32 $0x7C80;
	s28 =	sadd.s32 $0x380, s25  }
0xf5: {  	[hbm4b:s28+s13] =	stream.strided.scatter [tilespmem:s7], [sflag:$0x5], $0xC80, s14, s13, $0x38;
	[tilespmem:$0x13800] =	vst v63  }
0xf6: {  	s29 =	simm.s32 $0x8900;
	s30 =	rddreg [dreg:$0xb];
	s28 =	sadd.s32 $0x700, s25  }
0xf7: {  	[hbm4b:s28+s13] =	stream.strided.scatter [tilespmem:s29], [sflag:$0x5], $0xC80, s14, s13, $0x38;
	[tilespmem:$0x13800] =	vst v63  }
0xf8: {  	s0 =	simm.s32 $0x9580;
	s28 =	sadd.s32 s22, s30  }
0xf9: {  	[hbm4b:s28+s13] =	stream.strided.scatter [tilespmem:s0], [sflag:$0x5], $0xC80, s14, s13, $0x38;
	[tilespmem:$0x13800] =	vst v63  }
0xfa: {  	_ =	swait.ge [sflag:s15], $0xC80  }
0xfb: {  	[sflag:s15] =	ssyncset.done $0x0  }
0xfc: {  	[sflag:s15] =	ssyncadd.s32 $0xFFFFF380  }
0xfd: {  	_ =	swait.ge [sflag:s15], $0xC80  }
0xfe: {  	[sflag:s15] =	ssyncset.done $0x0  }
0xff: {  	[sflag:s15] =	ssyncadd.s32 $0xFFFFF380  }
0x100: {  	_ =	swait.ge [sflag:s15], $0xC80  }
0x101: {  	[sflag:s15] =	ssyncset.done $0x0  }
0x102: {  	[sflag:s15] =	ssyncadd.s32 $0xFFFFF380  }
0x103: {  	_ =	swait.ge [sflag:s15], $0xC80  }
0x104: {  	s2 =	simm.s32 $0xA200;
	[sflag:s15] =	ssyncset.done $0x0  }
0x105: {  	s30 =	sadd.s32 $0xE00, s25;
	s28 =	rddreg [dreg:$0xa];
	[sflag:s15] =	ssyncadd.s32 $0xFFFFF380  }
0x106: {  	[hbm4b:s30+s13] =	stream.strided.scatter [tilespmem:s2], [sflag:$0x6], $0xC80, s14, s13, $0x38;
	[tilespmem:$0x13800] =	vst v63  }
0x107: {  	s5 =	simm.s32 $0xAE80;
	s1 =	rddreg [dreg:$0x9];
	s28 =	sadd.s32 s22, s28  }
0x108: {  	[hbm4b:s28+s13] =	stream.strided.scatter [tilespmem:s5], [sflag:$0x6], $0xC80, s14, s13, $0x38;
	[tilespmem:$0x13800] =	vst v63  }
0x109: {  	s6 =	simm.s32 $0xBB00;
	s1 =	sadd.s32 s22, s1;
	s30 =	rddreg [dreg:$0x8]  }
0x10a: {  	[hbm4b:s1+s13] =	stream.strided.scatter [tilespmem:s6], [sflag:$0x6], $0xC80, s14, s13, $0x38;
	[tilespmem:$0x13800] =	vst v63  }
0x10b: {  	s7 =	simm.s32 $0xC780;
	s8 =	sadd.s32 s22, s30  }
0x10c: {  	[hbm4b:s8+s13] =	stream.strided.scatter [tilespmem:s7], [sflag:$0x6], $0xC80, s14, s13, $0x38;
	[tilespmem:$0x13800] =	vst v63  }
0x10d: {  	_ =	swait.ge [sflag:s16], $0xC80  }
0x10e: {  	[sflag:s16] =	ssyncset.done $0x0  }
0x10f: {  	[sflag:s16] =	ssyncadd.s32 $0xFFFFF380  }
0x110: {  	_ =	swait.ge [sflag:s16], $0xC80  }
0x111: {  	[sflag:s16] =	ssyncset.done $0x0  }
0x112: {  	[sflag:s16] =	ssyncadd.s32 $0xFFFFF380  }
0x113: {  	_ =	swait.ge [sflag:s16], $0xC80  }
0x114: {  	[sflag:s16] =	ssyncset.done $0x0  }
0x115: {  	[sflag:s16] =	ssyncadd.s32 $0xFFFFF380  }
0x116: {  	_ =	swait.ge [sflag:s16], $0xC80  }
0x117: {  	[sflag:s16] =	ssyncset.done $0x0  }
0x118: {  	s9 =	sadd.s32 $0x1C00, s25;
	s8 =	simm.s32 $0xD400;
	[sflag:s16] =	ssyncadd.s32 $0xFFFFF380  }
0x119: {  	[hbm4b:s9+s13] =	stream.strided.scatter [tilespmem:s8], [sflag:$0x7], $0xC80, s14, s13, $0x38;
	[tilespmem:$0x13800] =	vst v63  }
0x11a: {  	s10 =	sadd.s32 $0x1F80, s25;
	s28 =	rddreg [dreg:$0x7];
	s9 =	simm.s32 $0xE080  }
0x11b: {  	[hbm4b:s10+s13] =	stream.strided.scatter [tilespmem:s9], [sflag:$0x7], $0xC80, s14, s13, $0x38;
	[tilespmem:$0x13800] =	vst v63  }
0x11c: {  	s30 =	rddreg [dreg:$0x6];
	s11 =	sadd.s32 s22, s28;
	s10 =	simm.s32 $0xED00  }
0x11d: {  	[hbm4b:s11+s13] =	stream.strided.scatter [tilespmem:s10], [sflag:$0x7], $0xC80, s14, s13, $0x38;
	[tilespmem:$0x13800] =	vst v63  }
0x11e: {  	s11 =	sadd.s32 s22, s30;
	s30 =	simm.s32 $0xF980  }
0x11f: {  	[hbm4b:s11+s13] =	stream.strided.scatter [tilespmem:s30], [sflag:$0x7], $0xC80, s14, s13, $0x38;
	[tilespmem:$0x13800] =	vst v63  }
0x120: {  	_ =	swait.ge [sflag:s17], $0xC80  }
0x121: {  	[sflag:s17] =	ssyncset.done $0x0  }
0x122: {  	[sflag:s17] =	ssyncadd.s32 $0xFFFFF380  }
0x123: {  	_ =	swait.ge [sflag:s17], $0xC80  }
0x124: {  	[sflag:s17] =	ssyncset.done $0x0  }
0x125: {  	[sflag:s17] =	ssyncadd.s32 $0xFFFFF380  }
0x126: {  	_ =	swait.ge [sflag:s17], $0xC80  }
0x127: {  	[sflag:s17] =	ssyncset.done $0x0  }
0x128: {  	[sflag:s17] =	ssyncadd.s32 $0xFFFFF380  }
0x129: {  	_ =	swait.ge [sflag:s17], $0xC80  }
0x12a: {  	s31 =	simm.s32 $0x10600;
	[sflag:s17] =	ssyncset.done $0x0  }
0x12b: {  	s25 =	sadd.s32 $0x2A00, s25;
	s11 =	rddreg [dreg:$0x4];
	[sflag:s17] =	ssyncadd.s32 $0xFFFFF380  }
0x12c: {  	[hbm4b:s25+s13] =	stream.strided.scatter [tilespmem:s31], [sflag:$0x8], $0xC80, s14, s13, $0x38;
	[tilespmem:$0x13800] =	vst v63  }
0x12d: {  	s28 =	rddreg [dreg:$0x3];
	s1 =	sadd.s32 s22, s11;
	s11 =	simm.s32 $0x11280  }
0x12e: {  	[hbm4b:s1+s13] =	stream.strided.scatter [tilespmem:s11], [sflag:$0x8], $0xC80, s14, s13, $0x38;
	[tilespmem:$0x13800] =	vst v63  }
0x12f: {  	s25 =	rddreg [dreg:$0x2];
	s1 =	sadd.s32 s22, s28;
	s28 =	simm.s32 $0x11F00  }
0x130: {  	[hbm4b:s1+s13] =	stream.strided.scatter [tilespmem:s28], [sflag:$0x8], $0xC80, s14, s13, $0x38;
	[tilespmem:$0x13800] =	vst v63  }
0x131: {  	s1 =	sadd.s32 s22, s25;
	s25 =	simm.s32 $0x12B80  }
0x132: {  	[hbm4b:s1+s13] =	stream.strided.scatter [tilespmem:s25], [sflag:$0x8], $0xC80, s14, s13, $0x38;
	[tilespmem:$0x13800] =	vst v63  }
0x133: {  	_ =	swait.ge [sflag:s18], $0xC80  }
0x134: {  	[sflag:s18] =	ssyncset.done $0x0  }
0x135: {  	[sflag:s18] =	ssyncadd.s32 $0xFFFFF380  }
0x136: {  	_ =	swait.ge [sflag:s18], $0xC80  }
0x137: {  	[sflag:s18] =	ssyncset.done $0x0  }
0x138: {  	[sflag:s18] =	ssyncadd.s32 $0xFFFFF380  }
0x139: {  	_ =	swait.ge [sflag:s18], $0xC80  }
0x13a: {  	[sflag:s18] =	ssyncset.done $0x0  }
0x13b: {  	[sflag:s18] =	ssyncadd.s32 $0xFFFFF380  }
0x13c: {  	s3 =	smov.u32 s23;
	_ =	swait.ge [sflag:s18], $0xC80  }
0x13d: {  	s3 =	sshra.s32 s3, $0x2;
	[sflag:s18] =	ssyncset.done $0x0  }
0x13e: {  	s25 =	sadd.s32 $0x380, s3;
	[sflag:s18] =	ssyncadd.s32 $0xFFFFF380  }
0x13f: {  	[tilespmem:s26], [sflag:$0x1] =	stream.indirect.gather [hbm4b:s4+s24], $0x40, s25, s24, $0xb8;
	[tilespmem:$0x13800] =	vst v63  }
0x140: {  	s28 =	simm.s32 $0x7C80;
	s25 =	sadd.s32 $0x3B8, s3  }
0x141: {  	[tilespmem:s28], [sflag:$0x1] =	stream.indirect.gather [hbm4b:s4+s24], $0x40, s25, s24, $0xb8;
	[tilespmem:$0x13800] =	vst v63  }
0x142: {  	s25 =	sadd.s32 $0x3F0, s3  }
0x143: {  	[tilespmem:s29], [sflag:$0x1] =	stream.indirect.gather [hbm4b:s4+s24], $0x40, s25, s24, $0xb8;
	[tilespmem:$0x13800] =	vst v63  }
0x144: {  	s25 =	sadd.s32 $0x428, s3  }
0x145: {  	[tilespmem:s0], [sflag:$0x1] =	stream.indirect.gather [hbm4b:s4+s24], $0x40, s25, s24, $0xb8;
	[tilespmem:$0x13800] =	vst v63  }
0x146: {  	_ =	swait.ge [sflag:s19], $0xC80  }
0x147: {  	[sflag:s19] =	ssyncset.done $0x0  }
0x148: {  	[sflag:s19] =	ssyncadd.s32 $0xFFFFF380  }
0x149: {  	_ =	swait.ge [sflag:s19], $0xC80  }
0x14a: {  	[sflag:s19] =	ssyncset.done $0x0  }
0x14b: {  	[sflag:s19] =	ssyncadd.s32 $0xFFFFF380  }
0x14c: {  	_ =	swait.ge [sflag:s19], $0xC80  }
0x14d: {  	[sflag:s19] =	ssyncset.done $0x0  }
0x14e: {  	[sflag:s19] =	ssyncadd.s32 $0xFFFFF380  }
0x14f: {  	_ =	swait.ge [sflag:s19], $0xC80  }
0x150: {  	[sflag:s19] =	ssyncset.done $0x0  }
0x151: {  	s25 =	sadd.s32 $0x460, s3;
	[sflag:s19] =	ssyncadd.s32 $0xFFFFF380  }
0x152: {  	[tilespmem:s2], [sflag:$0x2] =	stream.indirect.gather [hbm4b:s4+s24], $0x40, s25, s24, $0xb8;
	[tilespmem:$0x13800] =	vst v63  }
0x153: {  	s25 =	sadd.s32 $0x498, s3  }
0x154: {  	[tilespmem:s5], [sflag:$0x2] =	stream.indirect.gather [hbm4b:s4+s24], $0x40, s25, s24, $0xb8;
	[tilespmem:$0x13800] =	vst v63  }
0x155: {  	s25 =	sadd.s32 $0x4D0, s3  }
0x156: {  	[tilespmem:s6], [sflag:$0x2] =	stream.indirect.gather [hbm4b:s4+s24], $0x40, s25, s24, $0xb8;
	[tilespmem:$0x13800] =	vst v63  }
0x157: {  	s25 =	sadd.s32 $0x508, s3  }
0x158: {  	[tilespmem:s7], [sflag:$0x2] =	stream.indirect.gather [hbm4b:s4+s24], $0x40, s25, s24, $0xb8;
	[tilespmem:$0x13800] =	vst v63  }
0x159: {  	_ =	swait.ge [sflag:s20], $0xC80  }
0x15a: {  	[sflag:s20] =	ssyncset.done $0x0  }
0x15b: {  	[sflag:s20] =	ssyncadd.s32 $0xFFFFF380  }
0x15c: {  	_ =	swait.ge [sflag:s20], $0xC80  }
0x15d: {  	[sflag:s20] =	ssyncset.done $0x0  }
0x15e: {  	[sflag:s20] =	ssyncadd.s32 $0xFFFFF380  }
0x15f: {  	_ =	swait.ge [sflag:s20], $0xC80  }
0x160: {  	[sflag:s20] =	ssyncset.done $0x0  }
0x161: {  	[sflag:s20] =	ssyncadd.s32 $0xFFFFF380  }
0x162: {  	_ =	swait.ge [sflag:s20], $0xC80  }
0x163: {  	[sflag:s20] =	ssyncset.done $0x0  }
0x164: {  	s25 =	sadd.s32 $0x540, s3;
	[sflag:s20] =	ssyncadd.s32 $0xFFFFF380  }
0x165: {  	[tilespmem:s8], [sflag:$0x3] =	stream.indirect.gather [hbm4b:s4+s24], $0x40, s25, s24, $0xb8;
	[tilespmem:$0x13800] =	vst v63  }
0x166: {  	s25 =	sadd.s32 $0x578, s3  }
0x167: {  	[tilespmem:s9], [sflag:$0x3] =	stream.indirect.gather [hbm4b:s4+s24], $0x40, s25, s24, $0xb8;
	[tilespmem:$0x13800] =	vst v63  }
0x168: {  	s25 =	sadd.s32 $0x5B0, s3  }
0x169: {  	[tilespmem:s10], [sflag:$0x3] =	stream.indirect.gather [hbm4b:s4+s24], $0x40, s25, s24, $0xb8;
	[tilespmem:$0x13800] =	vst v63  }
0x16a: {  	s25 =	sadd.s32 $0x5E8, s3  }
0x16b: {  	[tilespmem:s30], [sflag:$0x3] =	stream.indirect.gather [hbm4b:s4+s24], $0x40, s25, s24, $0xb8;
	[tilespmem:$0x13800] =	vst v63  }
0x16c: {  	_ =	swait.ge [sflag:s21], $0xC80  }
0x16d: {  	[sflag:s21] =	ssyncset.done $0x0  }
0x16e: {  	[sflag:s21] =	ssyncadd.s32 $0xFFFFF380  }
0x16f: {  	_ =	swait.ge [sflag:s21], $0xC80  }
0x170: {  	[sflag:s21] =	ssyncset.done $0x0  }
0x171: {  	p0 =	sne.s32 s23, $0x1A400;
	s23 =	sadd.s32 $0xE00, s23;
	[sflag:s21] =	ssyncadd.s32 $0xFFFFF380  }
0x172: {  	s22 =	sadd.s32 $0x3800, s22;
	s1 =	sadd.s32 $0x690, s3;
	_ =	swait.ge [sflag:s21], $0xC80  }
0x173: {  	s26 =	simm.s32 $0x7C80;
	s28 =	simm.s32 $0x8900;
	[sflag:s21] =	ssyncset.done $0x0  }
0x174: {  	s29 =	simm.s32 $0x9580;
	s0 =	simm.s32 $0xA200;
	[sflag:s21] =	ssyncadd.s32 $0xFFFFF380  }
0x175: {  	s2 =	simm.s32 $0xAE80;
	s5 =	simm.s32 $0xBB00;
	_ =	swait.ge [sflag:s21], $0xC80  }
0x176: {  	s6 =	simm.s32 $0xC780;
	s7 =	simm.s32 $0xD400;
	[sflag:s21] =	ssyncset.done $0x0  }
0x177: {  	s8 =	simm.s32 $0xE080;
	s25 =	sadd.s32 $0x620, s3;
	[sflag:s21] =	ssyncadd.s32 $0xFFFFF380  }
0x178: {  	[tilespmem:s31], [sflag:$0x4] =	stream.indirect.gather [hbm4b:s4+s24], $0x40, s25, s24, $0xb8;
	[tilespmem:$0x13800] =	vst v63  }
.Ltmp0:
0x179: {  	s9 =	simm.s32 $0xED00;
	s10 =	simm.s32 $0xF980;
	(pc) =	sbr.rel @p0 .LBB2_2-.Ltmp0, $4  }
0x17a: {  	s30 =	simm.s32 $0x10600;
	s25 =	sadd.s32 $0x658, s3;
	s31 =	simm.s32 $0x11280  }
0x17b: {  	[tilespmem:s11], [sflag:$0x4] =	stream.indirect.gather [hbm4b:s4+s24], $0x40, s25, s24, $0xb8;
	[tilespmem:$0x13800] =	vst v63  }
0x17c: {  	s3 =	sadd.s32 $0x6C8, s3;
	s11 =	simm.s32 $0x11F00;
	s25 =	simm.s32 $0x11F00  }
0x17d: {  	[tilespmem:s25], [sflag:$0x4] =	stream.indirect.gather [hbm4b:s4+s24], $0x40, s1, s24, $0xb8;
	[tilespmem:$0x13800] =	vst v63  }
0x17e: {  	s22 =	simm.s32 $0x12B80  }
0x17f: {  	[tilespmem:s22], [sflag:$0x4] =	stream.indirect.gather [hbm4b:s4+s24], $0x40, s3, s24, $0xb8;
	[tilespmem:$0x13800] =	vst v63  }
0x180: {  	_ =	swait.ge [sflag:s12], $0xC80  }
0x181: {  	[sflag:s12] =	ssyncset.done $0x0  }
0x182: {  	[sflag:s12] =	ssyncadd.s32 $0xFFFFF380  }
0x183: {  	_ =	swait.ge [sflag:s12], $0xC80  }
0x184: {  	[sflag:s12] =	ssyncset.done $0x0  }
0x185: {  	[sflag:s12] =	ssyncadd.s32 $0xFFFFF380  }
0x186: {  	_ =	swait.ge [sflag:s12], $0xC80  }
0x187: {  	[sflag:s12] =	ssyncset.done $0x0  }
0x188: {  	[sflag:s12] =	ssyncadd.s32 $0xFFFFF380  }
0x189: {  	_ =	swait.ge [sflag:s12], $0xC80  }
0x18a: {  	[sflag:s12] =	ssyncset.done $0x0  }
0x18b: {  	s23 =	simm.s32 $0x7000;
	s1 =	rddreg [dreg:$0xe];
	[sflag:s12] =	ssyncadd.s32 $0xFFFFF380  }
0x18c: {  	[hbm4b:s1+s13] =	stream.strided.scatter [tilespmem:s23], [sflag:$0x5], $0xC80, s14, s13, $0x38;
	[tilespmem:$0x13800] =	vst v63  }
0x18d: {  	s25 =	rddreg [dreg:$0xf]  }
0x18e: {  	[hbm4b:s25+s13] =	stream.strided.scatter [tilespmem:s26], [sflag:$0x5], $0xC80, s14, s13, $0x38;
	[tilespmem:$0x13800] =	vst v63  }
0x18f: {  	s26 =	rddreg [dreg:$0x10]  }
0x190: {  	[hbm4b:s26+s13] =	stream.strided.scatter [tilespmem:s28], [sflag:$0x5], $0xC80, s14, s13, $0x38;
	[tilespmem:$0x13800] =	vst v63  }
0x191: {  	s28 =	rddreg [dreg:$0x11]  }
0x192: {  	[hbm4b:s28+s13] =	stream.strided.scatter [tilespmem:s29], [sflag:$0x5], $0xC80, s14, s13, $0x38;
	[tilespmem:$0x13800] =	vst v63  }
0x193: {  	_ =	swait.ge [sflag:s15], $0xC80  }
0x194: {  	[sflag:s15] =	ssyncset.done $0x0  }
0x195: {  	[sflag:s15] =	ssyncadd.s32 $0xFFFFF380  }
0x196: {  	_ =	swait.ge [sflag:s15], $0xC80  }
0x197: {  	[sflag:s15] =	ssyncset.done $0x0  }
0x198: {  	[sflag:s15] =	ssyncadd.s32 $0xFFFFF380  }
0x199: {  	_ =	swait.ge [sflag:s15], $0xC80  }
0x19a: {  	[sflag:s15] =	ssyncset.done $0x0  }
0x19b: {  	[sflag:s15] =	ssyncadd.s32 $0xFFFFF380  }
0x19c: {  	_ =	swait.ge [sflag:s15], $0xC80  }
0x19d: {  	[sflag:s15] =	ssyncset.done $0x0  }
0x19e: {  	s29 =	rddreg [dreg:$0x12];
	[sflag:s15] =	ssyncadd.s32 $0xFFFFF380  }
0x19f: {  	[hbm4b:s29+s13] =	stream.strided.scatter [tilespmem:s0], [sflag:$0x6], $0xC80, s14, s13, $0x38;
	[tilespmem:$0x13800] =	vst v63  }
0x1a0: {  	s0 =	rddreg [dreg:$0x13]  }
0x1a1: {  	[hbm4b:s0+s13] =	stream.strided.scatter [tilespmem:s2], [sflag:$0x6], $0xC80, s14, s13, $0x38;
	[tilespmem:$0x13800] =	vst v63  }
0x1a2: {  	s3 =	rddreg [dreg:$0x14]  }
0x1a3: {  	[hbm4b:s3+s13] =	stream.strided.scatter [tilespmem:s5], [sflag:$0x6], $0xC80, s14, s13, $0x38;
	[tilespmem:$0x13800] =	vst v63  }
0x1a4: {  	s5 =	rddreg [dreg:$0x15]  }
0x1a5: {  	[hbm4b:s5+s13] =	stream.strided.scatter [tilespmem:s6], [sflag:$0x6], $0xC80, s14, s13, $0x38;
	[tilespmem:$0x13800] =	vst v63  }
0x1a6: {  	_ =	swait.ge [sflag:s16], $0xC80  }
0x1a7: {  	[sflag:s16] =	ssyncset.done $0x0  }
0x1a8: {  	[sflag:s16] =	ssyncadd.s32 $0xFFFFF380  }
0x1a9: {  	_ =	swait.ge [sflag:s16], $0xC80  }
0x1aa: {  	[sflag:s16] =	ssyncset.done $0x0  }
0x1ab: {  	[sflag:s16] =	ssyncadd.s32 $0xFFFFF380  }
0x1ac: {  	_ =	swait.ge [sflag:s16], $0xC80  }
0x1ad: {  	[sflag:s16] =	ssyncset.done $0x0  }
0x1ae: {  	[sflag:s16] =	ssyncadd.s32 $0xFFFFF380  }
0x1af: {  	_ =	swait.ge [sflag:s16], $0xC80  }
0x1b0: {  	[sflag:s16] =	ssyncset.done $0x0  }
0x1b1: {  	s6 =	rddreg [dreg:$0x16];
	[sflag:s16] =	ssyncadd.s32 $0xFFFFF380  }
0x1b2: {  	[hbm4b:s6+s13] =	stream.strided.scatter [tilespmem:s7], [sflag:$0x7], $0xC80, s14, s13, $0x38;
	[tilespmem:$0x13800] =	vst v63  }
0x1b3: {  	s7 =	rddreg [dreg:$0x17]  }
0x1b4: {  	[hbm4b:s7+s13] =	stream.strided.scatter [tilespmem:s8], [sflag:$0x7], $0xC80, s14, s13, $0x38;
	[tilespmem:$0x13800] =	vst v63  }
0x1b5: {  	s8 =	rddreg [dreg:$0x18]  }
0x1b6: {  	[hbm4b:s8+s13] =	stream.strided.scatter [tilespmem:s9], [sflag:$0x7], $0xC80, s14, s13, $0x38;
	[tilespmem:$0x13800] =	vst v63  }
0x1b7: {  	s23 =	rddreg [dreg:$0x19]  }
0x1b8: {  	[hbm4b:s23+s13] =	stream.strided.scatter [tilespmem:s10], [sflag:$0x7], $0xC80, s14, s13, $0x38;
	[tilespmem:$0x13800] =	vst v63  }
0x1b9: {  	_ =	swait.ge [sflag:s17], $0xC80  }
0x1ba: {  	[sflag:s17] =	ssyncset.done $0x0  }
0x1bb: {  	[sflag:s17] =	ssyncadd.s32 $0xFFFFF380  }
0x1bc: {  	_ =	swait.ge [sflag:s17], $0xC80  }
0x1bd: {  	[sflag:s17] =	ssyncset.done $0x0  }
0x1be: {  	[sflag:s17] =	ssyncadd.s32 $0xFFFFF380  }
0x1bf: {  	_ =	swait.ge [sflag:s17], $0xC80  }
0x1c0: {  	[sflag:s17] =	ssyncset.done $0x0  }
0x1c1: {  	[sflag:s17] =	ssyncadd.s32 $0xFFFFF380  }
0x1c2: {  	_ =	swait.ge [sflag:s17], $0xC80  }
0x1c3: {  	[sflag:s17] =	ssyncset.done $0x0  }
0x1c4: {  	s25 =	rddreg [dreg:$0x1a];
	[sflag:s17] =	ssyncadd.s32 $0xFFFFF380  }
0x1c5: {  	[hbm4b:s25+s13] =	stream.strided.scatter [tilespmem:s30], [sflag:$0x8], $0xC80, s14, s13, $0x38;
	[tilespmem:$0x13800] =	vst v63  }
0x1c6: {  	s26 =	rddreg [dreg:$0x1b]  }
0x1c7: {  	[hbm4b:s26+s13] =	stream.strided.scatter [tilespmem:s31], [sflag:$0x8], $0xC80, s14, s13, $0x38;
	[tilespmem:$0x13800] =	vst v63  }
0x1c8: {  	s28 =	rddreg [dreg:$0x1c]  }
0x1c9: {  	[hbm4b:s28+s13] =	stream.strided.scatter [tilespmem:s11], [sflag:$0x8], $0xC80, s14, s13, $0x38;
	[tilespmem:$0x13800] =	vst v63  }
0x1ca: {  	s29 =	rddreg [dreg:$0x1d]  }
0x1cb: {  	[hbm4b:s29+s13] =	stream.strided.scatter [tilespmem:s22], [sflag:$0x8], $0xC80, s14, s13, $0x38;
	[tilespmem:$0x13800] =	vst v63  }
0x1cc: {  	_ =	swait.ge [sflag:s18], $0xC80  }
0x1cd: {  	[sflag:s18] =	ssyncset.done $0x0  }
0x1ce: {  	[sflag:s18] =	ssyncadd.s32 $0xFFFFF380  }
0x1cf: {  	_ =	swait.ge [sflag:s18], $0xC80  }
0x1d0: {  	[sflag:s18] =	ssyncset.done $0x0  }
0x1d1: {  	[sflag:s18] =	ssyncadd.s32 $0xFFFFF380  }
0x1d2: {  	_ =	swait.ge [sflag:s18], $0xC80  }
0x1d3: {  	[sflag:s18] =	ssyncset.done $0x0  }
0x1d4: {  	[sflag:s18] =	ssyncadd.s32 $0xFFFFF380  }
0x1d5: {  	_ =	swait.ge [sflag:s18], $0xC80  }
0x1d6: {  	[sflag:s18] =	ssyncset.done $0x0  }
0x1d7: {  	[sflag:s18] =	ssyncadd.s32 $0xFFFFF380  }
0x1d8: {  	_ =	swait.ge [sflag:s19], $0xC80  }
0x1d9: {  	[sflag:s19] =	ssyncset.done $0x0  }
0x1da: {  	[sflag:s19] =	ssyncadd.s32 $0xFFFFF380  }
0x1db: {  	_ =	swait.ge [sflag:s19], $0xC80  }
0x1dc: {  	[sflag:s19] =	ssyncset.done $0x0  }
0x1dd: {  	[sflag:s19] =	ssyncadd.s32 $0xFFFFF380  }
0x1de: {  	_ =	swait.ge [sflag:s19], $0xC80  }
0x1df: {  	[sflag:s19] =	ssyncset.done $0x0  }
0x1e0: {  	[sflag:s19] =	ssyncadd.s32 $0xFFFFF380  }
0x1e1: {  	_ =	swait.ge [sflag:s19], $0xC80  }
0x1e2: {  	[sflag:s19] =	ssyncset.done $0x0  }
0x1e3: {  	[sflag:s19] =	ssyncadd.s32 $0xFFFFF380  }
0x1e4: {  	_ =	swait.ge [sflag:s20], $0xC80  }
0x1e5: {  	[sflag:s20] =	ssyncset.done $0x0  }
0x1e6: {  	[sflag:s20] =	ssyncadd.s32 $0xFFFFF380  }
0x1e7: {  	_ =	swait.ge [sflag:s20], $0xC80  }
0x1e8: {  	[sflag:s20] =	ssyncset.done $0x0  }
0x1e9: {  	[sflag:s20] =	ssyncadd.s32 $0xFFFFF380  }
0x1ea: {  	_ =	swait.ge [sflag:s20], $0xC80  }
0x1eb: {  	[sflag:s20] =	ssyncset.done $0x0  }
0x1ec: {  	[sflag:s20] =	ssyncadd.s32 $0xFFFFF380  }
0x1ed: {  	_ =	swait.ge [sflag:s20], $0xC80  }
0x1ee: {  	[sflag:s20] =	ssyncset.done $0x0  }
0x1ef: {  	[sflag:s20] =	ssyncadd.s32 $0xFFFFF380  }
0x1f0: {  	_ =	swait.ge [sflag:s21], $0xC80  }
0x1f1: {  	[sflag:s21] =	ssyncset.done $0x0  }
0x1f2: {  	[sflag:s21] =	ssyncadd.s32 $0xFFFFF380  }
0x1f3: {  	_ =	swait.ge [sflag:s21], $0xC80  }
0x1f4: {  	[sflag:s21] =	ssyncset.done $0x0  }
0x1f5: {  	[sflag:s21] =	ssyncadd.s32 $0xFFFFF380  }
0x1f6: {  	_ =	swait.ge [sflag:s21], $0xC80  }
0x1f7: {  	[sflag:s21] =	ssyncset.done $0x0  }
0x1f8: {  	[sflag:s21] =	ssyncadd.s32 $0xFFFFF380  }
0x1f9: {  	_ =	swait.ge [sflag:s21], $0xC80  }
0x1fa: {  	s30 =	rddreg [dreg:$0x1f]  }
0x1fb: {  	s31 =	rddreg [dreg:$0x1e];
	s0 =	sadd.s32 $0x1, s30  }
0x1fc: {  	p0 =	sne.s32 s0, s31  }
.Ltmp1:
0x1fd: {  	_ = 	snop;
	(pc) =	sbr.rel @p0 .LBB2_1-.Ltmp1, $3  }
0x1fe: {  	_ =	sdelay $0x1  }
0x1ff: {  	[sflag:s21] =	ssyncset.done $0x0  }
0x200: {  	[sflag:s21] =	ssyncadd.s32 $0xFFFFF380  }
0x201: {  	_ =	sfence.sel $0x180000  }
0x202: {  	[bflag:$0x0] =	sbarrier.arrive $0xFFFF  }
0x203: {  	_ =	strace $0x90000047  }
0x204: {  	s0 =	stileid.u32;
	[bflag:$0x2] =	sbarrier.arrive $0xFFFF  }
0x205: {  	p0 =	sne.s32 s0, $0x0;
	s0 =	rddreg [dreg:$0x1]  }
0x206: {  	s0 =	sadd.s32 @!p0 $0x100000, s0  }
0x207: {  	[sflag:s0] =	ssyncadd.tile.s32 @!p0 $0x1;
	_ =	shalt  }
.Lfunc_end2:
_tile_overlayer_lowered:
.L_overlay_start_2:
0x208: {  	(tag) =	ssettag $0x2  }
0x209: {  	s0 =	rddreg [dreg:$0x0];
	s2 =	stileid.u32  }
0x20a: {  	s1 =	rddreg [dreg:$0x1];
	p0 =	sne.s32 s2, $0x0  }
0x20b: {  	s3 =	rddreg [dreg:$0x2];
	[bflag:$0x3] =	sbarrier.arrive $0xFFFF;
	s2 =	simm.s32 @!p0 $0x1C09  }
0x20c: {  	[timem:s3], [sflag:s2] =	dma.local @!p0 [hbm:s0], s1  }
0x20d: {  	s0 =	simm.s32 @!p0 $0x9  }
0x20e: {  	_ =	swait.ge @!p0 [sflag:s0], s1  }
0x20f: {  	s1 =	ssub.s32 @!p0 $0x0, s1;
	[sflag:s0] =	ssyncset.done @!p0 $0x0  }
0x210: {  	[sflag:s0] =	ssyncadd.s32 @!p0 s1  }
0x211: {  	[bflag:$0x3] =	sbarrier.arrive $0xFFFF  }
0x212: {  	_ =	shalt  }

// kernel: sparse-core-data-format-call.cloned.1.call-start
scs
called_computation_lowered:
.L_overlay_start_0:
0x0: {  	s2 =	sld [smem:$0x3FD9]  }
0x1: {  	s3 =	sld [smem:$0x3FFE];
	_ =	sdelay $0x1  }
0x2: {  	s1 =	srdreg.scid  }
0x3: {  	s0 =	sand.u32 $0x1, s1  }
0x4: {  	s18 =	sshll.u32 s0, $0xA;
	s2 =	sadd.s32 s3, s2  }
0x5: {  	s2 =	sadd.s32 s2, s18  }
0x6: {  	[smem:$0x3FC6] =	sst s2  }
0x7: {  	_ = 	snop  }
0x8: {  	s2 =	sld [smem:$0x3FD0];
	(tm) =	ssettm $0x1  }
0x9: {  	s19 =	sld [smem:$0x3FFB];
	_ =	sdelay $0x3  }
0xa: {  	_ =	strace s19  }
0xb: {  	s3 =	sld [smem:$0x3FFC];
	_ =	sdelay $0x3  }
0xc: {  	_ =	strace s3  }
0xd: {  	s3 =	sld [smem:$0x3FFD];
	_ =	sdelay $0x3  }
0xe: {  	_ =	strace s3  }
0xf: {  	_ =	strace $0x8FFFFFFF  }
0x10: {  	s20 =	sld [smem:$0x3FDB];
	_ =	sdelay $0x1  }
0x11: {  	s4 =	simm.s32 $_scs_section_size  }
0x12: {  	s5 =	simm.s32 $_size__tile_overlayer_lowered;
	s6 =	simm.s32 $_tile_overlayer_lowered  }
0x13: {  	s23 =	simm.s32 $0x1BFF;
	s22 =	sshll.u32 s6, $0x1;
	s3 =	sadd.s32 s4, s20  }
0x14: {  	s7 =	simm.s32 $0x0;
	s21 =	sshll.u32 s5, $0x1;
	s5 =	sadd.s32 s22, s3  }
0x15: {  	[timem:s7], [sflag:s23] =	dma.local [hbm:s5], s21  }
0x16: {  	_ =	swait.ge [sflag:s23], s21  }
0x17: {  	s4 =	ssub.s32 $0x0, s21;
	[sflag:s23] =	ssyncset.done $0x0  }
0x18: {  	[sflag:s23] =	ssyncadd.s32 s4;
	_ =	sdelay $0x1  }
0x19: {  	s24 =	simm.s32 $0x1B8B  }
0x1a: {  	_ =	swait.ge [sflag:s24], $0x1  }
0x1b: {  	[sflag:s24] =	ssyncset.done $0x0  }
0x1c: {  	s26 =	simm.s32 $0x1B8E;
	s25 =	sld [smem:$0x3FFE];
	[sflag:s24] =	ssyncadd.s32 $0xFFFFFFFF  }
0x1d: {  	s27 =	simm.s32 $execute0_lowered;
	[smem:$0x3FD2] =	sst s26  }
0x1e: {  	s5 =	sshll.u32 s27, $0x1;
	_ =	strace $0x80000049;
	[dreg:$0x1] =	wrdreg $0xFFFFFFFF  }
0x1f: {  	s28 =	simm.s32 $_size_execute0_lowered;
	s3 =	sadd.s32 s3, s5;
	[dreg:$0x0] =	wrdreg $0x0  }
0x20: {  	s5 =	sshll.u32 s28, $0x1;
	[dreg:$0x2] =	wrdreg s3  }
0x21: {  	[dreg:$0x3] =	wrdreg s5  }
0x22: {  	[dreg:$0x4] =	wrdreg $0xC0  }
0x23: {  	_ =	task [dreg:s7], $0x5FFFF  }
0x24: {  	[dreg:$0x1] =	wrdreg $0xFFFFFFFF  }
0x25: {  	[dreg:$0x0] =	wrdreg $0x60  }
0x26: {  	[dreg:$0x2] =	wrdreg s25  }
0x27: {  	[dreg:$0x3] =	wrdreg s2  }
0x28: {  	[dreg:$0x4] =	wrdreg $0x9  }
0x29: {  	_ =	task.clear_ibuf [dreg:s7], $0x5FFFF;
	_ =	strace $0x90000049  }
0x2a: {  	s29 =	simm.s32 $0x9;
	_ =	strace $0x8000004B  }
0x2b: {  	_ =	swait.ge [sflag:s29], $0x1  }
0x2c: {  	[sflag:s29] =	ssyncadd.s32 $0xFFFFFFFF  }
0x2d: {  	_ =	strace $0x9000004B  }
0x2e: {  	_ =	sfence  }
0x2f: {  	s30 =	sld [smem:$0x0];
	_ =	sdelay $0x2  }
0x30: {  	s31 =	sshll.u32 s1, $0xD;
	s1 =	sshrl.u32 s1, $0x2  }
0x31: {  	s3 =	sand.u32 $0x4000, s31;
	s1 =	sadd.s32 s1, s30  }
0x32: {  	s0 =	sor.u32 s3, s0;
	s1 =	sshll.u32 s1, $0x11  }
0x33: {  	s0 =	sor.u32 s1, s0  }
0x34: {  	s0 =	sadd.s32 $0x8F2B, s0  }
0x35: {  	[sflag:s0] =	ssyncadd.remote.s32 $0x1  }
0x36: {  	_ =	sfence.sel $0xFFFF  }
0x37: {  	[dreg:$0x0] =	wrdreg $0xFFFFFFFF;
	(pc) =	sbr.abs _section_cstart, $3  }
0x38: {  	[dreg:$0x1] =	wrdreg $0xFFFFFFFF  }
0x39: {  	_ =	task.clear_ibuf [dreg:s7], $0x2FFFF;
	_ =	strace $0x9FFFFFFF  }
0x3a: {  	(tm) =	ssettm $0x7FFFFFFF  }
0x3b: {  	_ =	shalt  }
tec
execute0_lowered:
.L_overlay_start_1:
0x0: {  	(tag) =	ssettag $0x1  }
0x1: {  	s0 =	srdreg.scid  }
0x2: {  	s1 =	sshll.u32 s0, $0x4  }
0x3: {  	s0 =	stileid.u32;
	s1 =	sand.u32 $0x10, s1  }
0x4: {  	s1 =	sor.u32 s0, s1  }
0x5: {  	s6 =	rddreg [dreg:$0x0];
	s4 =	simm.s32 $0x1;
	s2 =	sshll.u32 s1, $0x7  }
0x6: {  	s7 =	simm.s32 $0x2;
	s12 =	simm.s32 $0x0;
	s1 =	ssub.s32 $0x4000, s2  }
0x7: {  	s8 =	simm.s32 $0x20000;
	s13 =	simm.s32 $0x0;
	s3 =	sand.u32 $0xF80, s1  }
0x8: {  	s9 =	simm.s32 $0x0;
	s5 =	sshrl.u32 s1, $0xC;
	p0 =	sne.s32 s3, $0x0  }
.Ltmp0:
0x9: {  	s1 =	rddreg [dreg:$0x2];
	s4 =	simm.s32 @!p0 $0x0;
	(pc) =	sbr.rel .LBB1_1-.Ltmp0, $4  }
0xa: {  	s11 =	simm.s32 $0x0;
	s3 =	rddreg [dreg:$0x1];
	s5 =	sadd.s32 s4, s5  }
0xb: {  	_ =	strace $0x8000004A;
	s4 =	simm.s32 $0x1;
	s5 =	smul.u32 $0x32, s5  }
0xc: {  	s6 =	sadd.s32 $0xDFE00, s6;
	s10 =	smov.u32 s2;
	[sflag:s4] =	ssyncpa.u1 $0x0  }
0xd: {  	p0 =	por $0x0, $0x0;
	[sflag:s7] =	ssyncpa.u1 $0x0;
	s7 =	sor.u32 $0x1, s5  }
.LBB1_4:
0xe: {  	s16 =	sshll.u32 s13, $0x3;
	s17 =	sand.u32 $0x78, s13  }
0xf: {  	s30 =	sand.u32 $0x1F800, s13;
	s12 =	sshll.u32 s12, $0x11;
	s16 =	sand.u32 $0x3C00, s16  }
0x10: {  	[tilespmem:s15+$0x810 ss:$0x81] =	vst.msk $0xffff, v2;
	s31 =	sand.u32 $0x7, s13;
	s16 =	sor.u32 s17, s16;
	s17 =	sadd.s32 s3, s30  }
0x11: {  	[tilespmem:s15+$0x1020 ss:$0x81] =	vst.msk $0xffff, v0;
	s13 =	sshll.u32 s31, $0x12;
	s12 =	sadd.s32 s12, s17;
	s16 =	sshrl.u32 s16, $0x3  }
0x12: {  	[tilespmem:s15+$0x0 ss:$0x81] =	vst.msk $0xffff, v1;
	s13 =	sor.u32 $0x400, s13;
	s12 =	sadd.s32 s16, s12  }
0x13: {  	[hbm4b:s12+s13] =	stream.strided.scatter [tilespmem:s14], [sflag:$0x2], $0x2000, s8, s13, $0x20;
	[tilespmem:$0x8080] =	vst v63  }
.LBB1_5:
0x14: {  	s14 =	sadd.s32 $0x1, s9  }
0x15: {  	s12 =	sadd.s32 $0x1000, s10;
	s16 =	smov.u32 s10;
	p2 =	sgt.s32 s14, $0x31  }
0x16: {  	s16 =	smov.u32 @p2 s12  }
0x17: {  	s14 =	simm.s32 @p2 $0x0;
	p2 =	sgt.s32 s16, $0x3FFF  }
0x18: {  	s16 =	smov.u32 @p2 s2;
	p2 =	sne.s32 s11, s7  }
.Ltmp1:
0x19: {  	p1 =	slt.u32 s11, $0x2;
	(pc) =	sbr.rel @!p2 .LBB1_6-.Ltmp1, $4  }
0x1a: {  	s15 =	simm.s32 @!p1 $0x2  }
0x1b: {  	s13 =	smov.u32 s10;
	p0 =	por !p0, !p0;
	_ =	swait.ge @!p1 [sflag:s15], $0x2000  }
0x1c: {  	s12 =	smov.u32 s9;
	[sflag:s15] =	ssyncset.done @!p1 $0x0;
	s9 =	smov.u32 s14  }
0x1d: {  	s11 =	sadd.s32 $0x1, s11;
	[sflag:s15] =	ssyncadd.s32 @!p1 $0xFFFFE000;
	s10 =	smov.u32 s16  }
.LBB1_1:
0x1e: {  	p1 =	sge.u32 s11, s5  }
0x1f: {  	s14 =	sand.u32 @!p1 $0x1FFFFFF, s9  }
0x20: {  	s15 =	smulhi.u32 @!p1 $0x4924925, s14;
	_ =	sdelay $0x1  }
0x21: {  	s15 =	smul.u32 @!p1 $0x38, s15  }
0x22: {  	s16 =	sxor.u32 @!p1 $0xFFFFFFFF, s11;
	s17 =	smul.u32 @!p1 $0x380, s10  }
0x23: {  	s31 =	sadd.s32 $0xFFFFFFFF, s11;
	s16 =	sshll.u32 @!p1 s16, $0xD;
	s14 =	ssub.s32 @!p1 s14, s15  }
0x24: {  	s15 =	sand.u32 @!p1 $0x2000, s16;
	s16 =	sadd.s32 @!p1 s6, s17;
	s14 =	sshll.u32 @!p1 s14, $0x4  }
0x25: {  	s17 =	simm.s32 @!p1 $0x1C00;
	s14 =	sadd.s32 @!p1 s14, s16;
	s16 =	simm.s32 @!p1 $0x40  }
0x26: {  	[tilespmem:s15], [sflag:$0x1] =	stream.strided.gather @!p1 [hbm4b:s14+s16], $0x2000, s17, s16, $0x38;
	[tilespmem:$0x8080] =	vst v63  }
0x27: {  	p1 =	sge.u32 s31, s5  }
.Ltmp2:
0x28: {  	_ = 	snop;
	(pc) =	sbr.rel @p1 .LBB1_5-.Ltmp2, $1  }
0x29: {  	_ =	sdelay $0x3  }
0x2a: {  	s14 =	simm.s32 $0x1  }
0x2b: {  	_ =	swait.ge [sflag:s4], $0x2000;
	s14 =	simm.s32 @!p0 $0x0  }
0x2c: {  	[sflag:s4] =	ssyncset.done $0x0;
	s15 =	sshll.u32 s14, $0xD  }
0x2d: {  	[sflag:s4] =	ssyncadd.s32 $0xFFFFE000;
	s18 =	sor.u32 $0x20, s15  }
0x2e: {  	s14 =	smul.u32 $0x8100, s14;
	v3 =	vld [tilespmem:s18+$0x10]  }
0x2f: {  	s30 =	sand.u32 $0x1, s11;
	v2 =	vld [tilespmem:s18+$0xFFFFFFF0]  }
0x30: {  	s15 =	smul.u32 $0x8100, s30;
	s14 =	sshrl.u32 s14, $0x2;
	v0 =	vld [tilespmem:s18+$0x0]  }
0x31: {  	v1 =	vld [tilespmem:s18+$0xFFFFFFE0];
	s16 =	sor.u32 $0x4000, s14  }
0x32: {  	s31 =	sshrl.u32 s15, $0x2;
	s15 =	sadd.s32 $0x0, s16  }
0x33: {  	s17 =	simm.s32 $0x4;
	s18 =	sadd.s32 $0x40, s18;
	s14 =	sor.u32 $0x4000, s31;
	[tilespmem:s15+$0x1830 ss:$0x81] =	vst.msk $0xffff, v3  }
.LBB1_3:
0x34: {  	v3 =	vld [tilespmem:s18+$0x10];
	p1 =	sne.s32 s17, $0x1FC;
	[tilespmem:s15+$0x810 ss:$0x81] =	vst.msk $0xffff, v2;
	s19 =	smov.u32 s17;
	s17 =	sadd.s32 $0x4, s17  }
.Ltmp3:
0x35: {  	v2 =	vld [tilespmem:s18+$0xFFFFFFF0];
	[tilespmem:s15+$0x1020 ss:$0x81] =	vst.msk $0xffff, v0;
	(pc) =	sbr.rel @p1 .LBB1_3-.Ltmp3, $4  }
0x36: {  	v0 =	vld [tilespmem:s18+$0x0];
	[tilespmem:s15+$0x0 ss:$0x81] =	vst.msk $0xffff, v1  }
0x37: {  	s15 =	sshra.s32 s19, $0x2;
	v1 =	vld [tilespmem:s18+$0xFFFFFFE0]  }
0x38: {  	s15 =	sadd.s32 s15, s16  }
0x39: {  	s18 =	sadd.s32 $0x40, s18;
	[tilespmem:s15+$0x1830 ss:$0x81] =	vst.msk $0xffff, v3  }
.Ltmp4:
0x3a: {  	_ = 	snop;
	(pc) =	sbr.rel .LBB1_4-.Ltmp4, $1  }
0x3b: {  	_ =	sdelay $0x3  }
.LBB1_6:
0x3c: {  	_ =	sfence.sel $0x180000  }
0x3d: {  	s2 =	simm.s32 $0x1;
	[bflag:$0x0] =	sbarrier.arrive $0xFFFF  }
0x3e: {  	s31 =	simm.s32 $0x2;
	[sflag:s2] =	ssyncpa.u1 $0x1  }
0x3f: {  	[sflag:s31] =	ssyncpa.u1 $0x1  }
0x40: {  	p0 =	sne.s32 s0, $0x0;
	_ =	strace $0x9000004A  }
0x41: {  	s0 =	sadd.s32 @!p0 $0x100000, s1;
	[bflag:$0x2] =	sbarrier.arrive $0xFFFF  }
0x42: {  	[sflag:s0] =	ssyncadd.tile.s32 @!p0 $0x1;
	_ =	shalt  }
.Lfunc_end1:
_tile_overlayer_lowered:
.L_overlay_start_2:
0x43: {  	(tag) =	ssettag $0x2  }
0x44: {  	s0 =	rddreg [dreg:$0x0];
	s2 =	stileid.u32  }
0x45: {  	s1 =	rddreg [dreg:$0x1];
	p0 =	sne.s32 s2, $0x0  }
0x46: {  	s3 =	rddreg [dreg:$0x2];
	[bflag:$0x3] =	sbarrier.arrive $0xFFFF;
	s2 =	simm.s32 @!p0 $0x1C01  }
0x47: {  	[timem:s3], [sflag:s2] =	dma.local @!p0 [hbm:s0], s1  }
0x48: {  	s0 =	simm.s32 @!p0 $0x1  }
0x49: {  	_ =	swait.ge @!p0 [sflag:s0], s1  }
0x4a: {  	s1 =	ssub.s32 @!p0 $0x0, s1;
	[sflag:s0] =	ssyncset.done @!p0 $0x0  }
0x4b: {  	[sflag:s0] =	ssyncadd.s32 @!p0 s1  }
0x4c: {  	[bflag:$0x3] =	sbarrier.arrive $0xFFFF  }
0x4d: {  	_ =	shalt  }

</sc_bundles>
